<compile_context>
chip_gen: v7x
topology: tpu7x:2x2x1
jax: 0.10.2.dev20260603
libtpu: 0.0.44.dev20260713+nightly
codegen_flags: <defaults>
</compile_context>

<pallas_src>
import functools

import jax
import jax.numpy as jnp
from jax import lax
from jax.experimental import pallas as pl
from jax.experimental.pallas import tpu as pltpu
from jax.experimental.pallas import tpu_sc as plsc

_L = 16
_CHUNK = 16


def _sc_body(T, D, NW, TPW, embeds_hbm, mask_hbm, images_hbm, out_hbm,
             mask_v, mpos_v, npos_v, sidx0_v, didx0_v, sidx1_v, didx1_v,
             s8_v, d8_v, s4_v, d4_v, s2_v, d2_v, s1_v, d1_v,
             buf0_v, buf1_v, buf8_v, buf4_v, buf2_v, buf1r_v,
             gsem0, ssem0, gsem1, ssem1, sem):
    c = lax.axis_index("c")
    s = lax.axis_index("s")
    nc = plsc.get_sparse_core_info().num_cores
    wid = s * nc + c
    base = wid * TPW
    n_vregs = TPW // _L
    iota = lax.iota(jnp.int32, _L)

    bufs = (buf0_v, buf1_v)
    sidxs = (sidx0_v, sidx1_v)
    didxs = (didx0_v, didx1_v)
    gsems = (gsem0, gsem1)
    ssems = (ssem0, ssem1)

    pltpu.sync_copy(mask_hbm, mask_v)

    vbase = wid * n_vregs

    def build(i, cnt):
        m = mask_v[pl.ds(base + i * _L, _L)]
        mb = m > 0
        incl = plsc.cumsum(m)
        loc = cnt + incl - m
        lt = i * _L + iota
        tok = base + lt
        plsc.store_scatter(mpos_v, [loc], tok, mask=mb)
        uloc = lt - loc
        plsc.store_scatter(npos_v, [uloc], tok, mask=jnp.logical_not(mb))
        return cnt + jnp.sum(m)

    nm = lax.fori_loop(0, n_vregs, build, jnp.int32(0))
    nu = TPW - nm

    def stream(pos_v, count, table, g1, use_rank, fuse_presum=False):
        k_full = count // _CHUNK
        n_total_vregs = T // _L
        per_iter = 64

        def outer(jj, acc):
            if fuse_presum:
                for u in range(per_iter):
                    kk = jj * per_iter + u
                    kkc = jnp.minimum(kk, n_total_vregs - 1)
                    m = mask_v[pl.ds(kkc * _L, _L)]
                    acc = acc + jnp.where(kk < vbase, m, 0)

            for b in range(2):
                j = jj * 2 + b
                rb = j * _CHUNK

                @pl.when(rb + _CHUNK <= count)
                def _():
                    @pl.when(j >= 2)
                    def _():
                        pltpu.make_async_copy(
                            bufs[b], out_hbm.at[didxs[b]], ssems[b]).wait()

                    dstv = pos_v[pl.ds(rb, _L)]
                    didxs[b][...] = dstv
                    sidxs[b][...] = jnp.where(use_rank, g1 + rb + iota,
                                              dstv)
                    pltpu.async_copy(table.at[sidxs[b]], bufs[b], gsems[b])

                bm = 1 - b

                @pl.when(jnp.logical_and(j >= 1, j - 1 < k_full))
                def _():
                    pltpu.make_async_copy(table.at[sidxs[bm]], bufs[bm],
                                          gsems[bm]).wait()
                    pltpu.async_copy(bufs[bm], out_hbm.at[didxs[bm]],
                                     ssems[bm])

            return acc

        acc0 = (jnp.zeros((_L,), jnp.int32) if fuse_presum
                else jnp.int32(0))
        acc = lax.fori_loop(0, TPW // _CHUNK // 2 + 1, outer, acc0)

        @pl.when(k_full >= 1)
        def _():
            pltpu.make_async_copy(bufs[0], out_hbm.at[didxs[0]],
                                  ssems[0]).wait()

        @pl.when(k_full >= 2)
        def _():
            pltpu.make_async_copy(bufs[1], out_hbm.at[didxs[1]],
                                  ssems[1]).wait()

        t = count % _CHUNK
        tb = count - t
        tbl = jnp.minimum(tb, TPW - _L)
        taild = pos_v[pl.ds(tbl, _L)]
        tails = jnp.where(use_rank, g1 + tb + iota, taild)

        def bit(width, sref, dref, buf, off):
            @pl.when((t & width) != 0)
            def _():
                lanes = jnp.logical_and(iota >= off, iota < off + width)
                plsc.store_scatter(sref, [iota - off], tails, mask=lanes)
                plsc.store_scatter(dref, [iota - off], taild, mask=lanes)
                pltpu.async_copy(table.at[sref], buf, sem).wait()
                pltpu.async_copy(buf, out_hbm.at[dref], sem).wait()

            return jnp.where((t & width) != 0, off + width, off)

        off = jnp.int32(0)
        off = bit(8, s8_v, d8_v, buf8_v, off)
        off = bit(4, s4_v, d4_v, buf4_v, off)
        off = bit(2, s2_v, d2_v, buf2_v, off)
        bit(1, s1_v, d1_v, buf1r_v, off)
        return acc

    accv = stream(npos_v, nu, embeds_hbm, 0, False, fuse_presum=True)
    g0 = jnp.sum(accv)
    stream(mpos_v, nm, images_hbm, g0, True)


@functools.partial(jax.jit, static_argnums=(3, 4))
def _scatter(embeds, mask_i32, images, T, D):
    info = plsc.get_sparse_core_info()
    NW = info.num_cores * info.num_subcores
    TPW = T // NW
    mesh = plsc.VectorSubcoreMesh(core_axis_name="c", subcore_axis_name="s")
    body = functools.partial(_sc_body, T, D, NW, TPW)
    return pl.kernel(
        body,
        out_type=jax.ShapeDtypeStruct((T, D), jnp.float32),
        mesh=mesh,
        scratch_types=[
            pltpu.VMEM((T,), jnp.int32),
            pltpu.VMEM((TPW,), jnp.int32),
            pltpu.VMEM((TPW,), jnp.int32),
            pltpu.VMEM((_L,), jnp.int32),
            pltpu.VMEM((_L,), jnp.int32),
            pltpu.VMEM((_L,), jnp.int32),
            pltpu.VMEM((_L,), jnp.int32),
            pltpu.VMEM((8,), jnp.int32),
            pltpu.VMEM((8,), jnp.int32),
            pltpu.VMEM((4,), jnp.int32),
            pltpu.VMEM((4,), jnp.int32),
            pltpu.VMEM((2,), jnp.int32),
            pltpu.VMEM((2,), jnp.int32),
            pltpu.VMEM((1,), jnp.int32),
            pltpu.VMEM((1,), jnp.int32),
            pltpu.VMEM((_CHUNK, D), jnp.float32),
            pltpu.VMEM((_CHUNK, D), jnp.float32),
            pltpu.VMEM((8, D), jnp.float32),
            pltpu.VMEM((4, D), jnp.float32),
            pltpu.VMEM((2, D), jnp.float32),
            pltpu.VMEM((1, D), jnp.float32),
            pltpu.SemaphoreType.DMA,
            pltpu.SemaphoreType.DMA,
            pltpu.SemaphoreType.DMA,
            pltpu.SemaphoreType.DMA,
            pltpu.SemaphoreType.DMA,
        ],
        compiler_params=pltpu.CompilerParams(needs_layout_passes=False),
    )(embeds, mask_i32, images)


def kernel(inputs_embeds, images_seq_mask, images_in_this_batch):
    B, S, D = inputs_embeds.shape
    T = B * S
    embeds = inputs_embeds.reshape(T, D)
    mask_i32 = images_seq_mask.reshape(T).astype(jnp.int32)
    out = _scatter(embeds, mask_i32, images_in_this_batch, T, D)
    return out.reshape(B, S, D)

# --- scband reference (transcript-rebuilt; emitter-appended) ---
"""Pipeline reference for scband-deepseek-ocr-image-token-scatter-block-25091198943419 (READ-ONLY COPY).

The authoritative reference and input builder live on the scoring server;
editing this copy changes nothing except your own understanding.
"""

import jax, jax.numpy as jnp
import numpy as np


def setup_inputs(seed: int = 0) -> dict:
    key = jax.random.key(seed)
    k1, k2, k3 = jax.random.split(key, 3)
    inputs_embeds = jax.random.normal(k1, (2, 8192, 2048), dtype=jnp.float32)
    images_seq_mask = jax.random.randint(k2, (2, 8192), 0, 2).astype(jnp.bool_)
    images_in_this_batch = jax.random.normal(k3, (16384, 2048), dtype=jnp.float32)
    return {
        "inputs_embeds": inputs_embeds,
        "images_seq_mask": images_seq_mask,
        "images_in_this_batch": images_in_this_batch,
    }


def reference(inputs_embeds, images_seq_mask, images_in_this_batch):
    # mask = images_seq_mask.unsqueeze(-1); broadcast against inputs_embeds
    mask = images_seq_mask[..., None]
    mask_broad = jnp.broadcast_to(mask, inputs_embeds.shape)
    data = inputs_embeds
    mask_flat = mask_broad.reshape(-1)
    data_flat = data.reshape(-1)
    source_flat = images_in_this_batch.reshape(-1)
    mask_i = mask_flat.astype(jnp.int32)
    source_idx = jnp.cumsum(mask_i, axis=0) - 1
    source_idx = jnp.clip(source_idx, 0, source_flat.shape[0] - 1)
    gathered = jnp.take(source_flat, source_idx, axis=0)
    result_flat = jnp.where(mask_flat, gathered, data_flat)
    return result_flat.reshape(inputs_embeds.shape)

if __name__ == "__main__":
    import jax
    _d = setup_inputs()
    print(jax.jit(kernel)(*tuple(_d.values())))

</pallas_src>

<mosaic_0001>
#map = affine_map<(d0, d1) -> (0, 0)>
#map1 = affine_map<(d0, d1) -> (0)>
module attributes {stable_mosaic.version = 14 : i64} {
  func.func @_sc_body(%arg0: i32, %arg1: i32, %arg2: memref<16384x2048xf32, #tpu.memory_space<hbm>>, %arg3: memref<16384xi32, #tpu.memory_space<hbm>>, %arg4: memref<16384x2048xf32, #tpu.memory_space<hbm>>, %arg5: memref<16384x2048xf32, #tpu.memory_space<hbm>>, %arg6: memref<16384xi32, #tpu.memory_space<vmem>>, %arg7: memref<512xi32, #tpu.memory_space<vmem>>, %arg8: memref<512xi32, #tpu.memory_space<vmem>>, %arg9: memref<16xi32, #tpu.memory_space<vmem>>, %arg10: memref<16xi32, #tpu.memory_space<vmem>>, %arg11: memref<16xi32, #tpu.memory_space<vmem>>, %arg12: memref<16xi32, #tpu.memory_space<vmem>>, %arg13: memref<8xi32, #tpu.memory_space<vmem>>, %arg14: memref<8xi32, #tpu.memory_space<vmem>>, %arg15: memref<4xi32, #tpu.memory_space<vmem>>, %arg16: memref<4xi32, #tpu.memory_space<vmem>>, %arg17: memref<2xi32, #tpu.memory_space<vmem>>, %arg18: memref<2xi32, #tpu.memory_space<vmem>>, %arg19: memref<1xi32, #tpu.memory_space<vmem>>, %arg20: memref<1xi32, #tpu.memory_space<vmem>>, %arg21: memref<16x2048xf32, #tpu.memory_space<vmem>>, %arg22: memref<16x2048xf32, #tpu.memory_space<vmem>>, %arg23: memref<8x2048xf32, #tpu.memory_space<vmem>>, %arg24: memref<4x2048xf32, #tpu.memory_space<vmem>>, %arg25: memref<2x2048xf32, #tpu.memory_space<vmem>>, %arg26: memref<1x2048xf32, #tpu.memory_space<vmem>>, %arg27: memref<!tpu.dma_semaphore, #tpu.memory_space<semaphore_mem>>, %arg28: memref<!tpu.dma_semaphore, #tpu.memory_space<semaphore_mem>>, %arg29: memref<!tpu.dma_semaphore, #tpu.memory_space<semaphore_mem>>, %arg30: memref<!tpu.dma_semaphore, #tpu.memory_space<semaphore_mem>>, %arg31: memref<!tpu.dma_semaphore, #tpu.memory_space<semaphore_mem>>) attributes {dimension_semantics = [#tpu.dimension_semantics<core_parallel>, #tpu.dimension_semantics<subcore_parallel>], iteration_bounds = array<i64: 2, 16>, scalar_prefetch = 0 : i64, scratch_operands = 26 : i64, tpu.core_type = #tpu.core_type<sc_vector_subcore>, window_params = [{transform_indices = #map}, {transform_indices = #map1}, {transform_indices = #map}, {transform_indices = #map}]} {
    %mul3A = arith.constant 2 : i32
    %mul3A_0 = arith.muli %arg1, %mul3A : i32
    %add3A = arith.addi %mul3A_0, %arg0 : i32
    %mul3A_1 = arith.constant 512 : i32
    %mul3A_2 = arith.muli %add3A, %mul3A_1 : i32
    %iota3A = tpu.iota {dimensions = array<i32: 0>} : vector<16xi32>
    "tpu.region"() ({
      %run_scoped3A = tpu.sem_alloc : memref<!tpu.dma_semaphore, #tpu.memory_space<semaphore_mem>>
      tpu.enqueue_dma source(%arg3 : memref<16384xi32, #tpu.memory_space<hbm>>) target(%arg6 : memref<16384xi32, #tpu.memory_space<vmem>>) target_semaphore(%run_scoped3A : memref<!tpu.dma_semaphore, #tpu.memory_space<semaphore_mem>>)
      tpu.wait_dma2 semaphore(%run_scoped3A : memref<!tpu.dma_semaphore, #tpu.memory_space<semaphore_mem>>) src(%arg3 : memref<16384xi32, #tpu.memory_space<hbm>>) dst(%arg6 : memref<16384xi32, #tpu.memory_space<vmem>>)
      tpu.yield
    }) : () -> ()
    %mul3A_3 = arith.constant 32 : i32
    %mul3A_4 = arith.muli %add3A, %mul3A_3 : i32
    %scan3A = arith.constant 0 : i32
    %scan3A_5 = arith.constant 0 : i32
    %scan3A_6 = arith.constant 32 : i32
    %scan3A_7 = arith.addi %scan3A_5, %scan3A_6 : i32
    %scan3A_8 = arith.constant 1 : i32
    %scan3A_9 = scf.for %scan3A_253 = %scan3A_5 to %scan3A_7 step %scan3A_8 iter_args(%scan3A_254 = %scan3A) -> (i32)  : i32 {
      %mul3A_255 = arith.constant 16 : i32
      %mul3A_256 = arith.muli %scan3A_253, %mul3A_255 : i32
      %add3A_257 = arith.addi %mul3A_2, %mul3A_256 : i32
      %get3A_258 = arith.index_cast %add3A_257 : i32 to index
      %get3A_259 = tpu.vector_load %arg6[%get3A_258] {strides = array<i32>} : memref<16384xi32, #tpu.memory_space<vmem>>, vector<16xi32>,
      %gt3A = arith.constant 0 : i32
      %gt3A_260 = vector.broadcast %gt3A : i32 to vector<16xi32>
      %gt3A_261 = arith.cmpi sgt, %get3A_259, %gt3A_260 : vector<16xi32>
      %broadcast_in_dim3A_262 = arith.constant true
      %broadcast_in_dim3A_263 = vector.broadcast %broadcast_in_dim3A_262 : i1 to vector<16xi1>
      %masked_cumsum3A = tpu.scan <sum>, %get3A_259 masked %broadcast_in_dim3A_263 : vector<16xi32>, vector<16xi1> -> vector<16xi32>
      %add3A_264 = vector.broadcast %scan3A_254 : i32 to vector<16xi32>
      %add3A_265 = arith.addi %add3A_264, %masked_cumsum3A : vector<16xi32>
      %sub3A_266 = arith.subi %add3A_265, %get3A_259 : vector<16xi32>
      %mul3A_267 = arith.constant 16 : i32
      %mul3A_268 = arith.muli %scan3A_253, %mul3A_267 : i32
      %add3A_269 = vector.broadcast %mul3A_268 : i32 to vector<16xi32>
      %add3A_270 = arith.addi %add3A_269, %iota3A : vector<16xi32>
      %add3A_271 = vector.broadcast %mul3A_2 : i32 to vector<16xi32>
      %add3A_272 = arith.addi %add3A_271, %add3A_270 : vector<16xi32>
      tpu.vector_store_idx %arg7[%sub3A_266], %add3A_272 masked %gt3A_261 : memref<512xi32, #tpu.memory_space<vmem>>[vector<16xi32>], vector<16xi32>, vector<16xi1>
      %sub3A_273 = arith.subi %add3A_270, %sub3A_266 : vector<16xi32>
      %not3A = arith.constant dense<true> : vector<16xi1>
      %not3A_274 = arith.xori %gt3A_261, %not3A : vector<16xi1>
      tpu.vector_store_idx %arg8[%sub3A_273], %add3A_272 masked %not3A_274 : memref<512xi32, #tpu.memory_space<vmem>>[vector<16xi32>], vector<16xi32>, vector<16xi1>
      %reduce_sum3A_275 = arith.constant true
      %reduce_sum3A_276 = vector.broadcast %reduce_sum3A_275 : i1 to vector<16xi1>
      %reduce_sum3A_277 = tpu.scan <sum>, %get3A_259 masked %reduce_sum3A_276 : vector<16xi32>, vector<16xi1> -> vector<16xi32>
      %reduce_sum3A_278 = vector.extract %reduce_sum3A_277[15] : i32 from vector<16xi32>
      %add3A_279 = arith.addi %scan3A_254, %reduce_sum3A_278 : i32
      scf.yield %add3A_279 : i32
    }
    %scan3A_10 = arith.constant 32 : i32
    %sub3A = arith.constant 512 : i32
    %sub3A_11 = arith.subi %sub3A, %scan3A_9 : i32
    %jit3A = arith.constant 16 : i32
    %div3A = arith.divsi %sub3A_11, %jit3A : i32
    %sign3A = arith.constant 0 : i32
    %sign3A_12 = arith.cmpi sgt, %sub3A_11, %sign3A : i32
    %sign3A_13 = arith.extui %sign3A_12 : i1 to i32
    %sign3A_14 = arith.constant 0 : i32
    %sign3A_15 = arith.cmpi slt, %sub3A_11, %sign3A_14 : i32
    %sign3A_16 = arith.extui %sign3A_15 : i1 to i32
    %sign3A_17 = arith.subi %sign3A_13, %sign3A_16 : i32
    %sign3A_18 = arith.constant 0 : i32
    %sign3A_19 = arith.cmpi sgt, %jit3A, %sign3A_18 : i32
    %sign3A_20 = arith.extui %sign3A_19 : i1 to i32
    %sign3A_21 = arith.constant 0 : i32
    %sign3A_22 = arith.cmpi slt, %jit3A, %sign3A_21 : i32
    %sign3A_23 = arith.extui %sign3A_22 : i1 to i32
    %sign3A_24 = arith.subi %sign3A_20, %sign3A_23 : i32
    %ne3A = arith.cmpi ne, %sign3A_17, %sign3A_24 : i32
    %rem3A = arith.remsi %sub3A_11, %jit3A : i32
    %ne3A_25 = arith.constant 0 : i32
    %ne3A_26 = arith.cmpi ne, %rem3A, %ne3A_25 : i32
    %and3A = arith.andi %ne3A, %ne3A_26 : i1
    %sub3A_27 = arith.constant 1 : i32
    %sub3A_28 = arith.subi %div3A, %sub3A_27 : i32
    %select_n3A = arith.select %and3A, %sub3A_28, %div3A : i32
    %broadcast_in_dim3A = arith.constant 0 : i32
    %broadcast_in_dim3A_29 = vector.broadcast %broadcast_in_dim3A : i32 to vector<16xi32>
    %scan3A_30 = arith.constant 0 : i32
    %scan3A_31 = arith.constant 17 : i32
    %scan3A_32 = arith.addi %scan3A_30, %scan3A_31 : i32
    %scan3A_33 = arith.constant 1 : i32
    %scan3A_34 = scf.for %scan3A_253 = %scan3A_30 to %scan3A_32 step %scan3A_33 iter_args(%scan3A_254 = %broadcast_in_dim3A_29) -> (vector<16xi32>)  : i32 {
      %mul3A_255 = arith.constant 64 : i32
      %mul3A_256 = arith.muli %scan3A_253, %mul3A_255 : i32
      %add3A_257 = arith.constant 0 : i32
      %add3A_258 = arith.addi %mul3A_256, %add3A_257 : i32
      %min3A_259 = arith.constant 1023 : i32
      %min3A_260 = arith.minsi %add3A_258, %min3A_259 : i32
      %mul3A_261 = arith.constant 16 : i32
      %mul3A_262 = arith.muli %min3A_260, %mul3A_261 : i32
      %get3A_263 = arith.index_cast %mul3A_262 : i32 to index
      %get3A_264 = tpu.vector_load %arg6[%get3A_263] {strides = array<i32>} : memref<16384xi32, #tpu.memory_space<vmem>>, vector<16xi32>,
      %lt3A_265 = arith.cmpi slt, %add3A_258, %mul3A_4 : i32
      %jit3A_266 = arith.constant 0 : i32
      %broadcast_in_dim3A_267 = vector.broadcast %jit3A_266 : i32 to vector<16xi32>
      %select_n3A_268 = arith.select %lt3A_265, %get3A_264, %broadcast_in_dim3A_267 : vector<16xi32>
      %add3A_269 = arith.addi %scan3A_254, %select_n3A_268 : vector<16xi32>
      %mul3A_270 = arith.constant 64 : i32
      %mul3A_271 = arith.muli %scan3A_253, %mul3A_270 : i32
      %add3A_272 = arith.constant 1 : i32
      %add3A_273 = arith.addi %mul3A_271, %add3A_272 : i32
      %min3A_274 = arith.constant 1023 : i32
      %min3A_275 = arith.minsi %add3A_273, %min3A_274 : i32
      %mul3A_276 = arith.constant 16 : i32
      %mul3A_277 = arith.muli %min3A_275, %mul3A_276 : i32
      %get3A_278 = arith.index_cast %mul3A_277 : i32 to index
      %get3A_279 = tpu.vector_load %arg6[%get3A_278] {strides = array<i32>} : memref<16384xi32, #tpu.memory_space<vmem>>, vector<16xi32>,
      %lt3A_280 = arith.cmpi slt, %add3A_273, %mul3A_4 : i32
      %jit3A_281 = arith.constant 0 : i32
      %broadcast_in_dim3A_282 = vector.broadcast %jit3A_281 : i32 to vector<16xi32>
      %select_n3A_283 = arith.select %lt3A_280, %get3A_279, %broadcast_in_dim3A_282 : vector<16xi32>
      %add3A_284 = arith.addi %add3A_269, %select_n3A_283 : vector<16xi32>
      %mul3A_285 = arith.constant 64 : i32
      %mul3A_286 = arith.muli %scan3A_253, %mul3A_285 : i32
      %add3A_287 = arith.constant 2 : i32
      %add3A_288 = arith.addi %mul3A_286, %add3A_287 : i32
      %min3A_289 = arith.constant 1023 : i32
      %min3A_290 = arith.minsi %add3A_288, %min3A_289 : i32
      %mul3A_291 = arith.constant 16 : i32
      %mul3A_292 = arith.muli %min3A_290, %mul3A_291 : i32
      %get3A_293 = arith.index_cast %mul3A_292 : i32 to index
      %get3A_294 = tpu.vector_load %arg6[%get3A_293] {strides = array<i32>} : memref<16384xi32, #tpu.memory_space<vmem>>, vector<16xi32>,
      %lt3A_295 = arith.cmpi slt, %add3A_288, %mul3A_4 : i32
      %jit3A_296 = arith.constant 0 : i32
      %broadcast_in_dim3A_297 = vector.broadcast %jit3A_296 : i32 to vector<16xi32>
      %select_n3A_298 = arith.select %lt3A_295, %get3A_294, %broadcast_in_dim3A_297 : vector<16xi32>
      %add3A_299 = arith.addi %add3A_284, %select_n3A_298 : vector<16xi32>
      %mul3A_300 = arith.constant 64 : i32
      %mul3A_301 = arith.muli %scan3A_253, %mul3A_300 : i32
      %add3A_302 = arith.constant 3 : i32
      %add3A_303 = arith.addi %mul3A_301, %add3A_302 : i32
      %min3A_304 = arith.constant 1023 : i32
      %min3A_305 = arith.minsi %add3A_303, %min3A_304 : i32
      %mul3A_306 = arith.constant 16 : i32
      %mul3A_307 = arith.muli %min3A_305, %mul3A_306 : i32
      %get3A_308 = arith.index_cast %mul3A_307 : i32 to index
      %get3A_309 = tpu.vector_load %arg6[%get3A_308] {strides = array<i32>} : memref<16384xi32, #tpu.memory_space<vmem>>, vector<16xi32>,
      %lt3A_310 = arith.cmpi slt, %add3A_303, %mul3A_4 : i32
      %jit3A_311 = arith.constant 0 : i32
      %broadcast_in_dim3A_312 = vector.broadcast %jit3A_311 : i32 to vector<16xi32>
      %select_n3A_313 = arith.select %lt3A_310, %get3A_309, %broadcast_in_dim3A_312 : vector<16xi32>
      %add3A_314 = arith.addi %add3A_299, %select_n3A_313 : vector<16xi32>
      %mul3A_315 = arith.constant 64 : i32
      %mul3A_316 = arith.muli %scan3A_253, %mul3A_315 : i32
      %add3A_317 = arith.constant 4 : i32
      %add3A_318 = arith.addi %mul3A_316, %add3A_317 : i32
      %min3A_319 = arith.constant 1023 : i32
      %min3A_320 = arith.minsi %add3A_318, %min3A_319 : i32
      %mul3A_321 = arith.constant 16 : i32
      %mul3A_322 = arith.muli %min3A_320, %mul3A_321 : i32
      %get3A_323 = arith.index_cast %mul3A_322 : i32 to index
      %get3A_324 = tpu.vector_load %arg6[%get3A_323] {strides = array<i32>} : memref<16384xi32, #tpu.memory_space<vmem>>, vector<16xi32>,
      %lt3A_325 = arith.cmpi slt, %add3A_318, %mul3A_4 : i32
      %jit3A_326 = arith.constant 0 : i32
      %broadcast_in_dim3A_327 = vector.broadcast %jit3A_326 : i32 to vector<16xi32>
      %select_n3A_328 = arith.select %lt3A_325, %get3A_324, %broadcast_in_dim3A_327 : vector<16xi32>
      %add3A_329 = arith.addi %add3A_314, %select_n3A_328 : vector<16xi32>
      %mul3A_330 = arith.constant 64 : i32
      %mul3A_331 = arith.muli %scan3A_253, %mul3A_330 : i32
      %add3A_332 = arith.constant 5 : i32
      %add3A_333 = arith.addi %mul3A_331, %add3A_332 : i32
      %min3A_334 = arith.constant 1023 : i32
      %min3A_335 = arith.minsi %add3A_333, %min3A_334 : i32
      %mul3A_336 = arith.constant 16 : i32
      %mul3A_337 = arith.muli %min3A_335, %mul3A_336 : i32
      %get3A_338 = arith.index_cast %mul3A_337 : i32 to index
      %get3A_339 = tpu.vector_load %arg6[%get3A_338] {strides = array<i32>} : memref<16384xi32, #tpu.memory_space<vmem>>, vector<16xi32>,
      %lt3A_340 = arith.cmpi slt, %add3A_333, %mul3A_4 : i32
      %jit3A_341 = arith.constant 0 : i32
      %broadcast_in_dim3A_342 = vector.broadcast %jit3A_341 : i32 to vector<16xi32>
      %select_n3A_343 = arith.select %lt3A_340, %get3A_339, %broadcast_in_dim3A_342 : vector<16xi32>
      %add3A_344 = arith.addi %add3A_329, %select_n3A_343 : vector<16xi32>
      %mul3A_345 = arith.constant 64 : i32
      %mul3A_346 = arith.muli %scan3A_253, %mul3A_345 : i32
      %add3A_347 = arith.constant 6 : i32
      %add3A_348 = arith.addi %mul3A_346, %add3A_347 : i32
      %min3A_349 = arith.constant 1023 : i32
      %min3A_350 = arith.minsi %add3A_348, %min3A_349 : i32
      %mul3A_351 = arith.constant 16 : i32
      %mul3A_352 = arith.muli %min3A_350, %mul3A_351 : i32
      %get3A_353 = arith.index_cast %mul3A_352 : i32 to index
      %get3A_354 = tpu.vector_load %arg6[%get3A_353] {strides = array<i32>} : memref<16384xi32, #tpu.memory_space<vmem>>, vector<16xi32>,
      %lt3A_355 = arith.cmpi slt, %add3A_348, %mul3A_4 : i32
      %jit3A_356 = arith.constant 0 : i32
      %broadcast_in_dim3A_357 = vector.broadcast %jit3A_356 : i32 to vector<16xi32>
      %select_n3A_358 = arith.select %lt3A_355, %get3A_354, %broadcast_in_dim3A_357 : vector<16xi32>
      %add3A_359 = arith.addi %add3A_344, %select_n3A_358 : vector<16xi32>
      %mul3A_360 = arith.constant 64 : i32
      %mul3A_361 = arith.muli %scan3A_253, %mul3A_360 : i32
      %add3A_362 = arith.constant 7 : i32
      %add3A_363 = arith.addi %mul3A_361, %add3A_362 : i32
      %min3A_364 = arith.constant 1023 : i32
      %min3A_365 = arith.minsi %add3A_363, %min3A_364 : i32
      %mul3A_366 = arith.constant 16 : i32
      %mul3A_367 = arith.muli %min3A_365, %mul3A_366 : i32
      %get3A_368 = arith.index_cast %mul3A_367 : i32 to index
      %get3A_369 = tpu.vector_load %arg6[%get3A_368] {strides = array<i32>} : memref<16384xi32, #tpu.memory_space<vmem>>, vector<16xi32>,
      %lt3A_370 = arith.cmpi slt, %add3A_363, %mul3A_4 : i32
      %jit3A_371 = arith.constant 0 : i32
      %broadcast_in_dim3A_372 = vector.broadcast %jit3A_371 : i32 to vector<16xi32>
      %select_n3A_373 = arith.select %lt3A_370, %get3A_369, %broadcast_in_dim3A_372 : vector<16xi32>
      %add3A_374 = arith.addi %add3A_359, %select_n3A_373 : vector<16xi32>
      %mul3A_375 = arith.constant 64 : i32
      %mul3A_376 = arith.muli %scan3A_253, %mul3A_375 : i32
      %add3A_377 = arith.constant 8 : i32
      %add3A_378 = arith.addi %mul3A_376, %add3A_377 : i32
      %min3A_379 = arith.constant 1023 : i32
      %min3A_380 = arith.minsi %add3A_378, %min3A_379 : i32
      %mul3A_381 = arith.constant 16 : i32
      %mul3A_382 = arith.muli %min3A_380, %mul3A_381 : i32
      %get3A_383 = arith.index_cast %mul3A_382 : i32 to index
      %get3A_384 = tpu.vector_load %arg6[%get3A_383] {strides = array<i32>} : memref<16384xi32, #tpu.memory_space<vmem>>, vector<16xi32>,
      %lt3A_385 = arith.cmpi slt, %add3A_378, %mul3A_4 : i32
      %jit3A_386 = arith.constant 0 : i32
      %broadcast_in_dim3A_387 = vector.broadcast %jit3A_386 : i32 to vector<16xi32>
      %select_n3A_388 = arith.select %lt3A_385, %get3A_384, %broadcast_in_dim3A_387 : vector<16xi32>
      %add3A_389 = arith.addi %add3A_374, %select_n3A_388 : vector<16xi32>
      %mul3A_390 = arith.constant 64 : i32
      %mul3A_391 = arith.muli %scan3A_253, %mul3A_390 : i32
      %add3A_392 = arith.constant 9 : i32
      %add3A_393 = arith.addi %mul3A_391, %add3A_392 : i32
      %min3A_394 = arith.constant 1023 : i32
      %min3A_395 = arith.minsi %add3A_393, %min3A_394 : i32
      %mul3A_396 = arith.constant 16 : i32
      %mul3A_397 = arith.muli %min3A_395, %mul3A_396 : i32
      %get3A_398 = arith.index_cast %mul3A_397 : i32 to index
      %get3A_399 = tpu.vector_load %arg6[%get3A_398] {strides = array<i32>} : memref<16384xi32, #tpu.memory_space<vmem>>, vector<16xi32>,
      %lt3A_400 = arith.cmpi slt, %add3A_393, %mul3A_4 : i32
      %jit3A_401 = arith.constant 0 : i32
      %broadcast_in_dim3A_402 = vector.broadcast %jit3A_401 : i32 to vector<16xi32>
      %select_n3A_403 = arith.select %lt3A_400, %get3A_399, %broadcast_in_dim3A_402 : vector<16xi32>
      %add3A_404 = arith.addi %add3A_389, %select_n3A_403 : vector<16xi32>
      %mul3A_405 = arith.constant 64 : i32
      %mul3A_406 = arith.muli %scan3A_253, %mul3A_405 : i32
      %add3A_407 = arith.constant 10 : i32
      %add3A_408 = arith.addi %mul3A_406, %add3A_407 : i32
      %min3A_409 = arith.constant 1023 : i32
      %min3A_410 = arith.minsi %add3A_408, %min3A_409 : i32
      %mul3A_411 = arith.constant 16 : i32
      %mul3A_412 = arith.muli %min3A_410, %mul3A_411 : i32
      %get3A_413 = arith.index_cast %mul3A_412 : i32 to index
      %get3A_414 = tpu.vector_load %arg6[%get3A_413] {strides = array<i32>} : memref<16384xi32, #tpu.memory_space<vmem>>, vector<16xi32>,
      %lt3A_415 = arith.cmpi slt, %add3A_408, %mul3A_4 : i32
      %jit3A_416 = arith.constant 0 : i32
      %broadcast_in_dim3A_417 = vector.broadcast %jit3A_416 : i32 to vector<16xi32>
      %select_n3A_418 = arith.select %lt3A_415, %get3A_414, %broadcast_in_dim3A_417 : vector<16xi32>
      %add3A_419 = arith.addi %add3A_404, %select_n3A_418 : vector<16xi32>
      %mul3A_420 = arith.constant 64 : i32
      %mul3A_421 = arith.muli %scan3A_253, %mul3A_420 : i32
      %add3A_422 = arith.constant 11 : i32
      %add3A_423 = arith.addi %mul3A_421, %add3A_422 : i32
      %min3A_424 = arith.constant 1023 : i32
      %min3A_425 = arith.minsi %add3A_423, %min3A_424 : i32
      %mul3A_426 = arith.constant 16 : i32
      %mul3A_427 = arith.muli %min3A_425, %mul3A_426 : i32
      %get3A_428 = arith.index_cast %mul3A_427 : i32 to index
      %get3A_429 = tpu.vector_load %arg6[%get3A_428] {strides = array<i32>} : memref<16384xi32, #tpu.memory_space<vmem>>, vector<16xi32>,
      %lt3A_430 = arith.cmpi slt, %add3A_423, %mul3A_4 : i32
      %jit3A_431 = arith.constant 0 : i32
      %broadcast_in_dim3A_432 = vector.broadcast %jit3A_431 : i32 to vector<16xi32>
      %select_n3A_433 = arith.select %lt3A_430, %get3A_429, %broadcast_in_dim3A_432 : vector<16xi32>
      %add3A_434 = arith.addi %add3A_419, %select_n3A_433 : vector<16xi32>
      %mul3A_435 = arith.constant 64 : i32
      %mul3A_436 = arith.muli %scan3A_253, %mul3A_435 : i32
      %add3A_437 = arith.constant 12 : i32
      %add3A_438 = arith.addi %mul3A_436, %add3A_437 : i32
      %min3A_439 = arith.constant 1023 : i32
      %min3A_440 = arith.minsi %add3A_438, %min3A_439 : i32
      %mul3A_441 = arith.constant 16 : i32
      %mul3A_442 = arith.muli %min3A_440, %mul3A_441 : i32
      %get3A_443 = arith.index_cast %mul3A_442 : i32 to index
      %get3A_444 = tpu.vector_load %arg6[%get3A_443] {strides = array<i32>} : memref<16384xi32, #tpu.memory_space<vmem>>, vector<16xi32>,
      %lt3A_445 = arith.cmpi slt, %add3A_438, %mul3A_4 : i32
      %jit3A_446 = arith.constant 0 : i32
      %broadcast_in_dim3A_447 = vector.broadcast %jit3A_446 : i32 to vector<16xi32>
      %select_n3A_448 = arith.select %lt3A_445, %get3A_444, %broadcast_in_dim3A_447 : vector<16xi32>
      %add3A_449 = arith.addi %add3A_434, %select_n3A_448 : vector<16xi32>
      %mul3A_450 = arith.constant 64 : i32
      %mul3A_451 = arith.muli %scan3A_253, %mul3A_450 : i32
      %add3A_452 = arith.constant 13 : i32
      %add3A_453 = arith.addi %mul3A_451, %add3A_452 : i32
      %min3A_454 = arith.constant 1023 : i32
      %min3A_455 = arith.minsi %add3A_453, %min3A_454 : i32
      %mul3A_456 = arith.constant 16 : i32
      %mul3A_457 = arith.muli %min3A_455, %mul3A_456 : i32
      %get3A_458 = arith.index_cast %mul3A_457 : i32 to index
      %get3A_459 = tpu.vector_load %arg6[%get3A_458] {strides = array<i32>} : memref<16384xi32, #tpu.memory_space<vmem>>, vector<16xi32>,
      %lt3A_460 = arith.cmpi slt, %add3A_453, %mul3A_4 : i32
      %jit3A_461 = arith.constant 0 : i32
      %broadcast_in_dim3A_462 = vector.broadcast %jit3A_461 : i32 to vector<16xi32>
      %select_n3A_463 = arith.select %lt3A_460, %get3A_459, %broadcast_in_dim3A_462 : vector<16xi32>
      %add3A_464 = arith.addi %add3A_449, %select_n3A_463 : vector<16xi32>
      %mul3A_465 = arith.constant 64 : i32
      %mul3A_466 = arith.muli %scan3A_253, %mul3A_465 : i32
      %add3A_467 = arith.constant 14 : i32
      %add3A_468 = arith.addi %mul3A_466, %add3A_467 : i32
      %min3A_469 = arith.constant 1023 : i32
      %min3A_470 = arith.minsi %add3A_468, %min3A_469 : i32
      %mul3A_471 = arith.constant 16 : i32
      %mul3A_472 = arith.muli %min3A_470, %mul3A_471 : i32
      %get3A_473 = arith.index_cast %mul3A_472 : i32 to index
      %get3A_474 = tpu.vector_load %arg6[%get3A_473] {strides = array<i32>} : memref<16384xi32, #tpu.memory_space<vmem>>, vector<16xi32>,
      %lt3A_475 = arith.cmpi slt, %add3A_468, %mul3A_4 : i32
      %jit3A_476 = arith.constant 0 : i32
      %broadcast_in_dim3A_477 = vector.broadcast %jit3A_476 : i32 to vector<16xi32>
      %select_n3A_478 = arith.select %lt3A_475, %get3A_474, %broadcast_in_dim3A_477 : vector<16xi32>
      %add3A_479 = arith.addi %add3A_464, %select_n3A_478 : vector<16xi32>
      %mul3A_480 = arith.constant 64 : i32
      %mul3A_481 = arith.muli %scan3A_253, %mul3A_480 : i32
      %add3A_482 = arith.constant 15 : i32
      %add3A_483 = arith.addi %mul3A_481, %add3A_482 : i32
      %min3A_484 = arith.constant 1023 : i32
      %min3A_485 = arith.minsi %add3A_483, %min3A_484 : i32
      %mul3A_486 = arith.constant 16 : i32
      %mul3A_487 = arith.muli %min3A_485, %mul3A_486 : i32
      %get3A_488 = arith.index_cast %mul3A_487 : i32 to index
      %get3A_489 = tpu.vector_load %arg6[%get3A_488] {strides = array<i32>} : memref<16384xi32, #tpu.memory_space<vmem>>, vector<16xi32>,
      %lt3A_490 = arith.cmpi slt, %add3A_483, %mul3A_4 : i32
      %jit3A_491 = arith.constant 0 : i32
      %broadcast_in_dim3A_492 = vector.broadcast %jit3A_491 : i32 to vector<16xi32>
      %select_n3A_493 = arith.select %lt3A_490, %get3A_489, %broadcast_in_dim3A_492 : vector<16xi32>
      %add3A_494 = arith.addi %add3A_479, %select_n3A_493 : vector<16xi32>
      %mul3A_495 = arith.constant 64 : i32
      %mul3A_496 = arith.muli %scan3A_253, %mul3A_495 : i32
      %add3A_497 = arith.constant 16 : i32
      %add3A_498 = arith.addi %mul3A_496, %add3A_497 : i32
      %min3A_499 = arith.constant 1023 : i32
      %min3A_500 = arith.minsi %add3A_498, %min3A_499 : i32
      %mul3A_501 = arith.constant 16 : i32
      %mul3A_502 = arith.muli %min3A_500, %mul3A_501 : i32
      %get3A_503 = arith.index_cast %mul3A_502 : i32 to index
      %get3A_504 = tpu.vector_load %arg6[%get3A_503] {strides = array<i32>} : memref<16384xi32, #tpu.memory_space<vmem>>, vector<16xi32>,
      %lt3A_505 = arith.cmpi slt, %add3A_498, %mul3A_4 : i32
      %jit3A_506 = arith.constant 0 : i32
      %broadcast_in_dim3A_507 = vector.broadcast %jit3A_506 : i32 to vector<16xi32>
      %select_n3A_508 = arith.select %lt3A_505, %get3A_504, %broadcast_in_dim3A_507 : vector<16xi32>
      %add3A_509 = arith.addi %add3A_494, %select_n3A_508 : vector<16xi32>
      %mul3A_510 = arith.constant 64 : i32
      %mul3A_511 = arith.muli %scan3A_253, %mul3A_510 : i32
      %add3A_512 = arith.constant 17 : i32
      %add3A_513 = arith.addi %mul3A_511, %add3A_512 : i32
      %min3A_514 = arith.constant 1023 : i32
      %min3A_515 = arith.minsi %add3A_513, %min3A_514 : i32
      %mul3A_516 = arith.constant 16 : i32
      %mul3A_517 = arith.muli %min3A_515, %mul3A_516 : i32
      %get3A_518 = arith.index_cast %mul3A_517 : i32 to index
      %get3A_519 = tpu.vector_load %arg6[%get3A_518] {strides = array<i32>} : memref<16384xi32, #tpu.memory_space<vmem>>, vector<16xi32>,
      %lt3A_520 = arith.cmpi slt, %add3A_513, %mul3A_4 : i32
      %jit3A_521 = arith.constant 0 : i32
      %broadcast_in_dim3A_522 = vector.broadcast %jit3A_521 : i32 to vector<16xi32>
      %select_n3A_523 = arith.select %lt3A_520, %get3A_519, %broadcast_in_dim3A_522 : vector<16xi32>
      %add3A_524 = arith.addi %add3A_509, %select_n3A_523 : vector<16xi32>
      %mul3A_525 = arith.constant 64 : i32
      %mul3A_526 = arith.muli %scan3A_253, %mul3A_525 : i32
      %add3A_527 = arith.constant 18 : i32
      %add3A_528 = arith.addi %mul3A_526, %add3A_527 : i32
      %min3A_529 = arith.constant 1023 : i32
      %min3A_530 = arith.minsi %add3A_528, %min3A_529 : i32
      %mul3A_531 = arith.constant 16 : i32
      %mul3A_532 = arith.muli %min3A_530, %mul3A_531 : i32
      %get3A_533 = arith.index_cast %mul3A_532 : i32 to index
      %get3A_534 = tpu.vector_load %arg6[%get3A_533] {strides = array<i32>} : memref<16384xi32, #tpu.memory_space<vmem>>, vector<16xi32>,
      %lt3A_535 = arith.cmpi slt, %add3A_528, %mul3A_4 : i32
      %jit3A_536 = arith.constant 0 : i32
      %broadcast_in_dim3A_537 = vector.broadcast %jit3A_536 : i32 to vector<16xi32>
      %select_n3A_538 = arith.select %lt3A_535, %get3A_534, %broadcast_in_dim3A_537 : vector<16xi32>
      %add3A_539 = arith.addi %add3A_524, %select_n3A_538 : vector<16xi32>
      %mul3A_540 = arith.constant 64 : i32
      %mul3A_541 = arith.muli %scan3A_253, %mul3A_540 : i32
      %add3A_542 = arith.constant 19 : i32
      %add3A_543 = arith.addi %mul3A_541, %add3A_542 : i32
      %min3A_544 = arith.constant 1023 : i32
      %min3A_545 = arith.minsi %add3A_543, %min3A_544 : i32
      %mul3A_546 = arith.constant 16 : i32
      %mul3A_547 = arith.muli %min3A_545, %mul3A_546 : i32
      %get3A_548 = arith.index_cast %mul3A_547 : i32 to index
      %get3A_549 = tpu.vector_load %arg6[%get3A_548] {strides = array<i32>} : memref<16384xi32, #tpu.memory_space<vmem>>, vector<16xi32>,
      %lt3A_550 = arith.cmpi slt, %add3A_543, %mul3A_4 : i32
      %jit3A_551 = arith.constant 0 : i32
      %broadcast_in_dim3A_552 = vector.broadcast %jit3A_551 : i32 to vector<16xi32>
      %select_n3A_553 = arith.select %lt3A_550, %get3A_549, %broadcast_in_dim3A_552 : vector<16xi32>
      %add3A_554 = arith.addi %add3A_539, %select_n3A_553 : vector<16xi32>
      %mul3A_555 = arith.constant 64 : i32
      %mul3A_556 = arith.muli %scan3A_253, %mul3A_555 : i32
      %add3A_557 = arith.constant 20 : i32
      %add3A_558 = arith.addi %mul3A_556, %add3A_557 : i32
      %min3A_559 = arith.constant 1023 : i32
      %min3A_560 = arith.minsi %add3A_558, %min3A_559 : i32
      %mul3A_561 = arith.constant 16 : i32
      %mul3A_562 = arith.muli %min3A_560, %mul3A_561 : i32
      %get3A_563 = arith.index_cast %mul3A_562 : i32 to index
      %get3A_564 = tpu.vector_load %arg6[%get3A_563] {strides = array<i32>} : memref<16384xi32, #tpu.memory_space<vmem>>, vector<16xi32>,
      %lt3A_565 = arith.cmpi slt, %add3A_558, %mul3A_4 : i32
      %jit3A_566 = arith.constant 0 : i32
      %broadcast_in_dim3A_567 = vector.broadcast %jit3A_566 : i32 to vector<16xi32>
      %select_n3A_568 = arith.select %lt3A_565, %get3A_564, %broadcast_in_dim3A_567 : vector<16xi32>
      %add3A_569 = arith.addi %add3A_554, %select_n3A_568 : vector<16xi32>
      %mul3A_570 = arith.constant 64 : i32
      %mul3A_571 = arith.muli %scan3A_253, %mul3A_570 : i32
      %add3A_572 = arith.constant 21 : i32
      %add3A_573 = arith.addi %mul3A_571, %add3A_572 : i32
      %min3A_574 = arith.constant 1023 : i32
      %min3A_575 = arith.minsi %add3A_573, %min3A_574 : i32
      %mul3A_576 = arith.constant 16 : i32
      %mul3A_577 = arith.muli %min3A_575, %mul3A_576 : i32
      %get3A_578 = arith.index_cast %mul3A_577 : i32 to index
      %get3A_579 = tpu.vector_load %arg6[%get3A_578] {strides = array<i32>} : memref<16384xi32, #tpu.memory_space<vmem>>, vector<16xi32>,
      %lt3A_580 = arith.cmpi slt, %add3A_573, %mul3A_4 : i32
      %jit3A_581 = arith.constant 0 : i32
      %broadcast_in_dim3A_582 = vector.broadcast %jit3A_581 : i32 to vector<16xi32>
      %select_n3A_583 = arith.select %lt3A_580, %get3A_579, %broadcast_in_dim3A_582 : vector<16xi32>
      %add3A_584 = arith.addi %add3A_569, %select_n3A_583 : vector<16xi32>
      %mul3A_585 = arith.constant 64 : i32
      %mul3A_586 = arith.muli %scan3A_253, %mul3A_585 : i32
      %add3A_587 = arith.constant 22 : i32
      %add3A_588 = arith.addi %mul3A_586, %add3A_587 : i32
      %min3A_589 = arith.constant 1023 : i32
      %min3A_590 = arith.minsi %add3A_588, %min3A_589 : i32
      %mul3A_591 = arith.constant 16 : i32
      %mul3A_592 = arith.muli %min3A_590, %mul3A_591 : i32
      %get3A_593 = arith.index_cast %mul3A_592 : i32 to index
      %get3A_594 = tpu.vector_load %arg6[%get3A_593] {strides = array<i32>} : memref<16384xi32, #tpu.memory_space<vmem>>, vector<16xi32>,
      %lt3A_595 = arith.cmpi slt, %add3A_588, %mul3A_4 : i32
      %jit3A_596 = arith.constant 0 : i32
      %broadcast_in_dim3A_597 = vector.broadcast %jit3A_596 : i32 to vector<16xi32>
      %select_n3A_598 = arith.select %lt3A_595, %get3A_594, %broadcast_in_dim3A_597 : vector<16xi32>
      %add3A_599 = arith.addi %add3A_584, %select_n3A_598 : vector<16xi32>
      %mul3A_600 = arith.constant 64 : i32
      %mul3A_601 = arith.muli %scan3A_253, %mul3A_600 : i32
      %add3A_602 = arith.constant 23 : i32
      %add3A_603 = arith.addi %mul3A_601, %add3A_602 : i32
      %min3A_604 = arith.constant 1023 : i32
      %min3A_605 = arith.minsi %add3A_603, %min3A_604 : i32
      %mul3A_606 = arith.constant 16 : i32
      %mul3A_607 = arith.muli %min3A_605, %mul3A_606 : i32
      %get3A_608 = arith.index_cast %mul3A_607 : i32 to index
      %get3A_609 = tpu.vector_load %arg6[%get3A_608] {strides = array<i32>} : memref<16384xi32, #tpu.memory_space<vmem>>, vector<16xi32>,
      %lt3A_610 = arith.cmpi slt, %add3A_603, %mul3A_4 : i32
      %jit3A_611 = arith.constant 0 : i32
      %broadcast_in_dim3A_612 = vector.broadcast %jit3A_611 : i32 to vector<16xi32>
      %select_n3A_613 = arith.select %lt3A_610, %get3A_609, %broadcast_in_dim3A_612 : vector<16xi32>
      %add3A_614 = arith.addi %add3A_599, %select_n3A_613 : vector<16xi32>
      %mul3A_615 = arith.constant 64 : i32
      %mul3A_616 = arith.muli %scan3A_253, %mul3A_615 : i32
      %add3A_617 = arith.constant 24 : i32
      %add3A_618 = arith.addi %mul3A_616, %add3A_617 : i32
      %min3A_619 = arith.constant 1023 : i32
      %min3A_620 = arith.minsi %add3A_618, %min3A_619 : i32
      %mul3A_621 = arith.constant 16 : i32
      %mul3A_622 = arith.muli %min3A_620, %mul3A_621 : i32
      %get3A_623 = arith.index_cast %mul3A_622 : i32 to index
      %get3A_624 = tpu.vector_load %arg6[%get3A_623] {strides = array<i32>} : memref<16384xi32, #tpu.memory_space<vmem>>, vector<16xi32>,
      %lt3A_625 = arith.cmpi slt, %add3A_618, %mul3A_4 : i32
      %jit3A_626 = arith.constant 0 : i32
      %broadcast_in_dim3A_627 = vector.broadcast %jit3A_626 : i32 to vector<16xi32>
      %select_n3A_628 = arith.select %lt3A_625, %get3A_624, %broadcast_in_dim3A_627 : vector<16xi32>
      %add3A_629 = arith.addi %add3A_614, %select_n3A_628 : vector<16xi32>
      %mul3A_630 = arith.constant 64 : i32
      %mul3A_631 = arith.muli %scan3A_253, %mul3A_630 : i32
      %add3A_632 = arith.constant 25 : i32
      %add3A_633 = arith.addi %mul3A_631, %add3A_632 : i32
      %min3A_634 = arith.constant 1023 : i32
      %min3A_635 = arith.minsi %add3A_633, %min3A_634 : i32
      %mul3A_636 = arith.constant 16 : i32
      %mul3A_637 = arith.muli %min3A_635, %mul3A_636 : i32
      %get3A_638 = arith.index_cast %mul3A_637 : i32 to index
      %get3A_639 = tpu.vector_load %arg6[%get3A_638] {strides = array<i32>} : memref<16384xi32, #tpu.memory_space<vmem>>, vector<16xi32>,
      %lt3A_640 = arith.cmpi slt, %add3A_633, %mul3A_4 : i32
      %jit3A_641 = arith.constant 0 : i32
      %broadcast_in_dim3A_642 = vector.broadcast %jit3A_641 : i32 to vector<16xi32>
      %select_n3A_643 = arith.select %lt3A_640, %get3A_639, %broadcast_in_dim3A_642 : vector<16xi32>
      %add3A_644 = arith.addi %add3A_629, %select_n3A_643 : vector<16xi32>
      %mul3A_645 = arith.constant 64 : i32
      %mul3A_646 = arith.muli %scan3A_253, %mul3A_645 : i32
      %add3A_647 = arith.constant 26 : i32
      %add3A_648 = arith.addi %mul3A_646, %add3A_647 : i32
      %min3A_649 = arith.constant 1023 : i32
      %min3A_650 = arith.minsi %add3A_648, %min3A_649 : i32
      %mul3A_651 = arith.constant 16 : i32
      %mul3A_652 = arith.muli %min3A_650, %mul3A_651 : i32
      %get3A_653 = arith.index_cast %mul3A_652 : i32 to index
      %get3A_654 = tpu.vector_load %arg6[%get3A_653] {strides = array<i32>} : memref<16384xi32, #tpu.memory_space<vmem>>, vector<16xi32>,
      %lt3A_655 = arith.cmpi slt, %add3A_648, %mul3A_4 : i32
      %jit3A_656 = arith.constant 0 : i32
      %broadcast_in_dim3A_657 = vector.broadcast %jit3A_656 : i32 to vector<16xi32>
      %select_n3A_658 = arith.select %lt3A_655, %get3A_654, %broadcast_in_dim3A_657 : vector<16xi32>
      %add3A_659 = arith.addi %add3A_644, %select_n3A_658 : vector<16xi32>
      %mul3A_660 = arith.constant 64 : i32
      %mul3A_661 = arith.muli %scan3A_253, %mul3A_660 : i32
      %add3A_662 = arith.constant 27 : i32
      %add3A_663 = arith.addi %mul3A_661, %add3A_662 : i32
      %min3A_664 = arith.constant 1023 : i32
      %min3A_665 = arith.minsi %add3A_663, %min3A_664 : i32
      %mul3A_666 = arith.constant 16 : i32
      %mul3A_667 = arith.muli %min3A_665, %mul3A_666 : i32
      %get3A_668 = arith.index_cast %mul3A_667 : i32 to index
      %get3A_669 = tpu.vector_load %arg6[%get3A_668] {strides = array<i32>} : memref<16384xi32, #tpu.memory_space<vmem>>, vector<16xi32>,
      %lt3A_670 = arith.cmpi slt, %add3A_663, %mul3A_4 : i32
      %jit3A_671 = arith.constant 0 : i32
      %broadcast_in_dim3A_672 = vector.broadcast %jit3A_671 : i32 to vector<16xi32>
      %select_n3A_673 = arith.select %lt3A_670, %get3A_669, %broadcast_in_dim3A_672 : vector<16xi32>
      %add3A_674 = arith.addi %add3A_659, %select_n3A_673 : vector<16xi32>
      %mul3A_675 = arith.constant 64 : i32
      %mul3A_676 = arith.muli %scan3A_253, %mul3A_675 : i32
      %add3A_677 = arith.constant 28 : i32
      %add3A_678 = arith.addi %mul3A_676, %add3A_677 : i32
      %min3A_679 = arith.constant 1023 : i32
      %min3A_680 = arith.minsi %add3A_678, %min3A_679 : i32
      %mul3A_681 = arith.constant 16 : i32
      %mul3A_682 = arith.muli %min3A_680, %mul3A_681 : i32
      %get3A_683 = arith.index_cast %mul3A_682 : i32 to index
      %get3A_684 = tpu.vector_load %arg6[%get3A_683] {strides = array<i32>} : memref<16384xi32, #tpu.memory_space<vmem>>, vector<16xi32>,
      %lt3A_685 = arith.cmpi slt, %add3A_678, %mul3A_4 : i32
      %jit3A_686 = arith.constant 0 : i32
      %broadcast_in_dim3A_687 = vector.broadcast %jit3A_686 : i32 to vector<16xi32>
      %select_n3A_688 = arith.select %lt3A_685, %get3A_684, %broadcast_in_dim3A_687 : vector<16xi32>
      %add3A_689 = arith.addi %add3A_674, %select_n3A_688 : vector<16xi32>
      %mul3A_690 = arith.constant 64 : i32
      %mul3A_691 = arith.muli %scan3A_253, %mul3A_690 : i32
      %add3A_692 = arith.constant 29 : i32
      %add3A_693 = arith.addi %mul3A_691, %add3A_692 : i32
      %min3A_694 = arith.constant 1023 : i32
      %min3A_695 = arith.minsi %add3A_693, %min3A_694 : i32
      %mul3A_696 = arith.constant 16 : i32
      %mul3A_697 = arith.muli %min3A_695, %mul3A_696 : i32
      %get3A_698 = arith.index_cast %mul3A_697 : i32 to index
      %get3A_699 = tpu.vector_load %arg6[%get3A_698] {strides = array<i32>} : memref<16384xi32, #tpu.memory_space<vmem>>, vector<16xi32>,
      %lt3A_700 = arith.cmpi slt, %add3A_693, %mul3A_4 : i32
      %jit3A_701 = arith.constant 0 : i32
      %broadcast_in_dim3A_702 = vector.broadcast %jit3A_701 : i32 to vector<16xi32>
      %select_n3A_703 = arith.select %lt3A_700, %get3A_699, %broadcast_in_dim3A_702 : vector<16xi32>
      %add3A_704 = arith.addi %add3A_689, %select_n3A_703 : vector<16xi32>
      %mul3A_705 = arith.constant 64 : i32
      %mul3A_706 = arith.muli %scan3A_253, %mul3A_705 : i32
      %add3A_707 = arith.constant 30 : i32
      %add3A_708 = arith.addi %mul3A_706, %add3A_707 : i32
      %min3A_709 = arith.constant 1023 : i32
      %min3A_710 = arith.minsi %add3A_708, %min3A_709 : i32
      %mul3A_711 = arith.constant 16 : i32
      %mul3A_712 = arith.muli %min3A_710, %mul3A_711 : i32
      %get3A_713 = arith.index_cast %mul3A_712 : i32 to index
      %get3A_714 = tpu.vector_load %arg6[%get3A_713] {strides = array<i32>} : memref<16384xi32, #tpu.memory_space<vmem>>, vector<16xi32>,
      %lt3A_715 = arith.cmpi slt, %add3A_708, %mul3A_4 : i32
      %jit3A_716 = arith.constant 0 : i32
      %broadcast_in_dim3A_717 = vector.broadcast %jit3A_716 : i32 to vector<16xi32>
      %select_n3A_718 = arith.select %lt3A_715, %get3A_714, %broadcast_in_dim3A_717 : vector<16xi32>
      %add3A_719 = arith.addi %add3A_704, %select_n3A_718 : vector<16xi32>
      %mul3A_720 = arith.constant 64 : i32
      %mul3A_721 = arith.muli %scan3A_253, %mul3A_720 : i32
      %add3A_722 = arith.constant 31 : i32
      %add3A_723 = arith.addi %mul3A_721, %add3A_722 : i32
      %min3A_724 = arith.constant 1023 : i32
      %min3A_725 = arith.minsi %add3A_723, %min3A_724 : i32
      %mul3A_726 = arith.constant 16 : i32
      %mul3A_727 = arith.muli %min3A_725, %mul3A_726 : i32
      %get3A_728 = arith.index_cast %mul3A_727 : i32 to index
      %get3A_729 = tpu.vector_load %arg6[%get3A_728] {strides = array<i32>} : memref<16384xi32, #tpu.memory_space<vmem>>, vector<16xi32>,
      %lt3A_730 = arith.cmpi slt, %add3A_723, %mul3A_4 : i32
      %jit3A_731 = arith.constant 0 : i32
      %broadcast_in_dim3A_732 = vector.broadcast %jit3A_731 : i32 to vector<16xi32>
      %select_n3A_733 = arith.select %lt3A_730, %get3A_729, %broadcast_in_dim3A_732 : vector<16xi32>
      %add3A_734 = arith.addi %add3A_719, %select_n3A_733 : vector<16xi32>
      %mul3A_735 = arith.constant 64 : i32
      %mul3A_736 = arith.muli %scan3A_253, %mul3A_735 : i32
      %add3A_737 = arith.constant 32 : i32
      %add3A_738 = arith.addi %mul3A_736, %add3A_737 : i32
      %min3A_739 = arith.constant 1023 : i32
      %min3A_740 = arith.minsi %add3A_738, %min3A_739 : i32
      %mul3A_741 = arith.constant 16 : i32
      %mul3A_742 = arith.muli %min3A_740, %mul3A_741 : i32
      %get3A_743 = arith.index_cast %mul3A_742 : i32 to index
      %get3A_744 = tpu.vector_load %arg6[%get3A_743] {strides = array<i32>} : memref<16384xi32, #tpu.memory_space<vmem>>, vector<16xi32>,
      %lt3A_745 = arith.cmpi slt, %add3A_738, %mul3A_4 : i32
      %jit3A_746 = arith.constant 0 : i32
      %broadcast_in_dim3A_747 = vector.broadcast %jit3A_746 : i32 to vector<16xi32>
      %select_n3A_748 = arith.select %lt3A_745, %get3A_744, %broadcast_in_dim3A_747 : vector<16xi32>
      %add3A_749 = arith.addi %add3A_734, %select_n3A_748 : vector<16xi32>
      %mul3A_750 = arith.constant 64 : i32
      %mul3A_751 = arith.muli %scan3A_253, %mul3A_750 : i32
      %add3A_752 = arith.constant 33 : i32
      %add3A_753 = arith.addi %mul3A_751, %add3A_752 : i32
      %min3A_754 = arith.constant 1023 : i32
      %min3A_755 = arith.minsi %add3A_753, %min3A_754 : i32
      %mul3A_756 = arith.constant 16 : i32
      %mul3A_757 = arith.muli %min3A_755, %mul3A_756 : i32
      %get3A_758 = arith.index_cast %mul3A_757 : i32 to index
      %get3A_759 = tpu.vector_load %arg6[%get3A_758] {strides = array<i32>} : memref<16384xi32, #tpu.memory_space<vmem>>, vector<16xi32>,
      %lt3A_760 = arith.cmpi slt, %add3A_753, %mul3A_4 : i32
      %jit3A_761 = arith.constant 0 : i32
      %broadcast_in_dim3A_762 = vector.broadcast %jit3A_761 : i32 to vector<16xi32>
      %select_n3A_763 = arith.select %lt3A_760, %get3A_759, %broadcast_in_dim3A_762 : vector<16xi32>
      %add3A_764 = arith.addi %add3A_749, %select_n3A_763 : vector<16xi32>
      %mul3A_765 = arith.constant 64 : i32
      %mul3A_766 = arith.muli %scan3A_253, %mul3A_765 : i32
      %add3A_767 = arith.constant 34 : i32
      %add3A_768 = arith.addi %mul3A_766, %add3A_767 : i32
      %min3A_769 = arith.constant 1023 : i32
      %min3A_770 = arith.minsi %add3A_768, %min3A_769 : i32
      %mul3A_771 = arith.constant 16 : i32
      %mul3A_772 = arith.muli %min3A_770, %mul3A_771 : i32
      %get3A_773 = arith.index_cast %mul3A_772 : i32 to index
      %get3A_774 = tpu.vector_load %arg6[%get3A_773] {strides = array<i32>} : memref<16384xi32, #tpu.memory_space<vmem>>, vector<16xi32>,
      %lt3A_775 = arith.cmpi slt, %add3A_768, %mul3A_4 : i32
      %jit3A_776 = arith.constant 0 : i32
      %broadcast_in_dim3A_777 = vector.broadcast %jit3A_776 : i32 to vector<16xi32>
      %select_n3A_778 = arith.select %lt3A_775, %get3A_774, %broadcast_in_dim3A_777 : vector<16xi32>
      %add3A_779 = arith.addi %add3A_764, %select_n3A_778 : vector<16xi32>
      %mul3A_780 = arith.constant 64 : i32
      %mul3A_781 = arith.muli %scan3A_253, %mul3A_780 : i32
      %add3A_782 = arith.constant 35 : i32
      %add3A_783 = arith.addi %mul3A_781, %add3A_782 : i32
      %min3A_784 = arith.constant 1023 : i32
      %min3A_785 = arith.minsi %add3A_783, %min3A_784 : i32
      %mul3A_786 = arith.constant 16 : i32
      %mul3A_787 = arith.muli %min3A_785, %mul3A_786 : i32
      %get3A_788 = arith.index_cast %mul3A_787 : i32 to index
      %get3A_789 = tpu.vector_load %arg6[%get3A_788] {strides = array<i32>} : memref<16384xi32, #tpu.memory_space<vmem>>, vector<16xi32>,
      %lt3A_790 = arith.cmpi slt, %add3A_783, %mul3A_4 : i32
      %jit3A_791 = arith.constant 0 : i32
      %broadcast_in_dim3A_792 = vector.broadcast %jit3A_791 : i32 to vector<16xi32>
      %select_n3A_793 = arith.select %lt3A_790, %get3A_789, %broadcast_in_dim3A_792 : vector<16xi32>
      %add3A_794 = arith.addi %add3A_779, %select_n3A_793 : vector<16xi32>
      %mul3A_795 = arith.constant 64 : i32
      %mul3A_796 = arith.muli %scan3A_253, %mul3A_795 : i32
      %add3A_797 = arith.constant 36 : i32
      %add3A_798 = arith.addi %mul3A_796, %add3A_797 : i32
      %min3A_799 = arith.constant 1023 : i32
      %min3A_800 = arith.minsi %add3A_798, %min3A_799 : i32
      %mul3A_801 = arith.constant 16 : i32
      %mul3A_802 = arith.muli %min3A_800, %mul3A_801 : i32
      %get3A_803 = arith.index_cast %mul3A_802 : i32 to index
      %get3A_804 = tpu.vector_load %arg6[%get3A_803] {strides = array<i32>} : memref<16384xi32, #tpu.memory_space<vmem>>, vector<16xi32>,
      %lt3A_805 = arith.cmpi slt, %add3A_798, %mul3A_4 : i32
      %jit3A_806 = arith.constant 0 : i32
      %broadcast_in_dim3A_807 = vector.broadcast %jit3A_806 : i32 to vector<16xi32>
      %select_n3A_808 = arith.select %lt3A_805, %get3A_804, %broadcast_in_dim3A_807 : vector<16xi32>
      %add3A_809 = arith.addi %add3A_794, %select_n3A_808 : vector<16xi32>
      %mul3A_810 = arith.constant 64 : i32
      %mul3A_811 = arith.muli %scan3A_253, %mul3A_810 : i32
      %add3A_812 = arith.constant 37 : i32
      %add3A_813 = arith.addi %mul3A_811, %add3A_812 : i32
      %min3A_814 = arith.constant 1023 : i32
      %min3A_815 = arith.minsi %add3A_813, %min3A_814 : i32
      %mul3A_816 = arith.constant 16 : i32
      %mul3A_817 = arith.muli %min3A_815, %mul3A_816 : i32
      %get3A_818 = arith.index_cast %mul3A_817 : i32 to index
      %get3A_819 = tpu.vector_load %arg6[%get3A_818] {strides = array<i32>} : memref<16384xi32, #tpu.memory_space<vmem>>, vector<16xi32>,
      %lt3A_820 = arith.cmpi slt, %add3A_813, %mul3A_4 : i32
      %jit3A_821 = arith.constant 0 : i32
      %broadcast_in_dim3A_822 = vector.broadcast %jit3A_821 : i32 to vector<16xi32>
      %select_n3A_823 = arith.select %lt3A_820, %get3A_819, %broadcast_in_dim3A_822 : vector<16xi32>
      %add3A_824 = arith.addi %add3A_809, %select_n3A_823 : vector<16xi32>
      %mul3A_825 = arith.constant 64 : i32
      %mul3A_826 = arith.muli %scan3A_253, %mul3A_825 : i32
      %add3A_827 = arith.constant 38 : i32
      %add3A_828 = arith.addi %mul3A_826, %add3A_827 : i32
      %min3A_829 = arith.constant 1023 : i32
      %min3A_830 = arith.minsi %add3A_828, %min3A_829 : i32
      %mul3A_831 = arith.constant 16 : i32
      %mul3A_832 = arith.muli %min3A_830, %mul3A_831 : i32
      %get3A_833 = arith.index_cast %mul3A_832 : i32 to index
      %get3A_834 = tpu.vector_load %arg6[%get3A_833] {strides = array<i32>} : memref<16384xi32, #tpu.memory_space<vmem>>, vector<16xi32>,
      %lt3A_835 = arith.cmpi slt, %add3A_828, %mul3A_4 : i32
      %jit3A_836 = arith.constant 0 : i32
      %broadcast_in_dim3A_837 = vector.broadcast %jit3A_836 : i32 to vector<16xi32>
      %select_n3A_838 = arith.select %lt3A_835, %get3A_834, %broadcast_in_dim3A_837 : vector<16xi32>
      %add3A_839 = arith.addi %add3A_824, %select_n3A_838 : vector<16xi32>
      %mul3A_840 = arith.constant 64 : i32
      %mul3A_841 = arith.muli %scan3A_253, %mul3A_840 : i32
      %add3A_842 = arith.constant 39 : i32
      %add3A_843 = arith.addi %mul3A_841, %add3A_842 : i32
      %min3A_844 = arith.constant 1023 : i32
      %min3A_845 = arith.minsi %add3A_843, %min3A_844 : i32
      %mul3A_846 = arith.constant 16 : i32
      %mul3A_847 = arith.muli %min3A_845, %mul3A_846 : i32
      %get3A_848 = arith.index_cast %mul3A_847 : i32 to index
      %get3A_849 = tpu.vector_load %arg6[%get3A_848] {strides = array<i32>} : memref<16384xi32, #tpu.memory_space<vmem>>, vector<16xi32>,
      %lt3A_850 = arith.cmpi slt, %add3A_843, %mul3A_4 : i32
      %jit3A_851 = arith.constant 0 : i32
      %broadcast_in_dim3A_852 = vector.broadcast %jit3A_851 : i32 to vector<16xi32>
      %select_n3A_853 = arith.select %lt3A_850, %get3A_849, %broadcast_in_dim3A_852 : vector<16xi32>
      %add3A_854 = arith.addi %add3A_839, %select_n3A_853 : vector<16xi32>
      %mul3A_855 = arith.constant 64 : i32
      %mul3A_856 = arith.muli %scan3A_253, %mul3A_855 : i32
      %add3A_857 = arith.constant 40 : i32
      %add3A_858 = arith.addi %mul3A_856, %add3A_857 : i32
      %min3A_859 = arith.constant 1023 : i32
      %min3A_860 = arith.minsi %add3A_858, %min3A_859 : i32
      %mul3A_861 = arith.constant 16 : i32
      %mul3A_862 = arith.muli %min3A_860, %mul3A_861 : i32
      %get3A_863 = arith.index_cast %mul3A_862 : i32 to index
      %get3A_864 = tpu.vector_load %arg6[%get3A_863] {strides = array<i32>} : memref<16384xi32, #tpu.memory_space<vmem>>, vector<16xi32>,
      %lt3A_865 = arith.cmpi slt, %add3A_858, %mul3A_4 : i32
      %jit3A_866 = arith.constant 0 : i32
      %broadcast_in_dim3A_867 = vector.broadcast %jit3A_866 : i32 to vector<16xi32>
      %select_n3A_868 = arith.select %lt3A_865, %get3A_864, %broadcast_in_dim3A_867 : vector<16xi32>
      %add3A_869 = arith.addi %add3A_854, %select_n3A_868 : vector<16xi32>
      %mul3A_870 = arith.constant 64 : i32
      %mul3A_871 = arith.muli %scan3A_253, %mul3A_870 : i32
      %add3A_872 = arith.constant 41 : i32
      %add3A_873 = arith.addi %mul3A_871, %add3A_872 : i32
      %min3A_874 = arith.constant 1023 : i32
      %min3A_875 = arith.minsi %add3A_873, %min3A_874 : i32
      %mul3A_876 = arith.constant 16 : i32
      %mul3A_877 = arith.muli %min3A_875, %mul3A_876 : i32
      %get3A_878 = arith.index_cast %mul3A_877 : i32 to index
      %get3A_879 = tpu.vector_load %arg6[%get3A_878] {strides = array<i32>} : memref<16384xi32, #tpu.memory_space<vmem>>, vector<16xi32>,
      %lt3A_880 = arith.cmpi slt, %add3A_873, %mul3A_4 : i32
      %jit3A_881 = arith.constant 0 : i32
      %broadcast_in_dim3A_882 = vector.broadcast %jit3A_881 : i32 to vector<16xi32>
      %select_n3A_883 = arith.select %lt3A_880, %get3A_879, %broadcast_in_dim3A_882 : vector<16xi32>
      %add3A_884 = arith.addi %add3A_869, %select_n3A_883 : vector<16xi32>
      %mul3A_885 = arith.constant 64 : i32
      %mul3A_886 = arith.muli %scan3A_253, %mul3A_885 : i32
      %add3A_887 = arith.constant 42 : i32
      %add3A_888 = arith.addi %mul3A_886, %add3A_887 : i32
      %min3A_889 = arith.constant 1023 : i32
      %min3A_890 = arith.minsi %add3A_888, %min3A_889 : i32
      %mul3A_891 = arith.constant 16 : i32
      %mul3A_892 = arith.muli %min3A_890, %mul3A_891 : i32
      %get3A_893 = arith.index_cast %mul3A_892 : i32 to index
      %get3A_894 = tpu.vector_load %arg6[%get3A_893] {strides = array<i32>} : memref<16384xi32, #tpu.memory_space<vmem>>, vector<16xi32>,
      %lt3A_895 = arith.cmpi slt, %add3A_888, %mul3A_4 : i32
      %jit3A_896 = arith.constant 0 : i32
      %broadcast_in_dim3A_897 = vector.broadcast %jit3A_896 : i32 to vector<16xi32>
      %select_n3A_898 = arith.select %lt3A_895, %get3A_894, %broadcast_in_dim3A_897 : vector<16xi32>
      %add3A_899 = arith.addi %add3A_884, %select_n3A_898 : vector<16xi32>
      %mul3A_900 = arith.constant 64 : i32
      %mul3A_901 = arith.muli %scan3A_253, %mul3A_900 : i32
      %add3A_902 = arith.constant 43 : i32
      %add3A_903 = arith.addi %mul3A_901, %add3A_902 : i32
      %min3A_904 = arith.constant 1023 : i32
      %min3A_905 = arith.minsi %add3A_903, %min3A_904 : i32
      %mul3A_906 = arith.constant 16 : i32
      %mul3A_907 = arith.muli %min3A_905, %mul3A_906 : i32
      %get3A_908 = arith.index_cast %mul3A_907 : i32 to index
      %get3A_909 = tpu.vector_load %arg6[%get3A_908] {strides = array<i32>} : memref<16384xi32, #tpu.memory_space<vmem>>, vector<16xi32>,
      %lt3A_910 = arith.cmpi slt, %add3A_903, %mul3A_4 : i32
      %jit3A_911 = arith.constant 0 : i32
      %broadcast_in_dim3A_912 = vector.broadcast %jit3A_911 : i32 to vector<16xi32>
      %select_n3A_913 = arith.select %lt3A_910, %get3A_909, %broadcast_in_dim3A_912 : vector<16xi32>
      %add3A_914 = arith.addi %add3A_899, %select_n3A_913 : vector<16xi32>
      %mul3A_915 = arith.constant 64 : i32
      %mul3A_916 = arith.muli %scan3A_253, %mul3A_915 : i32
      %add3A_917 = arith.constant 44 : i32
      %add3A_918 = arith.addi %mul3A_916, %add3A_917 : i32
      %min3A_919 = arith.constant 1023 : i32
      %min3A_920 = arith.minsi %add3A_918, %min3A_919 : i32
      %mul3A_921 = arith.constant 16 : i32
      %mul3A_922 = arith.muli %min3A_920, %mul3A_921 : i32
      %get3A_923 = arith.index_cast %mul3A_922 : i32 to index
      %get3A_924 = tpu.vector_load %arg6[%get3A_923] {strides = array<i32>} : memref<16384xi32, #tpu.memory_space<vmem>>, vector<16xi32>,
      %lt3A_925 = arith.cmpi slt, %add3A_918, %mul3A_4 : i32
      %jit3A_926 = arith.constant 0 : i32
      %broadcast_in_dim3A_927 = vector.broadcast %jit3A_926 : i32 to vector<16xi32>
      %select_n3A_928 = arith.select %lt3A_925, %get3A_924, %broadcast_in_dim3A_927 : vector<16xi32>
      %add3A_929 = arith.addi %add3A_914, %select_n3A_928 : vector<16xi32>
      %mul3A_930 = arith.constant 64 : i32
      %mul3A_931 = arith.muli %scan3A_253, %mul3A_930 : i32
      %add3A_932 = arith.constant 45 : i32
      %add3A_933 = arith.addi %mul3A_931, %add3A_932 : i32
      %min3A_934 = arith.constant 1023 : i32
      %min3A_935 = arith.minsi %add3A_933, %min3A_934 : i32
      %mul3A_936 = arith.constant 16 : i32
      %mul3A_937 = arith.muli %min3A_935, %mul3A_936 : i32
      %get3A_938 = arith.index_cast %mul3A_937 : i32 to index
      %get3A_939 = tpu.vector_load %arg6[%get3A_938] {strides = array<i32>} : memref<16384xi32, #tpu.memory_space<vmem>>, vector<16xi32>,
      %lt3A_940 = arith.cmpi slt, %add3A_933, %mul3A_4 : i32
      %jit3A_941 = arith.constant 0 : i32
      %broadcast_in_dim3A_942 = vector.broadcast %jit3A_941 : i32 to vector<16xi32>
      %select_n3A_943 = arith.select %lt3A_940, %get3A_939, %broadcast_in_dim3A_942 : vector<16xi32>
      %add3A_944 = arith.addi %add3A_929, %select_n3A_943 : vector<16xi32>
      %mul3A_945 = arith.constant 64 : i32
      %mul3A_946 = arith.muli %scan3A_253, %mul3A_945 : i32
      %add3A_947 = arith.constant 46 : i32
      %add3A_948 = arith.addi %mul3A_946, %add3A_947 : i32
      %min3A_949 = arith.constant 1023 : i32
      %min3A_950 = arith.minsi %add3A_948, %min3A_949 : i32
      %mul3A_951 = arith.constant 16 : i32
      %mul3A_952 = arith.muli %min3A_950, %mul3A_951 : i32
      %get3A_953 = arith.index_cast %mul3A_952 : i32 to index
      %get3A_954 = tpu.vector_load %arg6[%get3A_953] {strides = array<i32>} : memref<16384xi32, #tpu.memory_space<vmem>>, vector<16xi32>,
      %lt3A_955 = arith.cmpi slt, %add3A_948, %mul3A_4 : i32
      %jit3A_956 = arith.constant 0 : i32
      %broadcast_in_dim3A_957 = vector.broadcast %jit3A_956 : i32 to vector<16xi32>
      %select_n3A_958 = arith.select %lt3A_955, %get3A_954, %broadcast_in_dim3A_957 : vector<16xi32>
      %add3A_959 = arith.addi %add3A_944, %select_n3A_958 : vector<16xi32>
      %mul3A_960 = arith.constant 64 : i32
      %mul3A_961 = arith.muli %scan3A_253, %mul3A_960 : i32
      %add3A_962 = arith.constant 47 : i32
      %add3A_963 = arith.addi %mul3A_961, %add3A_962 : i32
      %min3A_964 = arith.constant 1023 : i32
      %min3A_965 = arith.minsi %add3A_963, %min3A_964 : i32
      %mul3A_966 = arith.constant 16 : i32
      %mul3A_967 = arith.muli %min3A_965, %mul3A_966 : i32
      %get3A_968 = arith.index_cast %mul3A_967 : i32 to index
      %get3A_969 = tpu.vector_load %arg6[%get3A_968] {strides = array<i32>} : memref<16384xi32, #tpu.memory_space<vmem>>, vector<16xi32>,
      %lt3A_970 = arith.cmpi slt, %add3A_963, %mul3A_4 : i32
      %jit3A_971 = arith.constant 0 : i32
      %broadcast_in_dim3A_972 = vector.broadcast %jit3A_971 : i32 to vector<16xi32>
      %select_n3A_973 = arith.select %lt3A_970, %get3A_969, %broadcast_in_dim3A_972 : vector<16xi32>
      %add3A_974 = arith.addi %add3A_959, %select_n3A_973 : vector<16xi32>
      %mul3A_975 = arith.constant 64 : i32
      %mul3A_976 = arith.muli %scan3A_253, %mul3A_975 : i32
      %add3A_977 = arith.constant 48 : i32
      %add3A_978 = arith.addi %mul3A_976, %add3A_977 : i32
      %min3A_979 = arith.constant 1023 : i32
      %min3A_980 = arith.minsi %add3A_978, %min3A_979 : i32
      %mul3A_981 = arith.constant 16 : i32
      %mul3A_982 = arith.muli %min3A_980, %mul3A_981 : i32
      %get3A_983 = arith.index_cast %mul3A_982 : i32 to index
      %get3A_984 = tpu.vector_load %arg6[%get3A_983] {strides = array<i32>} : memref<16384xi32, #tpu.memory_space<vmem>>, vector<16xi32>,
      %lt3A_985 = arith.cmpi slt, %add3A_978, %mul3A_4 : i32
      %jit3A_986 = arith.constant 0 : i32
      %broadcast_in_dim3A_987 = vector.broadcast %jit3A_986 : i32 to vector<16xi32>
      %select_n3A_988 = arith.select %lt3A_985, %get3A_984, %broadcast_in_dim3A_987 : vector<16xi32>
      %add3A_989 = arith.addi %add3A_974, %select_n3A_988 : vector<16xi32>
      %mul3A_990 = arith.constant 64 : i32
      %mul3A_991 = arith.muli %scan3A_253, %mul3A_990 : i32
      %add3A_992 = arith.constant 49 : i32
      %add3A_993 = arith.addi %mul3A_991, %add3A_992 : i32
      %min3A_994 = arith.constant 1023 : i32
      %min3A_995 = arith.minsi %add3A_993, %min3A_994 : i32
      %mul3A_996 = arith.constant 16 : i32
      %mul3A_997 = arith.muli %min3A_995, %mul3A_996 : i32
      %get3A_998 = arith.index_cast %mul3A_997 : i32 to index
      %get3A_999 = tpu.vector_load %arg6[%get3A_998] {strides = array<i32>} : memref<16384xi32, #tpu.memory_space<vmem>>, vector<16xi32>,
      %lt3A_1000 = arith.cmpi slt, %add3A_993, %mul3A_4 : i32
      %jit3A_1001 = arith.constant 0 : i32
      %broadcast_in_dim3A_1002 = vector.broadcast %jit3A_1001 : i32 to vector<16xi32>
      %select_n3A_1003 = arith.select %lt3A_1000, %get3A_999, %broadcast_in_dim3A_1002 : vector<16xi32>
      %add3A_1004 = arith.addi %add3A_989, %select_n3A_1003 : vector<16xi32>
      %mul3A_1005 = arith.constant 64 : i32
      %mul3A_1006 = arith.muli %scan3A_253, %mul3A_1005 : i32
      %add3A_1007 = arith.constant 50 : i32
      %add3A_1008 = arith.addi %mul3A_1006, %add3A_1007 : i32
      %min3A_1009 = arith.constant 1023 : i32
      %min3A_1010 = arith.minsi %add3A_1008, %min3A_1009 : i32
      %mul3A_1011 = arith.constant 16 : i32
      %mul3A_1012 = arith.muli %min3A_1010, %mul3A_1011 : i32
      %get3A_1013 = arith.index_cast %mul3A_1012 : i32 to index
      %get3A_1014 = tpu.vector_load %arg6[%get3A_1013] {strides = array<i32>} : memref<16384xi32, #tpu.memory_space<vmem>>, vector<16xi32>,
      %lt3A_1015 = arith.cmpi slt, %add3A_1008, %mul3A_4 : i32
      %jit3A_1016 = arith.constant 0 : i32
      %broadcast_in_dim3A_1017 = vector.broadcast %jit3A_1016 : i32 to vector<16xi32>
      %select_n3A_1018 = arith.select %lt3A_1015, %get3A_1014, %broadcast_in_dim3A_1017 : vector<16xi32>
      %add3A_1019 = arith.addi %add3A_1004, %select_n3A_1018 : vector<16xi32>
      %mul3A_1020 = arith.constant 64 : i32
      %mul3A_1021 = arith.muli %scan3A_253, %mul3A_1020 : i32
      %add3A_1022 = arith.constant 51 : i32
      %add3A_1023 = arith.addi %mul3A_1021, %add3A_1022 : i32
      %min3A_1024 = arith.constant 1023 : i32
      %min3A_1025 = arith.minsi %add3A_1023, %min3A_1024 : i32
      %mul3A_1026 = arith.constant 16 : i32
      %mul3A_1027 = arith.muli %min3A_1025, %mul3A_1026 : i32
      %get3A_1028 = arith.index_cast %mul3A_1027 : i32 to index
      %get3A_1029 = tpu.vector_load %arg6[%get3A_1028] {strides = array<i32>} : memref<16384xi32, #tpu.memory_space<vmem>>, vector<16xi32>,
      %lt3A_1030 = arith.cmpi slt, %add3A_1023, %mul3A_4 : i32
      %jit3A_1031 = arith.constant 0 : i32
      %broadcast_in_dim3A_1032 = vector.broadcast %jit3A_1031 : i32 to vector<16xi32>
      %select_n3A_1033 = arith.select %lt3A_1030, %get3A_1029, %broadcast_in_dim3A_1032 : vector<16xi32>
      %add3A_1034 = arith.addi %add3A_1019, %select_n3A_1033 : vector<16xi32>
      %mul3A_1035 = arith.constant 64 : i32
      %mul3A_1036 = arith.muli %scan3A_253, %mul3A_1035 : i32
      %add3A_1037 = arith.constant 52 : i32
      %add3A_1038 = arith.addi %mul3A_1036, %add3A_1037 : i32
      %min3A_1039 = arith.constant 1023 : i32
      %min3A_1040 = arith.minsi %add3A_1038, %min3A_1039 : i32
      %mul3A_1041 = arith.constant 16 : i32
      %mul3A_1042 = arith.muli %min3A_1040, %mul3A_1041 : i32
      %get3A_1043 = arith.index_cast %mul3A_1042 : i32 to index
      %get3A_1044 = tpu.vector_load %arg6[%get3A_1043] {strides = array<i32>} : memref<16384xi32, #tpu.memory_space<vmem>>, vector<16xi32>,
      %lt3A_1045 = arith.cmpi slt, %add3A_1038, %mul3A_4 : i32
      %jit3A_1046 = arith.constant 0 : i32
      %broadcast_in_dim3A_1047 = vector.broadcast %jit3A_1046 : i32 to vector<16xi32>
      %select_n3A_1048 = arith.select %lt3A_1045, %get3A_1044, %broadcast_in_dim3A_1047 : vector<16xi32>
      %add3A_1049 = arith.addi %add3A_1034, %select_n3A_1048 : vector<16xi32>
      %mul3A_1050 = arith.constant 64 : i32
      %mul3A_1051 = arith.muli %scan3A_253, %mul3A_1050 : i32
      %add3A_1052 = arith.constant 53 : i32
      %add3A_1053 = arith.addi %mul3A_1051, %add3A_1052 : i32
      %min3A_1054 = arith.constant 1023 : i32
      %min3A_1055 = arith.minsi %add3A_1053, %min3A_1054 : i32
      %mul3A_1056 = arith.constant 16 : i32
      %mul3A_1057 = arith.muli %min3A_1055, %mul3A_1056 : i32
      %get3A_1058 = arith.index_cast %mul3A_1057 : i32 to index
      %get3A_1059 = tpu.vector_load %arg6[%get3A_1058] {strides = array<i32>} : memref<16384xi32, #tpu.memory_space<vmem>>, vector<16xi32>,
      %lt3A_1060 = arith.cmpi slt, %add3A_1053, %mul3A_4 : i32
      %jit3A_1061 = arith.constant 0 : i32
      %broadcast_in_dim3A_1062 = vector.broadcast %jit3A_1061 : i32 to vector<16xi32>
      %select_n3A_1063 = arith.select %lt3A_1060, %get3A_1059, %broadcast_in_dim3A_1062 : vector<16xi32>
      %add3A_1064 = arith.addi %add3A_1049, %select_n3A_1063 : vector<16xi32>
      %mul3A_1065 = arith.constant 64 : i32
      %mul3A_1066 = arith.muli %scan3A_253, %mul3A_1065 : i32
      %add3A_1067 = arith.constant 54 : i32
      %add3A_1068 = arith.addi %mul3A_1066, %add3A_1067 : i32
      %min3A_1069 = arith.constant 1023 : i32
      %min3A_1070 = arith.minsi %add3A_1068, %min3A_1069 : i32
      %mul3A_1071 = arith.constant 16 : i32
      %mul3A_1072 = arith.muli %min3A_1070, %mul3A_1071 : i32
      %get3A_1073 = arith.index_cast %mul3A_1072 : i32 to index
      %get3A_1074 = tpu.vector_load %arg6[%get3A_1073] {strides = array<i32>} : memref<16384xi32, #tpu.memory_space<vmem>>, vector<16xi32>,
      %lt3A_1075 = arith.cmpi slt, %add3A_1068, %mul3A_4 : i32
      %jit3A_1076 = arith.constant 0 : i32
      %broadcast_in_dim3A_1077 = vector.broadcast %jit3A_1076 : i32 to vector<16xi32>
      %select_n3A_1078 = arith.select %lt3A_1075, %get3A_1074, %broadcast_in_dim3A_1077 : vector<16xi32>
      %add3A_1079 = arith.addi %add3A_1064, %select_n3A_1078 : vector<16xi32>
      %mul3A_1080 = arith.constant 64 : i32
      %mul3A_1081 = arith.muli %scan3A_253, %mul3A_1080 : i32
      %add3A_1082 = arith.constant 55 : i32
      %add3A_1083 = arith.addi %mul3A_1081, %add3A_1082 : i32
      %min3A_1084 = arith.constant 1023 : i32
      %min3A_1085 = arith.minsi %add3A_1083, %min3A_1084 : i32
      %mul3A_1086 = arith.constant 16 : i32
      %mul3A_1087 = arith.muli %min3A_1085, %mul3A_1086 : i32
      %get3A_1088 = arith.index_cast %mul3A_1087 : i32 to index
      %get3A_1089 = tpu.vector_load %arg6[%get3A_1088] {strides = array<i32>} : memref<16384xi32, #tpu.memory_space<vmem>>, vector<16xi32>,
      %lt3A_1090 = arith.cmpi slt, %add3A_1083, %mul3A_4 : i32
      %jit3A_1091 = arith.constant 0 : i32
      %broadcast_in_dim3A_1092 = vector.broadcast %jit3A_1091 : i32 to vector<16xi32>
      %select_n3A_1093 = arith.select %lt3A_1090, %get3A_1089, %broadcast_in_dim3A_1092 : vector<16xi32>
      %add3A_1094 = arith.addi %add3A_1079, %select_n3A_1093 : vector<16xi32>
      %mul3A_1095 = arith.constant 64 : i32
      %mul3A_1096 = arith.muli %scan3A_253, %mul3A_1095 : i32
      %add3A_1097 = arith.constant 56 : i32
      %add3A_1098 = arith.addi %mul3A_1096, %add3A_1097 : i32
      %min3A_1099 = arith.constant 1023 : i32
      %min3A_1100 = arith.minsi %add3A_1098, %min3A_1099 : i32
      %mul3A_1101 = arith.constant 16 : i32
      %mul3A_1102 = arith.muli %min3A_1100, %mul3A_1101 : i32
      %get3A_1103 = arith.index_cast %mul3A_1102 : i32 to index
      %get3A_1104 = tpu.vector_load %arg6[%get3A_1103] {strides = array<i32>} : memref<16384xi32, #tpu.memory_space<vmem>>, vector<16xi32>,
      %lt3A_1105 = arith.cmpi slt, %add3A_1098, %mul3A_4 : i32
      %jit3A_1106 = arith.constant 0 : i32
      %broadcast_in_dim3A_1107 = vector.broadcast %jit3A_1106 : i32 to vector<16xi32>
      %select_n3A_1108 = arith.select %lt3A_1105, %get3A_1104, %broadcast_in_dim3A_1107 : vector<16xi32>
      %add3A_1109 = arith.addi %add3A_1094, %select_n3A_1108 : vector<16xi32>
      %mul3A_1110 = arith.constant 64 : i32
      %mul3A_1111 = arith.muli %scan3A_253, %mul3A_1110 : i32
      %add3A_1112 = arith.constant 57 : i32
      %add3A_1113 = arith.addi %mul3A_1111, %add3A_1112 : i32
      %min3A_1114 = arith.constant 1023 : i32
      %min3A_1115 = arith.minsi %add3A_1113, %min3A_1114 : i32
      %mul3A_1116 = arith.constant 16 : i32
      %mul3A_1117 = arith.muli %min3A_1115, %mul3A_1116 : i32
      %get3A_1118 = arith.index_cast %mul3A_1117 : i32 to index
      %get3A_1119 = tpu.vector_load %arg6[%get3A_1118] {strides = array<i32>} : memref<16384xi32, #tpu.memory_space<vmem>>, vector<16xi32>,
      %lt3A_1120 = arith.cmpi slt, %add3A_1113, %mul3A_4 : i32
      %jit3A_1121 = arith.constant 0 : i32
      %broadcast_in_dim3A_1122 = vector.broadcast %jit3A_1121 : i32 to vector<16xi32>
      %select_n3A_1123 = arith.select %lt3A_1120, %get3A_1119, %broadcast_in_dim3A_1122 : vector<16xi32>
      %add3A_1124 = arith.addi %add3A_1109, %select_n3A_1123 : vector<16xi32>
      %mul3A_1125 = arith.constant 64 : i32
      %mul3A_1126 = arith.muli %scan3A_253, %mul3A_1125 : i32
      %add3A_1127 = arith.constant 58 : i32
      %add3A_1128 = arith.addi %mul3A_1126, %add3A_1127 : i32
      %min3A_1129 = arith.constant 1023 : i32
      %min3A_1130 = arith.minsi %add3A_1128, %min3A_1129 : i32
      %mul3A_1131 = arith.constant 16 : i32
      %mul3A_1132 = arith.muli %min3A_1130, %mul3A_1131 : i32
      %get3A_1133 = arith.index_cast %mul3A_1132 : i32 to index
      %get3A_1134 = tpu.vector_load %arg6[%get3A_1133] {strides = array<i32>} : memref<16384xi32, #tpu.memory_space<vmem>>, vector<16xi32>,
      %lt3A_1135 = arith.cmpi slt, %add3A_1128, %mul3A_4 : i32
      %jit3A_1136 = arith.constant 0 : i32
      %broadcast_in_dim3A_1137 = vector.broadcast %jit3A_1136 : i32 to vector<16xi32>
      %select_n3A_1138 = arith.select %lt3A_1135, %get3A_1134, %broadcast_in_dim3A_1137 : vector<16xi32>
      %add3A_1139 = arith.addi %add3A_1124, %select_n3A_1138 : vector<16xi32>
      %mul3A_1140 = arith.constant 64 : i32
      %mul3A_1141 = arith.muli %scan3A_253, %mul3A_1140 : i32
      %add3A_1142 = arith.constant 59 : i32
      %add3A_1143 = arith.addi %mul3A_1141, %add3A_1142 : i32
      %min3A_1144 = arith.constant 1023 : i32
      %min3A_1145 = arith.minsi %add3A_1143, %min3A_1144 : i32
      %mul3A_1146 = arith.constant 16 : i32
      %mul3A_1147 = arith.muli %min3A_1145, %mul3A_1146 : i32
      %get3A_1148 = arith.index_cast %mul3A_1147 : i32 to index
      %get3A_1149 = tpu.vector_load %arg6[%get3A_1148] {strides = array<i32>} : memref<16384xi32, #tpu.memory_space<vmem>>, vector<16xi32>,
      %lt3A_1150 = arith.cmpi slt, %add3A_1143, %mul3A_4 : i32
      %jit3A_1151 = arith.constant 0 : i32
      %broadcast_in_dim3A_1152 = vector.broadcast %jit3A_1151 : i32 to vector<16xi32>
      %select_n3A_1153 = arith.select %lt3A_1150, %get3A_1149, %broadcast_in_dim3A_1152 : vector<16xi32>
      %add3A_1154 = arith.addi %add3A_1139, %select_n3A_1153 : vector<16xi32>
      %mul3A_1155 = arith.constant 64 : i32
      %mul3A_1156 = arith.muli %scan3A_253, %mul3A_1155 : i32
      %add3A_1157 = arith.constant 60 : i32
      %add3A_1158 = arith.addi %mul3A_1156, %add3A_1157 : i32
      %min3A_1159 = arith.constant 1023 : i32
      %min3A_1160 = arith.minsi %add3A_1158, %min3A_1159 : i32
      %mul3A_1161 = arith.constant 16 : i32
      %mul3A_1162 = arith.muli %min3A_1160, %mul3A_1161 : i32
      %get3A_1163 = arith.index_cast %mul3A_1162 : i32 to index
      %get3A_1164 = tpu.vector_load %arg6[%get3A_1163] {strides = array<i32>} : memref<16384xi32, #tpu.memory_space<vmem>>, vector<16xi32>,
      %lt3A_1165 = arith.cmpi slt, %add3A_1158, %mul3A_4 : i32
      %jit3A_1166 = arith.constant 0 : i32
      %broadcast_in_dim3A_1167 = vector.broadcast %jit3A_1166 : i32 to vector<16xi32>
      %select_n3A_1168 = arith.select %lt3A_1165, %get3A_1164, %broadcast_in_dim3A_1167 : vector<16xi32>
      %add3A_1169 = arith.addi %add3A_1154, %select_n3A_1168 : vector<16xi32>
      %mul3A_1170 = arith.constant 64 : i32
      %mul3A_1171 = arith.muli %scan3A_253, %mul3A_1170 : i32
      %add3A_1172 = arith.constant 61 : i32
      %add3A_1173 = arith.addi %mul3A_1171, %add3A_1172 : i32
      %min3A_1174 = arith.constant 1023 : i32
      %min3A_1175 = arith.minsi %add3A_1173, %min3A_1174 : i32
      %mul3A_1176 = arith.constant 16 : i32
      %mul3A_1177 = arith.muli %min3A_1175, %mul3A_1176 : i32
      %get3A_1178 = arith.index_cast %mul3A_1177 : i32 to index
      %get3A_1179 = tpu.vector_load %arg6[%get3A_1178] {strides = array<i32>} : memref<16384xi32, #tpu.memory_space<vmem>>, vector<16xi32>,
      %lt3A_1180 = arith.cmpi slt, %add3A_1173, %mul3A_4 : i32
      %jit3A_1181 = arith.constant 0 : i32
      %broadcast_in_dim3A_1182 = vector.broadcast %jit3A_1181 : i32 to vector<16xi32>
      %select_n3A_1183 = arith.select %lt3A_1180, %get3A_1179, %broadcast_in_dim3A_1182 : vector<16xi32>
      %add3A_1184 = arith.addi %add3A_1169, %select_n3A_1183 : vector<16xi32>
      %mul3A_1185 = arith.constant 64 : i32
      %mul3A_1186 = arith.muli %scan3A_253, %mul3A_1185 : i32
      %add3A_1187 = arith.constant 62 : i32
      %add3A_1188 = arith.addi %mul3A_1186, %add3A_1187 : i32
      %min3A_1189 = arith.constant 1023 : i32
      %min3A_1190 = arith.minsi %add3A_1188, %min3A_1189 : i32
      %mul3A_1191 = arith.constant 16 : i32
      %mul3A_1192 = arith.muli %min3A_1190, %mul3A_1191 : i32
      %get3A_1193 = arith.index_cast %mul3A_1192 : i32 to index
      %get3A_1194 = tpu.vector_load %arg6[%get3A_1193] {strides = array<i32>} : memref<16384xi32, #tpu.memory_space<vmem>>, vector<16xi32>,
      %lt3A_1195 = arith.cmpi slt, %add3A_1188, %mul3A_4 : i32
      %jit3A_1196 = arith.constant 0 : i32
      %broadcast_in_dim3A_1197 = vector.broadcast %jit3A_1196 : i32 to vector<16xi32>
      %select_n3A_1198 = arith.select %lt3A_1195, %get3A_1194, %broadcast_in_dim3A_1197 : vector<16xi32>
      %add3A_1199 = arith.addi %add3A_1184, %select_n3A_1198 : vector<16xi32>
      %mul3A_1200 = arith.constant 64 : i32
      %mul3A_1201 = arith.muli %scan3A_253, %mul3A_1200 : i32
      %add3A_1202 = arith.constant 63 : i32
      %add3A_1203 = arith.addi %mul3A_1201, %add3A_1202 : i32
      %min3A_1204 = arith.constant 1023 : i32
      %min3A_1205 = arith.minsi %add3A_1203, %min3A_1204 : i32
      %mul3A_1206 = arith.constant 16 : i32
      %mul3A_1207 = arith.muli %min3A_1205, %mul3A_1206 : i32
      %get3A_1208 = arith.index_cast %mul3A_1207 : i32 to index
      %get3A_1209 = tpu.vector_load %arg6[%get3A_1208] {strides = array<i32>} : memref<16384xi32, #tpu.memory_space<vmem>>, vector<16xi32>,
      %lt3A_1210 = arith.cmpi slt, %add3A_1203, %mul3A_4 : i32
      %jit3A_1211 = arith.constant 0 : i32
      %broadcast_in_dim3A_1212 = vector.broadcast %jit3A_1211 : i32 to vector<16xi32>
      %select_n3A_1213 = arith.select %lt3A_1210, %get3A_1209, %broadcast_in_dim3A_1212 : vector<16xi32>
      %add3A_1214 = arith.addi %add3A_1199, %select_n3A_1213 : vector<16xi32>
      %mul3A_1215 = arith.constant 2 : i32
      %mul3A_1216 = arith.muli %scan3A_253, %mul3A_1215 : i32
      %add3A_1217 = arith.constant 0 : i32
      %add3A_1218 = arith.addi %mul3A_1216, %add3A_1217 : i32
      %mul3A_1219 = arith.constant 16 : i32
      %mul3A_1220 = arith.muli %add3A_1218, %mul3A_1219 : i32
      %add3A_1221 = arith.constant 16 : i32
      %add3A_1222 = arith.addi %mul3A_1220, %add3A_1221 : i32
      %le3A = arith.cmpi sle, %add3A_1222, %sub3A_11 : i32
      %convert_element_type3A_1223 = arith.extui %le3A : i1 to i32
      %cond3A_1224 = arith.constant 0 : i32
      %cond3A_1225 = arith.cmpi ne, %convert_element_type3A_1223, %cond3A_1224 : i32
      scf.if %cond3A_1225 {
        %ge3A_1256 = arith.constant 2 : i32
        %ge3A_1257 = arith.cmpi sge, %add3A_1218, %ge3A_1256 : i32
        %convert_element_type3A_1258 = arith.extui %ge3A_1257 : i1 to i32
        %cond3A_1259 = arith.constant 0 : i32
        %cond3A_1260 = arith.cmpi ne, %convert_element_type3A_1258, %cond3A_1259 : i32
        scf.if %cond3A_1260 {
          %dma_wait3A = arith.constant 0 : i32
          %dma_wait3A_1274 = arith.constant 0 : i32
          %dma_wait3A_1275 = tpu.memref_slice %arg5[%dma_wait3A, %dma_wait3A_1274] : memref<16384x2048xf32, #tpu.memory_space<hbm>> -> memref<16384x2048xf32, #tpu.memory_space<hbm>>
          tpu.wait_indirect_dma semaphore(%arg28 : memref<!tpu.dma_semaphore, #tpu.memory_space<semaphore_mem>>) src(%arg21 : memref<16x2048xf32, #tpu.memory_space<vmem>>) dst(%dma_wait3A_1275 : memref<16384x2048xf32, #tpu.memory_space<hbm>>)
        } else {
        }
        %get3A_1261 = arith.index_cast %mul3A_1220 : i32 to index
        %get3A_1262 = tpu.vector_load %arg8[%get3A_1261] {strides = array<i32>} : memref<512xi32, #tpu.memory_space<vmem>>, vector<16xi32>,
        %swap3A = arith.constant 0 : index
        %swap3A_1263 = tpu.vector_load %arg10[%swap3A] {strides = array<i32>} : memref<16xi32, #tpu.memory_space<vmem>>, vector<16xi32>,
        tpu.vector_store %arg10[%swap3A], %get3A_1262 {strides = array<i32>} : memref<16xi32, #tpu.memory_space<vmem>>, vector<16xi32>,
        %add3A_1264 = arith.constant 0 : i32
        %add3A_1265 = arith.addi %add3A_1264, %mul3A_1220 : i32
        %add3A_1266 = vector.broadcast %add3A_1265 : i32 to vector<16xi32>
        %add3A_1267 = arith.addi %add3A_1266, %iota3A : vector<16xi32>
        %jit3A_1268 = arith.constant false
        %select_n3A_1269 = arith.select %jit3A_1268, %add3A_1267, %get3A_1262 : vector<16xi32>
        %swap3A_1270 = arith.constant 0 : index
        %swap3A_1271 = tpu.vector_load %arg9[%swap3A_1270] {strides = array<i32>} : memref<16xi32, #tpu.memory_space<vmem>>, vector<16xi32>,
        tpu.vector_store %arg9[%swap3A_1270], %select_n3A_1269 {strides = array<i32>} : memref<16xi32, #tpu.memory_space<vmem>>, vector<16xi32>,
        %dma_start3A = arith.constant 0 : i32
        %dma_start3A_1272 = arith.constant 0 : i32
        %dma_start3A_1273 = tpu.memref_slice %arg2[%dma_start3A, %dma_start3A_1272] : memref<16384x2048xf32, #tpu.memory_space<hbm>> -> memref<16384x2048xf32, #tpu.memory_space<hbm>>
        tpu.enqueue_indirect_dma source(%dma_start3A_1273 : memref<16384x2048xf32, #tpu.memory_space<hbm>>) target(%arg21 : memref<16x2048xf32, #tpu.memory_space<vmem>>) offsets(%arg9 : memref<16xi32, #tpu.memory_space<vmem>>) semaphore(%arg27 : memref<!tpu.dma_semaphore, #tpu.memory_space<semaphore_mem>>)
      } else {
      }
      %ge3A_1226 = arith.constant 1 : i32
      %ge3A_1227 = arith.cmpi sge, %add3A_1218, %ge3A_1226 : i32
      %sub3A_1228 = arith.constant 1 : i32
      %sub3A_1229 = arith.subi %add3A_1218, %sub3A_1228 : i32
      %lt3A_1230 = arith.cmpi slt, %sub3A_1229, %select_n3A : i32
      %and3A_1231 = arith.andi %ge3A_1227, %lt3A_1230 : i1
      %convert_element_type3A_1232 = arith.extui %and3A_1231 : i1 to i32
      %cond3A_1233 = arith.constant 0 : i32
      %cond3A_1234 = arith.cmpi ne, %convert_element_type3A_1232, %cond3A_1233 : i32
      scf.if %cond3A_1234 {
        %dma_wait3A = arith.constant 0 : i32
        %dma_wait3A_1256 = arith.constant 0 : i32
        %dma_wait3A_1257 = tpu.memref_slice %arg2[%dma_wait3A, %dma_wait3A_1256] : memref<16384x2048xf32, #tpu.memory_space<hbm>> -> memref<16384x2048xf32, #tpu.memory_space<hbm>>
        tpu.wait_indirect_dma semaphore(%arg29 : memref<!tpu.dma_semaphore, #tpu.memory_space<semaphore_mem>>) src(%dma_wait3A_1257 : memref<16384x2048xf32, #tpu.memory_space<hbm>>) dst(%arg22 : memref<16x2048xf32, #tpu.memory_space<vmem>>)
        %dma_start3A = arith.constant 0 : i32
        %dma_start3A_1258 = arith.constant 0 : i32
        %dma_start3A_1259 = tpu.memref_slice %arg5[%dma_start3A, %dma_start3A_1258] : memref<16384x2048xf32, #tpu.memory_space<hbm>> -> memref<16384x2048xf32, #tpu.memory_space<hbm>>
        tpu.enqueue_indirect_dma source(%arg22 : memref<16x2048xf32, #tpu.memory_space<vmem>>) target(%dma_start3A_1259 : memref<16384x2048xf32, #tpu.memory_space<hbm>>) offsets(%arg12 : memref<16xi32, #tpu.memory_space<vmem>>) semaphore(%arg30 : memref<!tpu.dma_semaphore, #tpu.memory_space<semaphore_mem>>)
      } else {
      }
      %mul3A_1235 = arith.constant 2 : i32
      %mul3A_1236 = arith.muli %scan3A_253, %mul3A_1235 : i32
      %add3A_1237 = arith.constant 1 : i32
      %add3A_1238 = arith.addi %mul3A_1236, %add3A_1237 : i32
      %mul3A_1239 = arith.constant 16 : i32
      %mul3A_1240 = arith.muli %add3A_1238, %mul3A_1239 : i32
      %add3A_1241 = arith.constant 16 : i32
      %add3A_1242 = arith.addi %mul3A_1240, %add3A_1241 : i32
      %le3A_1243 = arith.cmpi sle, %add3A_1242, %sub3A_11 : i32
      %convert_element_type3A_1244 = arith.extui %le3A_1243 : i1 to i32
      %cond3A_1245 = arith.constant 0 : i32
      %cond3A_1246 = arith.cmpi ne, %convert_element_type3A_1244, %cond3A_1245 : i32
      scf.if %cond3A_1246 {
        %ge3A_1256 = arith.constant 2 : i32
        %ge3A_1257 = arith.cmpi sge, %add3A_1238, %ge3A_1256 : i32
        %convert_element_type3A_1258 = arith.extui %ge3A_1257 : i1 to i32
        %cond3A_1259 = arith.constant 0 : i32
        %cond3A_1260 = arith.cmpi ne, %convert_element_type3A_1258, %cond3A_1259 : i32
        scf.if %cond3A_1260 {
          %dma_wait3A = arith.constant 0 : i32
          %dma_wait3A_1274 = arith.constant 0 : i32
          %dma_wait3A_1275 = tpu.memref_slice %arg5[%dma_wait3A, %dma_wait3A_1274] : memref<16384x2048xf32, #tpu.memory_space<hbm>> -> memref<16384x2048xf32, #tpu.memory_space<hbm>>
          tpu.wait_indirect_dma semaphore(%arg30 : memref<!tpu.dma_semaphore, #tpu.memory_space<semaphore_mem>>) src(%arg22 : memref<16x2048xf32, #tpu.memory_space<vmem>>) dst(%dma_wait3A_1275 : memref<16384x2048xf32, #tpu.memory_space<hbm>>)
        } else {
        }
        %get3A_1261 = arith.index_cast %mul3A_1240 : i32 to index
        %get3A_1262 = tpu.vector_load %arg8[%get3A_1261] {strides = array<i32>} : memref<512xi32, #tpu.memory_space<vmem>>, vector<16xi32>,
        %swap3A = arith.constant 0 : index
        %swap3A_1263 = tpu.vector_load %arg12[%swap3A] {strides = array<i32>} : memref<16xi32, #tpu.memory_space<vmem>>, vector<16xi32>,
        tpu.vector_store %arg12[%swap3A], %get3A_1262 {strides = array<i32>} : memref<16xi32, #tpu.memory_space<vmem>>, vector<16xi32>,
        %add3A_1264 = arith.constant 0 : i32
        %add3A_1265 = arith.addi %add3A_1264, %mul3A_1240 : i32
        %add3A_1266 = vector.broadcast %add3A_1265 : i32 to vector<16xi32>
        %add3A_1267 = arith.addi %add3A_1266, %iota3A : vector<16xi32>
        %jit3A_1268 = arith.constant false
        %select_n3A_1269 = arith.select %jit3A_1268, %add3A_1267, %get3A_1262 : vector<16xi32>
        %swap3A_1270 = arith.constant 0 : index
        %swap3A_1271 = tpu.vector_load %arg11[%swap3A_1270] {strides = array<i32>} : memref<16xi32, #tpu.memory_space<vmem>>, vector<16xi32>,
        tpu.vector_store %arg11[%swap3A_1270], %select_n3A_1269 {strides = array<i32>} : memref<16xi32, #tpu.memory_space<vmem>>, vector<16xi32>,
        %dma_start3A = arith.constant 0 : i32
        %dma_start3A_1272 = arith.constant 0 : i32
        %dma_start3A_1273 = tpu.memref_slice %arg2[%dma_start3A, %dma_start3A_1272] : memref<16384x2048xf32, #tpu.memory_space<hbm>> -> memref<16384x2048xf32, #tpu.memory_space<hbm>>
        tpu.enqueue_indirect_dma source(%dma_start3A_1273 : memref<16384x2048xf32, #tpu.memory_space<hbm>>) target(%arg22 : memref<16x2048xf32, #tpu.memory_space<vmem>>) offsets(%arg11 : memref<16xi32, #tpu.memory_space<vmem>>) semaphore(%arg29 : memref<!tpu.dma_semaphore, #tpu.memory_space<semaphore_mem>>)
      } else {
      }
      %ge3A_1247 = arith.constant 1 : i32
      %ge3A_1248 = arith.cmpi sge, %add3A_1238, %ge3A_1247 : i32
      %sub3A_1249 = arith.constant 1 : i32
      %sub3A_1250 = arith.subi %add3A_1238, %sub3A_1249 : i32
      %lt3A_1251 = arith.cmpi slt, %sub3A_1250, %select_n3A : i32
      %and3A_1252 = arith.andi %ge3A_1248, %lt3A_1251 : i1
      %convert_element_type3A_1253 = arith.extui %and3A_1252 : i1 to i32
      %cond3A_1254 = arith.constant 0 : i32
      %cond3A_1255 = arith.cmpi ne, %convert_element_type3A_1253, %cond3A_1254 : i32
      scf.if %cond3A_1255 {
        %dma_wait3A = arith.constant 0 : i32
        %dma_wait3A_1256 = arith.constant 0 : i32
        %dma_wait3A_1257 = tpu.memref_slice %arg2[%dma_wait3A, %dma_wait3A_1256] : memref<16384x2048xf32, #tpu.memory_space<hbm>> -> memref<16384x2048xf32, #tpu.memory_space<hbm>>
        tpu.wait_indirect_dma semaphore(%arg27 : memref<!tpu.dma_semaphore, #tpu.memory_space<semaphore_mem>>) src(%dma_wait3A_1257 : memref<16384x2048xf32, #tpu.memory_space<hbm>>) dst(%arg21 : memref<16x2048xf32, #tpu.memory_space<vmem>>)
        %dma_start3A = arith.constant 0 : i32
        %dma_start3A_1258 = arith.constant 0 : i32
        %dma_start3A_1259 = tpu.memref_slice %arg5[%dma_start3A, %dma_start3A_1258] : memref<16384x2048xf32, #tpu.memory_space<hbm>> -> memref<16384x2048xf32, #tpu.memory_space<hbm>>
        tpu.enqueue_indirect_dma source(%arg21 : memref<16x2048xf32, #tpu.memory_space<vmem>>) target(%dma_start3A_1259 : memref<16384x2048xf32, #tpu.memory_space<hbm>>) offsets(%arg10 : memref<16xi32, #tpu.memory_space<vmem>>) semaphore(%arg28 : memref<!tpu.dma_semaphore, #tpu.memory_space<semaphore_mem>>)
      } else {
      }
      scf.yield %add3A_1214 : vector<16xi32>
    }
    %scan3A_35 = arith.constant 17 : i32
    %ge3A = arith.constant 1 : i32
    %ge3A_36 = arith.cmpi sge, %select_n3A, %ge3A : i32
    %convert_element_type3A = arith.extui %ge3A_36 : i1 to i32
    %cond3A = arith.constant 0 : i32
    %cond3A_37 = arith.cmpi ne, %convert_element_type3A, %cond3A : i32
    scf.if %cond3A_37 {
      %dma_wait3A = arith.constant 0 : i32
      %dma_wait3A_253 = arith.constant 0 : i32
      %dma_wait3A_254 = tpu.memref_slice %arg5[%dma_wait3A, %dma_wait3A_253] : memref<16384x2048xf32, #tpu.memory_space<hbm>> -> memref<16384x2048xf32, #tpu.memory_space<hbm>>
      tpu.wait_indirect_dma semaphore(%arg28 : memref<!tpu.dma_semaphore, #tpu.memory_space<semaphore_mem>>) src(%arg21 : memref<16x2048xf32, #tpu.memory_space<vmem>>) dst(%dma_wait3A_254 : memref<16384x2048xf32, #tpu.memory_space<hbm>>)
    } else {
    }
    %ge3A_38 = arith.constant 2 : i32
    %ge3A_39 = arith.cmpi sge, %select_n3A, %ge3A_38 : i32
    %convert_element_type3A_40 = arith.extui %ge3A_39 : i1 to i32
    %cond3A_41 = arith.constant 0 : i32
    %cond3A_42 = arith.cmpi ne, %convert_element_type3A_40, %cond3A_41 : i32
    scf.if %cond3A_42 {
      %dma_wait3A = arith.constant 0 : i32
      %dma_wait3A_253 = arith.constant 0 : i32
      %dma_wait3A_254 = tpu.memref_slice %arg5[%dma_wait3A, %dma_wait3A_253] : memref<16384x2048xf32, #tpu.memory_space<hbm>> -> memref<16384x2048xf32, #tpu.memory_space<hbm>>
      tpu.wait_indirect_dma semaphore(%arg30 : memref<!tpu.dma_semaphore, #tpu.memory_space<semaphore_mem>>) src(%arg22 : memref<16x2048xf32, #tpu.memory_space<vmem>>) dst(%dma_wait3A_254 : memref<16384x2048xf32, #tpu.memory_space<hbm>>)
    } else {
    }
    %jit3A_43 = arith.constant 16 : i32
    %eq3A = arith.constant 0 : i32
    %eq3A_44 = arith.cmpi eq, %jit3A_43, %eq3A : i32
    %jit3A_45 = arith.constant 1 : i32
    %select_n3A_46 = arith.select %eq3A_44, %jit3A_45, %jit3A_43 : i32
    %rem3A_47 = arith.remsi %sub3A_11, %select_n3A_46 : i32
    %ne3A_48 = arith.constant 0 : i32
    %ne3A_49 = arith.cmpi ne, %rem3A_47, %ne3A_48 : i32
    %lt3A = arith.constant 0 : i32
    %lt3A_50 = arith.cmpi slt, %rem3A_47, %lt3A : i32
    %lt3A_51 = arith.constant 0 : i32
    %lt3A_52 = arith.cmpi slt, %select_n3A_46, %lt3A_51 : i32
    %ne3A_53 = arith.xori %lt3A_50, %lt3A_52 : i1
    %and3A_54 = arith.andi %ne3A_53, %ne3A_49 : i1
    %add3A_55 = arith.addi %rem3A_47, %select_n3A_46 : i32
    %select_n3A_56 = arith.select %and3A_54, %add3A_55, %rem3A_47 : i32
    %sub3A_57 = arith.subi %sub3A_11, %select_n3A_56 : i32
    %min3A = arith.constant 496 : i32
    %min3A_58 = arith.minsi %sub3A_57, %min3A : i32
    %get3A = arith.index_cast %min3A_58 : i32 to index
    %get3A_59 = tpu.vector_load %arg8[%get3A] {strides = array<i32>} : memref<512xi32, #tpu.memory_space<vmem>>, vector<16xi32>,
    %add3A_60 = arith.constant 0 : i32
    %add3A_61 = arith.addi %add3A_60, %sub3A_57 : i32
    %add3A_62 = vector.broadcast %add3A_61 : i32 to vector<16xi32>
    %add3A_63 = arith.addi %add3A_62, %iota3A : vector<16xi32>
    %jit3A_64 = arith.constant false
    %select_n3A_65 = arith.select %jit3A_64, %add3A_63, %get3A_59 : vector<16xi32>
    %and3A_66 = arith.constant 8 : i32
    %and3A_67 = arith.andi %select_n3A_56, %and3A_66 : i32
    %ne3A_68 = arith.constant 0 : i32
    %ne3A_69 = arith.cmpi ne, %and3A_67, %ne3A_68 : i32
    %convert_element_type3A_70 = arith.extui %ne3A_69 : i1 to i32
    %cond3A_71 = arith.constant 0 : i32
    %cond3A_72 = arith.constant 0 : i32
    %cond3A_73 = arith.cmpi ne, %convert_element_type3A_70, %cond3A_72 : i32
    scf.if %cond3A_73 {
      %ge3A_253 = vector.broadcast %cond3A_71 : i32 to vector<16xi32>
      %ge3A_254 = arith.cmpi sge, %iota3A, %ge3A_253 : vector<16xi32>
      %add3A_255 = arith.constant 8 : i32
      %add3A_256 = arith.addi %cond3A_71, %add3A_255 : i32
      %lt3A_257 = vector.broadcast %add3A_256 : i32 to vector<16xi32>
      %lt3A_258 = arith.cmpi slt, %iota3A, %lt3A_257 : vector<16xi32>
      %and3A_259 = arith.andi %ge3A_254, %lt3A_258 : vector<16xi1>
      %sub3A_260 = vector.broadcast %cond3A_71 : i32 to vector<16xi32>
      %sub3A_261 = arith.subi %iota3A, %sub3A_260 : vector<16xi32>
      tpu.vector_store_idx %arg13[%sub3A_261], %select_n3A_65 masked %and3A_259 : memref<8xi32, #tpu.memory_space<vmem>>[vector<16xi32>], vector<16xi32>, vector<16xi1>
      %sub3A_262 = vector.broadcast %cond3A_71 : i32 to vector<16xi32>
      %sub3A_263 = arith.subi %iota3A, %sub3A_262 : vector<16xi32>
      tpu.vector_store_idx %arg14[%sub3A_263], %get3A_59 masked %and3A_259 : memref<8xi32, #tpu.memory_space<vmem>>[vector<16xi32>], vector<16xi32>, vector<16xi1>
      %dma_start3A = arith.constant 0 : i32
      %dma_start3A_264 = arith.constant 0 : i32
      %dma_start3A_265 = tpu.memref_slice %arg2[%dma_start3A, %dma_start3A_264] : memref<16384x2048xf32, #tpu.memory_space<hbm>> -> memref<16384x2048xf32, #tpu.memory_space<hbm>>
      tpu.enqueue_indirect_dma source(%dma_start3A_265 : memref<16384x2048xf32, #tpu.memory_space<hbm>>) target(%arg23 : memref<8x2048xf32, #tpu.memory_space<vmem>>) offsets(%arg13 : memref<8xi32, #tpu.memory_space<vmem>>) semaphore(%arg31 : memref<!tpu.dma_semaphore, #tpu.memory_space<semaphore_mem>>)
      %dma_wait3A = arith.constant 0 : i32
      %dma_wait3A_266 = arith.constant 0 : i32
      %dma_wait3A_267 = tpu.memref_slice %arg2[%dma_wait3A, %dma_wait3A_266] : memref<16384x2048xf32, #tpu.memory_space<hbm>> -> memref<16384x2048xf32, #tpu.memory_space<hbm>>
      tpu.wait_indirect_dma semaphore(%arg31 : memref<!tpu.dma_semaphore, #tpu.memory_space<semaphore_mem>>) src(%dma_wait3A_267 : memref<16384x2048xf32, #tpu.memory_space<hbm>>) dst(%arg23 : memref<8x2048xf32, #tpu.memory_space<vmem>>)
      %dma_start3A_268 = arith.constant 0 : i32
      %dma_start3A_269 = arith.constant 0 : i32
      %dma_start3A_270 = tpu.memref_slice %arg5[%dma_start3A_268, %dma_start3A_269] : memref<16384x2048xf32, #tpu.memory_space<hbm>> -> memref<16384x2048xf32, #tpu.memory_space<hbm>>
      tpu.enqueue_indirect_dma source(%arg23 : memref<8x2048xf32, #tpu.memory_space<vmem>>) target(%dma_start3A_270 : memref<16384x2048xf32, #tpu.memory_space<hbm>>) offsets(%arg14 : memref<8xi32, #tpu.memory_space<vmem>>) semaphore(%arg31 : memref<!tpu.dma_semaphore, #tpu.memory_space<semaphore_mem>>)
      %dma_wait3A_271 = arith.constant 0 : i32
      %dma_wait3A_272 = arith.constant 0 : i32
      %dma_wait3A_273 = tpu.memref_slice %arg5[%dma_wait3A_271, %dma_wait3A_272] : memref<16384x2048xf32, #tpu.memory_space<hbm>> -> memref<16384x2048xf32, #tpu.memory_space<hbm>>
      tpu.wait_indirect_dma semaphore(%arg31 : memref<!tpu.dma_semaphore, #tpu.memory_space<semaphore_mem>>) src(%arg23 : memref<8x2048xf32, #tpu.memory_space<vmem>>) dst(%dma_wait3A_273 : memref<16384x2048xf32, #tpu.memory_space<hbm>>)
    } else {
    }
    %and3A_74 = arith.constant 8 : i32
    %and3A_75 = arith.andi %select_n3A_56, %and3A_74 : i32
    %ne3A_76 = arith.constant 0 : i32
    %ne3A_77 = arith.cmpi ne, %and3A_75, %ne3A_76 : i32
    %add3A_78 = arith.constant 0 : i32
    %add3A_79 = arith.constant 8 : i32
    %add3A_80 = arith.addi %add3A_78, %add3A_79 : i32
    %jit3A_81 = arith.constant 0 : i32
    %select_n3A_82 = arith.select %ne3A_77, %add3A_80, %jit3A_81 : i32
    %and3A_83 = arith.constant 4 : i32
    %and3A_84 = arith.andi %select_n3A_56, %and3A_83 : i32
    %ne3A_85 = arith.constant 0 : i32
    %ne3A_86 = arith.cmpi ne, %and3A_84, %ne3A_85 : i32
    %convert_element_type3A_87 = arith.extui %ne3A_86 : i1 to i32
    %cond3A_88 = arith.constant 0 : i32
    %cond3A_89 = arith.cmpi ne, %convert_element_type3A_87, %cond3A_88 : i32
    scf.if %cond3A_89 {
      %ge3A_253 = vector.broadcast %select_n3A_82 : i32 to vector<16xi32>
      %ge3A_254 = arith.cmpi sge, %iota3A, %ge3A_253 : vector<16xi32>
      %add3A_255 = arith.constant 4 : i32
      %add3A_256 = arith.addi %select_n3A_82, %add3A_255 : i32
      %lt3A_257 = vector.broadcast %add3A_256 : i32 to vector<16xi32>
      %lt3A_258 = arith.cmpi slt, %iota3A, %lt3A_257 : vector<16xi32>
      %and3A_259 = arith.andi %ge3A_254, %lt3A_258 : vector<16xi1>
      %sub3A_260 = vector.broadcast %select_n3A_82 : i32 to vector<16xi32>
      %sub3A_261 = arith.subi %iota3A, %sub3A_260 : vector<16xi32>
      tpu.vector_store_idx %arg15[%sub3A_261], %select_n3A_65 masked %and3A_259 : memref<4xi32, #tpu.memory_space<vmem>>[vector<16xi32>], vector<16xi32>, vector<16xi1>
      %sub3A_262 = vector.broadcast %select_n3A_82 : i32 to vector<16xi32>
      %sub3A_263 = arith.subi %iota3A, %sub3A_262 : vector<16xi32>
      tpu.vector_store_idx %arg16[%sub3A_263], %get3A_59 masked %and3A_259 : memref<4xi32, #tpu.memory_space<vmem>>[vector<16xi32>], vector<16xi32>, vector<16xi1>
      %dma_start3A = arith.constant 0 : i32
      %dma_start3A_264 = arith.constant 0 : i32
      %dma_start3A_265 = tpu.memref_slice %arg2[%dma_start3A, %dma_start3A_264] : memref<16384x2048xf32, #tpu.memory_space<hbm>> -> memref<16384x2048xf32, #tpu.memory_space<hbm>>
      tpu.enqueue_indirect_dma source(%dma_start3A_265 : memref<16384x2048xf32, #tpu.memory_space<hbm>>) target(%arg24 : memref<4x2048xf32, #tpu.memory_space<vmem>>) offsets(%arg15 : memref<4xi32, #tpu.memory_space<vmem>>) semaphore(%arg31 : memref<!tpu.dma_semaphore, #tpu.memory_space<semaphore_mem>>)
      %dma_wait3A = arith.constant 0 : i32
      %dma_wait3A_266 = arith.constant 0 : i32
      %dma_wait3A_267 = tpu.memref_slice %arg2[%dma_wait3A, %dma_wait3A_266] : memref<16384x2048xf32, #tpu.memory_space<hbm>> -> memref<16384x2048xf32, #tpu.memory_space<hbm>>
      tpu.wait_indirect_dma semaphore(%arg31 : memref<!tpu.dma_semaphore, #tpu.memory_space<semaphore_mem>>) src(%dma_wait3A_267 : memref<16384x2048xf32, #tpu.memory_space<hbm>>) dst(%arg24 : memref<4x2048xf32, #tpu.memory_space<vmem>>)
      %dma_start3A_268 = arith.constant 0 : i32
      %dma_start3A_269 = arith.constant 0 : i32
      %dma_start3A_270 = tpu.memref_slice %arg5[%dma_start3A_268, %dma_start3A_269] : memref<16384x2048xf32, #tpu.memory_space<hbm>> -> memref<16384x2048xf32, #tpu.memory_space<hbm>>
      tpu.enqueue_indirect_dma source(%arg24 : memref<4x2048xf32, #tpu.memory_space<vmem>>) target(%dma_start3A_270 : memref<16384x2048xf32, #tpu.memory_space<hbm>>) offsets(%arg16 : memref<4xi32, #tpu.memory_space<vmem>>) semaphore(%arg31 : memref<!tpu.dma_semaphore, #tpu.memory_space<semaphore_mem>>)
      %dma_wait3A_271 = arith.constant 0 : i32
      %dma_wait3A_272 = arith.constant 0 : i32
      %dma_wait3A_273 = tpu.memref_slice %arg5[%dma_wait3A_271, %dma_wait3A_272] : memref<16384x2048xf32, #tpu.memory_space<hbm>> -> memref<16384x2048xf32, #tpu.memory_space<hbm>>
      tpu.wait_indirect_dma semaphore(%arg31 : memref<!tpu.dma_semaphore, #tpu.memory_space<semaphore_mem>>) src(%arg24 : memref<4x2048xf32, #tpu.memory_space<vmem>>) dst(%dma_wait3A_273 : memref<16384x2048xf32, #tpu.memory_space<hbm>>)
    } else {
    }
    %and3A_90 = arith.constant 4 : i32
    %and3A_91 = arith.andi %select_n3A_56, %and3A_90 : i32
    %ne3A_92 = arith.constant 0 : i32
    %ne3A_93 = arith.cmpi ne, %and3A_91, %ne3A_92 : i32
    %add3A_94 = arith.constant 4 : i32
    %add3A_95 = arith.addi %select_n3A_82, %add3A_94 : i32
    %select_n3A_96 = arith.select %ne3A_93, %add3A_95, %select_n3A_82 : i32
    %and3A_97 = arith.constant 2 : i32
    %and3A_98 = arith.andi %select_n3A_56, %and3A_97 : i32
    %ne3A_99 = arith.constant 0 : i32
    %ne3A_100 = arith.cmpi ne, %and3A_98, %ne3A_99 : i32
    %convert_element_type3A_101 = arith.extui %ne3A_100 : i1 to i32
    %cond3A_102 = arith.constant 0 : i32
    %cond3A_103 = arith.cmpi ne, %convert_element_type3A_101, %cond3A_102 : i32
    scf.if %cond3A_103 {
      %ge3A_253 = vector.broadcast %select_n3A_96 : i32 to vector<16xi32>
      %ge3A_254 = arith.cmpi sge, %iota3A, %ge3A_253 : vector<16xi32>
      %add3A_255 = arith.constant 2 : i32
      %add3A_256 = arith.addi %select_n3A_96, %add3A_255 : i32
      %lt3A_257 = vector.broadcast %add3A_256 : i32 to vector<16xi32>
      %lt3A_258 = arith.cmpi slt, %iota3A, %lt3A_257 : vector<16xi32>
      %and3A_259 = arith.andi %ge3A_254, %lt3A_258 : vector<16xi1>
      %sub3A_260 = vector.broadcast %select_n3A_96 : i32 to vector<16xi32>
      %sub3A_261 = arith.subi %iota3A, %sub3A_260 : vector<16xi32>
      tpu.vector_store_idx %arg17[%sub3A_261], %select_n3A_65 masked %and3A_259 : memref<2xi32, #tpu.memory_space<vmem>>[vector<16xi32>], vector<16xi32>, vector<16xi1>
      %sub3A_262 = vector.broadcast %select_n3A_96 : i32 to vector<16xi32>
      %sub3A_263 = arith.subi %iota3A, %sub3A_262 : vector<16xi32>
      tpu.vector_store_idx %arg18[%sub3A_263], %get3A_59 masked %and3A_259 : memref<2xi32, #tpu.memory_space<vmem>>[vector<16xi32>], vector<16xi32>, vector<16xi1>
      %dma_start3A = arith.constant 0 : i32
      %dma_start3A_264 = arith.constant 0 : i32
      %dma_start3A_265 = tpu.memref_slice %arg2[%dma_start3A, %dma_start3A_264] : memref<16384x2048xf32, #tpu.memory_space<hbm>> -> memref<16384x2048xf32, #tpu.memory_space<hbm>>
      tpu.enqueue_indirect_dma source(%dma_start3A_265 : memref<16384x2048xf32, #tpu.memory_space<hbm>>) target(%arg25 : memref<2x2048xf32, #tpu.memory_space<vmem>>) offsets(%arg17 : memref<2xi32, #tpu.memory_space<vmem>>) semaphore(%arg31 : memref<!tpu.dma_semaphore, #tpu.memory_space<semaphore_mem>>)
      %dma_wait3A = arith.constant 0 : i32
      %dma_wait3A_266 = arith.constant 0 : i32
      %dma_wait3A_267 = tpu.memref_slice %arg2[%dma_wait3A, %dma_wait3A_266] : memref<16384x2048xf32, #tpu.memory_space<hbm>> -> memref<16384x2048xf32, #tpu.memory_space<hbm>>
      tpu.wait_indirect_dma semaphore(%arg31 : memref<!tpu.dma_semaphore, #tpu.memory_space<semaphore_mem>>) src(%dma_wait3A_267 : memref<16384x2048xf32, #tpu.memory_space<hbm>>) dst(%arg25 : memref<2x2048xf32, #tpu.memory_space<vmem>>)
      %dma_start3A_268 = arith.constant 0 : i32
      %dma_start3A_269 = arith.constant 0 : i32
      %dma_start3A_270 = tpu.memref_slice %arg5[%dma_start3A_268, %dma_start3A_269] : memref<16384x2048xf32, #tpu.memory_space<hbm>> -> memref<16384x2048xf32, #tpu.memory_space<hbm>>
      tpu.enqueue_indirect_dma source(%arg25 : memref<2x2048xf32, #tpu.memory_space<vmem>>) target(%dma_start3A_270 : memref<16384x2048xf32, #tpu.memory_space<hbm>>) offsets(%arg18 : memref<2xi32, #tpu.memory_space<vmem>>) semaphore(%arg31 : memref<!tpu.dma_semaphore, #tpu.memory_space<semaphore_mem>>)
      %dma_wait3A_271 = arith.constant 0 : i32
      %dma_wait3A_272 = arith.constant 0 : i32
      %dma_wait3A_273 = tpu.memref_slice %arg5[%dma_wait3A_271, %dma_wait3A_272] : memref<16384x2048xf32, #tpu.memory_space<hbm>> -> memref<16384x2048xf32, #tpu.memory_space<hbm>>
      tpu.wait_indirect_dma semaphore(%arg31 : memref<!tpu.dma_semaphore, #tpu.memory_space<semaphore_mem>>) src(%arg25 : memref<2x2048xf32, #tpu.memory_space<vmem>>) dst(%dma_wait3A_273 : memref<16384x2048xf32, #tpu.memory_space<hbm>>)
    } else {
    }
    %and3A_104 = arith.constant 2 : i32
    %and3A_105 = arith.andi %select_n3A_56, %and3A_104 : i32
    %ne3A_106 = arith.constant 0 : i32
    %ne3A_107 = arith.cmpi ne, %and3A_105, %ne3A_106 : i32
    %add3A_108 = arith.constant 2 : i32
    %add3A_109 = arith.addi %select_n3A_96, %add3A_108 : i32
    %select_n3A_110 = arith.select %ne3A_107, %add3A_109, %select_n3A_96 : i32
    %and3A_111 = arith.constant 1 : i32
    %and3A_112 = arith.andi %select_n3A_56, %and3A_111 : i32
    %ne3A_113 = arith.constant 0 : i32
    %ne3A_114 = arith.cmpi ne, %and3A_112, %ne3A_113 : i32
    %convert_element_type3A_115 = arith.extui %ne3A_114 : i1 to i32
    %cond3A_116 = arith.constant 0 : i32
    %cond3A_117 = arith.cmpi ne, %convert_element_type3A_115, %cond3A_116 : i32
    scf.if %cond3A_117 {
      %ge3A_253 = vector.broadcast %select_n3A_110 : i32 to vector<16xi32>
      %ge3A_254 = arith.cmpi sge, %iota3A, %ge3A_253 : vector<16xi32>
      %add3A_255 = arith.constant 1 : i32
      %add3A_256 = arith.addi %select_n3A_110, %add3A_255 : i32
      %lt3A_257 = vector.broadcast %add3A_256 : i32 to vector<16xi32>
      %lt3A_258 = arith.cmpi slt, %iota3A, %lt3A_257 : vector<16xi32>
      %and3A_259 = arith.andi %ge3A_254, %lt3A_258 : vector<16xi1>
      %sub3A_260 = vector.broadcast %select_n3A_110 : i32 to vector<16xi32>
      %sub3A_261 = arith.subi %iota3A, %sub3A_260 : vector<16xi32>
      tpu.vector_store_idx %arg19[%sub3A_261], %select_n3A_65 masked %and3A_259 : memref<1xi32, #tpu.memory_space<vmem>>[vector<16xi32>], vector<16xi32>, vector<16xi1>
      %sub3A_262 = vector.broadcast %select_n3A_110 : i32 to vector<16xi32>
      %sub3A_263 = arith.subi %iota3A, %sub3A_262 : vector<16xi32>
      tpu.vector_store_idx %arg20[%sub3A_263], %get3A_59 masked %and3A_259 : memref<1xi32, #tpu.memory_space<vmem>>[vector<16xi32>], vector<16xi32>, vector<16xi1>
      %dma_start3A = arith.constant 0 : i32
      %dma_start3A_264 = arith.constant 0 : i32
      %dma_start3A_265 = tpu.memref_slice %arg2[%dma_start3A, %dma_start3A_264] : memref<16384x2048xf32, #tpu.memory_space<hbm>> -> memref<16384x2048xf32, #tpu.memory_space<hbm>>
      tpu.enqueue_indirect_dma source(%dma_start3A_265 : memref<16384x2048xf32, #tpu.memory_space<hbm>>) target(%arg26 : memref<1x2048xf32, #tpu.memory_space<vmem>>) offsets(%arg19 : memref<1xi32, #tpu.memory_space<vmem>>) semaphore(%arg31 : memref<!tpu.dma_semaphore, #tpu.memory_space<semaphore_mem>>)
      %dma_wait3A = arith.constant 0 : i32
      %dma_wait3A_266 = arith.constant 0 : i32
      %dma_wait3A_267 = tpu.memref_slice %arg2[%dma_wait3A, %dma_wait3A_266] : memref<16384x2048xf32, #tpu.memory_space<hbm>> -> memref<16384x2048xf32, #tpu.memory_space<hbm>>
      tpu.wait_indirect_dma semaphore(%arg31 : memref<!tpu.dma_semaphore, #tpu.memory_space<semaphore_mem>>) src(%dma_wait3A_267 : memref<16384x2048xf32, #tpu.memory_space<hbm>>) dst(%arg26 : memref<1x2048xf32, #tpu.memory_space<vmem>>)
      %dma_start3A_268 = arith.constant 0 : i32
      %dma_start3A_269 = arith.constant 0 : i32
      %dma_start3A_270 = tpu.memref_slice %arg5[%dma_start3A_268, %dma_start3A_269] : memref<16384x2048xf32, #tpu.memory_space<hbm>> -> memref<16384x2048xf32, #tpu.memory_space<hbm>>
      tpu.enqueue_indirect_dma source(%arg26 : memref<1x2048xf32, #tpu.memory_space<vmem>>) target(%dma_start3A_270 : memref<16384x2048xf32, #tpu.memory_space<hbm>>) offsets(%arg20 : memref<1xi32, #tpu.memory_space<vmem>>) semaphore(%arg31 : memref<!tpu.dma_semaphore, #tpu.memory_space<semaphore_mem>>)
      %dma_wait3A_271 = arith.constant 0 : i32
      %dma_wait3A_272 = arith.constant 0 : i32
      %dma_wait3A_273 = tpu.memref_slice %arg5[%dma_wait3A_271, %dma_wait3A_272] : memref<16384x2048xf32, #tpu.memory_space<hbm>> -> memref<16384x2048xf32, #tpu.memory_space<hbm>>
      tpu.wait_indirect_dma semaphore(%arg31 : memref<!tpu.dma_semaphore, #tpu.memory_space<semaphore_mem>>) src(%arg26 : memref<1x2048xf32, #tpu.memory_space<vmem>>) dst(%dma_wait3A_273 : memref<16384x2048xf32, #tpu.memory_space<hbm>>)
    } else {
    }
    %and3A_118 = arith.constant 1 : i32
    %and3A_119 = arith.andi %select_n3A_56, %and3A_118 : i32
    %ne3A_120 = arith.constant 0 : i32
    %ne3A_121 = arith.cmpi ne, %and3A_119, %ne3A_120 : i32
    %add3A_122 = arith.constant 1 : i32
    %add3A_123 = arith.addi %select_n3A_110, %add3A_122 : i32
    %select_n3A_124 = arith.select %ne3A_121, %add3A_123, %select_n3A_110 : i32
    %reduce_sum3A = arith.constant true
    %reduce_sum3A_125 = vector.broadcast %reduce_sum3A : i1 to vector<16xi1>
    %reduce_sum3A_126 = tpu.scan <sum>, %scan3A_34 masked %reduce_sum3A_125 : vector<16xi32>, vector<16xi1> -> vector<16xi32>
    %reduce_sum3A_127 = vector.extract %reduce_sum3A_126[15] : i32 from vector<16xi32>
    %jit3A_128 = arith.constant 16 : i32
    %div3A_129 = arith.divsi %scan3A_9, %jit3A_128 : i32
    %sign3A_130 = arith.constant 0 : i32
    %sign3A_131 = arith.cmpi sgt, %scan3A_9, %sign3A_130 : i32
    %sign3A_132 = arith.extui %sign3A_131 : i1 to i32
    %sign3A_133 = arith.constant 0 : i32
    %sign3A_134 = arith.cmpi slt, %scan3A_9, %sign3A_133 : i32
    %sign3A_135 = arith.extui %sign3A_134 : i1 to i32
    %sign3A_136 = arith.subi %sign3A_132, %sign3A_135 : i32
    %sign3A_137 = arith.constant 0 : i32
    %sign3A_138 = arith.cmpi sgt, %jit3A_128, %sign3A_137 : i32
    %sign3A_139 = arith.extui %sign3A_138 : i1 to i32
    %sign3A_140 = arith.constant 0 : i32
    %sign3A_141 = arith.cmpi slt, %jit3A_128, %sign3A_140 : i32
    %sign3A_142 = arith.extui %sign3A_141 : i1 to i32
    %sign3A_143 = arith.subi %sign3A_139, %sign3A_142 : i32
    %ne3A_144 = arith.cmpi ne, %sign3A_136, %sign3A_143 : i32
    %rem3A_145 = arith.remsi %scan3A_9, %jit3A_128 : i32
    %ne3A_146 = arith.constant 0 : i32
    %ne3A_147 = arith.cmpi ne, %rem3A_145, %ne3A_146 : i32
    %and3A_148 = arith.andi %ne3A_144, %ne3A_147 : i1
    %sub3A_149 = arith.constant 1 : i32
    %sub3A_150 = arith.subi %div3A_129, %sub3A_149 : i32
    %select_n3A_151 = arith.select %and3A_148, %sub3A_150, %div3A_129 : i32
    %scan3A_152 = arith.constant 0 : i32
    %scan3A_153 = arith.constant 0 : i32
    %scan3A_154 = arith.constant 17 : i32
    %scan3A_155 = arith.addi %scan3A_153, %scan3A_154 : i32
    %scan3A_156 = arith.constant 1 : i32
    scf.for %scan3A_253 = %scan3A_153 to %scan3A_155 step %scan3A_156  : i32 {
      %mul3A_254 = arith.constant 2 : i32
      %mul3A_255 = arith.muli %scan3A_253, %mul3A_254 : i32
      %add3A_256 = arith.constant 0 : i32
      %add3A_257 = arith.addi %mul3A_255, %add3A_256 : i32
      %mul3A_258 = arith.constant 16 : i32
      %mul3A_259 = arith.muli %add3A_257, %mul3A_258 : i32
      %add3A_260 = arith.constant 16 : i32
      %add3A_261 = arith.addi %mul3A_259, %add3A_260 : i32
      %le3A = arith.cmpi sle, %add3A_261, %scan3A_9 : i32
      %convert_element_type3A_262 = arith.extui %le3A : i1 to i32
      %cond3A_263 = arith.constant 0 : i32
      %cond3A_264 = arith.cmpi ne, %convert_element_type3A_262, %cond3A_263 : i32
      scf.if %cond3A_264 {
        %ge3A_295 = arith.constant 2 : i32
        %ge3A_296 = arith.cmpi sge, %add3A_257, %ge3A_295 : i32
        %convert_element_type3A_297 = arith.extui %ge3A_296 : i1 to i32
        %cond3A_298 = arith.constant 0 : i32
        %cond3A_299 = arith.cmpi ne, %convert_element_type3A_297, %cond3A_298 : i32
        scf.if %cond3A_299 {
          %dma_wait3A = arith.constant 0 : i32
          %dma_wait3A_312 = arith.constant 0 : i32
          %dma_wait3A_313 = tpu.memref_slice %arg5[%dma_wait3A, %dma_wait3A_312] : memref<16384x2048xf32, #tpu.memory_space<hbm>> -> memref<16384x2048xf32, #tpu.memory_space<hbm>>
          tpu.wait_indirect_dma semaphore(%arg28 : memref<!tpu.dma_semaphore, #tpu.memory_space<semaphore_mem>>) src(%arg21 : memref<16x2048xf32, #tpu.memory_space<vmem>>) dst(%dma_wait3A_313 : memref<16384x2048xf32, #tpu.memory_space<hbm>>)
        } else {
        }
        %get3A_300 = arith.index_cast %mul3A_259 : i32 to index
        %get3A_301 = tpu.vector_load %arg7[%get3A_300] {strides = array<i32>} : memref<512xi32, #tpu.memory_space<vmem>>, vector<16xi32>,
        %swap3A = arith.constant 0 : index
        %swap3A_302 = tpu.vector_load %arg10[%swap3A] {strides = array<i32>} : memref<16xi32, #tpu.memory_space<vmem>>, vector<16xi32>,
        tpu.vector_store %arg10[%swap3A], %get3A_301 {strides = array<i32>} : memref<16xi32, #tpu.memory_space<vmem>>, vector<16xi32>,
        %add3A_303 = arith.addi %reduce_sum3A_127, %mul3A_259 : i32
        %add3A_304 = vector.broadcast %add3A_303 : i32 to vector<16xi32>
        %add3A_305 = arith.addi %add3A_304, %iota3A : vector<16xi32>
        %jit3A_306 = arith.constant true
        %select_n3A_307 = arith.select %jit3A_306, %add3A_305, %get3A_301 : vector<16xi32>
        %swap3A_308 = arith.constant 0 : index
        %swap3A_309 = tpu.vector_load %arg9[%swap3A_308] {strides = array<i32>} : memref<16xi32, #tpu.memory_space<vmem>>, vector<16xi32>,
        tpu.vector_store %arg9[%swap3A_308], %select_n3A_307 {strides = array<i32>} : memref<16xi32, #tpu.memory_space<vmem>>, vector<16xi32>,
        %dma_start3A = arith.constant 0 : i32
        %dma_start3A_310 = arith.constant 0 : i32
        %dma_start3A_311 = tpu.memref_slice %arg4[%dma_start3A, %dma_start3A_310] : memref<16384x2048xf32, #tpu.memory_space<hbm>> -> memref<16384x2048xf32, #tpu.memory_space<hbm>>
        tpu.enqueue_indirect_dma source(%dma_start3A_311 : memref<16384x2048xf32, #tpu.memory_space<hbm>>) target(%arg21 : memref<16x2048xf32, #tpu.memory_space<vmem>>) offsets(%arg9 : memref<16xi32, #tpu.memory_space<vmem>>) semaphore(%arg27 : memref<!tpu.dma_semaphore, #tpu.memory_space<semaphore_mem>>)
      } else {
      }
      %ge3A_265 = arith.constant 1 : i32
      %ge3A_266 = arith.cmpi sge, %add3A_257, %ge3A_265 : i32
      %sub3A_267 = arith.constant 1 : i32
      %sub3A_268 = arith.subi %add3A_257, %sub3A_267 : i32
      %lt3A_269 = arith.cmpi slt, %sub3A_268, %select_n3A_151 : i32
      %and3A_270 = arith.andi %ge3A_266, %lt3A_269 : i1
      %convert_element_type3A_271 = arith.extui %and3A_270 : i1 to i32
      %cond3A_272 = arith.constant 0 : i32
      %cond3A_273 = arith.cmpi ne, %convert_element_type3A_271, %cond3A_272 : i32
      scf.if %cond3A_273 {
        %dma_wait3A = arith.constant 0 : i32
        %dma_wait3A_295 = arith.constant 0 : i32
        %dma_wait3A_296 = tpu.memref_slice %arg4[%dma_wait3A, %dma_wait3A_295] : memref<16384x2048xf32, #tpu.memory_space<hbm>> -> memref<16384x2048xf32, #tpu.memory_space<hbm>>
        tpu.wait_indirect_dma semaphore(%arg29 : memref<!tpu.dma_semaphore, #tpu.memory_space<semaphore_mem>>) src(%dma_wait3A_296 : memref<16384x2048xf32, #tpu.memory_space<hbm>>) dst(%arg22 : memref<16x2048xf32, #tpu.memory_space<vmem>>)
        %dma_start3A = arith.constant 0 : i32
        %dma_start3A_297 = arith.constant 0 : i32
        %dma_start3A_298 = tpu.memref_slice %arg5[%dma_start3A, %dma_start3A_297] : memref<16384x2048xf32, #tpu.memory_space<hbm>> -> memref<16384x2048xf32, #tpu.memory_space<hbm>>
        tpu.enqueue_indirect_dma source(%arg22 : memref<16x2048xf32, #tpu.memory_space<vmem>>) target(%dma_start3A_298 : memref<16384x2048xf32, #tpu.memory_space<hbm>>) offsets(%arg12 : memref<16xi32, #tpu.memory_space<vmem>>) semaphore(%arg30 : memref<!tpu.dma_semaphore, #tpu.memory_space<semaphore_mem>>)
      } else {
      }
      %mul3A_274 = arith.constant 2 : i32
      %mul3A_275 = arith.muli %scan3A_253, %mul3A_274 : i32
      %add3A_276 = arith.constant 1 : i32
      %add3A_277 = arith.addi %mul3A_275, %add3A_276 : i32
      %mul3A_278 = arith.constant 16 : i32
      %mul3A_279 = arith.muli %add3A_277, %mul3A_278 : i32
      %add3A_280 = arith.constant 16 : i32
      %add3A_281 = arith.addi %mul3A_279, %add3A_280 : i32
      %le3A_282 = arith.cmpi sle, %add3A_281, %scan3A_9 : i32
      %convert_element_type3A_283 = arith.extui %le3A_282 : i1 to i32
      %cond3A_284 = arith.constant 0 : i32
      %cond3A_285 = arith.cmpi ne, %convert_element_type3A_283, %cond3A_284 : i32
      scf.if %cond3A_285 {
        %ge3A_295 = arith.constant 2 : i32
        %ge3A_296 = arith.cmpi sge, %add3A_277, %ge3A_295 : i32
        %convert_element_type3A_297 = arith.extui %ge3A_296 : i1 to i32
        %cond3A_298 = arith.constant 0 : i32
        %cond3A_299 = arith.cmpi ne, %convert_element_type3A_297, %cond3A_298 : i32
        scf.if %cond3A_299 {
          %dma_wait3A = arith.constant 0 : i32
          %dma_wait3A_312 = arith.constant 0 : i32
          %dma_wait3A_313 = tpu.memref_slice %arg5[%dma_wait3A, %dma_wait3A_312] : memref<16384x2048xf32, #tpu.memory_space<hbm>> -> memref<16384x2048xf32, #tpu.memory_space<hbm>>
          tpu.wait_indirect_dma semaphore(%arg30 : memref<!tpu.dma_semaphore, #tpu.memory_space<semaphore_mem>>) src(%arg22 : memref<16x2048xf32, #tpu.memory_space<vmem>>) dst(%dma_wait3A_313 : memref<16384x2048xf32, #tpu.memory_space<hbm>>)
        } else {
        }
        %get3A_300 = arith.index_cast %mul3A_279 : i32 to index
        %get3A_301 = tpu.vector_load %arg7[%get3A_300] {strides = array<i32>} : memref<512xi32, #tpu.memory_space<vmem>>, vector<16xi32>,
        %swap3A = arith.constant 0 : index
        %swap3A_302 = tpu.vector_load %arg12[%swap3A] {strides = array<i32>} : memref<16xi32, #tpu.memory_space<vmem>>, vector<16xi32>,
        tpu.vector_store %arg12[%swap3A], %get3A_301 {strides = array<i32>} : memref<16xi32, #tpu.memory_space<vmem>>, vector<16xi32>,
        %add3A_303 = arith.addi %reduce_sum3A_127, %mul3A_279 : i32
        %add3A_304 = vector.broadcast %add3A_303 : i32 to vector<16xi32>
        %add3A_305 = arith.addi %add3A_304, %iota3A : vector<16xi32>
        %jit3A_306 = arith.constant true
        %select_n3A_307 = arith.select %jit3A_306, %add3A_305, %get3A_301 : vector<16xi32>
        %swap3A_308 = arith.constant 0 : index
        %swap3A_309 = tpu.vector_load %arg11[%swap3A_308] {strides = array<i32>} : memref<16xi32, #tpu.memory_space<vmem>>, vector<16xi32>,
        tpu.vector_store %arg11[%swap3A_308], %select_n3A_307 {strides = array<i32>} : memref<16xi32, #tpu.memory_space<vmem>>, vector<16xi32>,
        %dma_start3A = arith.constant 0 : i32
        %dma_start3A_310 = arith.constant 0 : i32
        %dma_start3A_311 = tpu.memref_slice %arg4[%dma_start3A, %dma_start3A_310] : memref<16384x2048xf32, #tpu.memory_space<hbm>> -> memref<16384x2048xf32, #tpu.memory_space<hbm>>
        tpu.enqueue_indirect_dma source(%dma_start3A_311 : memref<16384x2048xf32, #tpu.memory_space<hbm>>) target(%arg22 : memref<16x2048xf32, #tpu.memory_space<vmem>>) offsets(%arg11 : memref<16xi32, #tpu.memory_space<vmem>>) semaphore(%arg29 : memref<!tpu.dma_semaphore, #tpu.memory_space<semaphore_mem>>)
      } else {
      }
      %ge3A_286 = arith.constant 1 : i32
      %ge3A_287 = arith.cmpi sge, %add3A_277, %ge3A_286 : i32
      %sub3A_288 = arith.constant 1 : i32
      %sub3A_289 = arith.subi %add3A_277, %sub3A_288 : i32
      %lt3A_290 = arith.cmpi slt, %sub3A_289, %select_n3A_151 : i32
      %and3A_291 = arith.andi %ge3A_287, %lt3A_290 : i1
      %convert_element_type3A_292 = arith.extui %and3A_291 : i1 to i32
      %cond3A_293 = arith.constant 0 : i32
      %cond3A_294 = arith.cmpi ne, %convert_element_type3A_292, %cond3A_293 : i32
      scf.if %cond3A_294 {
        %dma_wait3A = arith.constant 0 : i32
        %dma_wait3A_295 = arith.constant 0 : i32
        %dma_wait3A_296 = tpu.memref_slice %arg4[%dma_wait3A, %dma_wait3A_295] : memref<16384x2048xf32, #tpu.memory_space<hbm>> -> memref<16384x2048xf32, #tpu.memory_space<hbm>>
        tpu.wait_indirect_dma semaphore(%arg27 : memref<!tpu.dma_semaphore, #tpu.memory_space<semaphore_mem>>) src(%dma_wait3A_296 : memref<16384x2048xf32, #tpu.memory_space<hbm>>) dst(%arg21 : memref<16x2048xf32, #tpu.memory_space<vmem>>)
        %dma_start3A = arith.constant 0 : i32
        %dma_start3A_297 = arith.constant 0 : i32
        %dma_start3A_298 = tpu.memref_slice %arg5[%dma_start3A, %dma_start3A_297] : memref<16384x2048xf32, #tpu.memory_space<hbm>> -> memref<16384x2048xf32, #tpu.memory_space<hbm>>
        tpu.enqueue_indirect_dma source(%arg21 : memref<16x2048xf32, #tpu.memory_space<vmem>>) target(%dma_start3A_298 : memref<16384x2048xf32, #tpu.memory_space<hbm>>) offsets(%arg10 : memref<16xi32, #tpu.memory_space<vmem>>) semaphore(%arg28 : memref<!tpu.dma_semaphore, #tpu.memory_space<semaphore_mem>>)
      } else {
      }
    }
    %scan3A_157 = arith.constant 17 : i32
    %ge3A_158 = arith.constant 1 : i32
    %ge3A_159 = arith.cmpi sge, %select_n3A_151, %ge3A_158 : i32
    %convert_element_type3A_160 = arith.extui %ge3A_159 : i1 to i32
    %cond3A_161 = arith.constant 0 : i32
    %cond3A_162 = arith.cmpi ne, %convert_element_type3A_160, %cond3A_161 : i32
    scf.if %cond3A_162 {
      %dma_wait3A = arith.constant 0 : i32
      %dma_wait3A_253 = arith.constant 0 : i32
      %dma_wait3A_254 = tpu.memref_slice %arg5[%dma_wait3A, %dma_wait3A_253] : memref<16384x2048xf32, #tpu.memory_space<hbm>> -> memref<16384x2048xf32, #tpu.memory_space<hbm>>
      tpu.wait_indirect_dma semaphore(%arg28 : memref<!tpu.dma_semaphore, #tpu.memory_space<semaphore_mem>>) src(%arg21 : memref<16x2048xf32, #tpu.memory_space<vmem>>) dst(%dma_wait3A_254 : memref<16384x2048xf32, #tpu.memory_space<hbm>>)
    } else {
    }
    %ge3A_163 = arith.constant 2 : i32
    %ge3A_164 = arith.cmpi sge, %select_n3A_151, %ge3A_163 : i32
    %convert_element_type3A_165 = arith.extui %ge3A_164 : i1 to i32
    %cond3A_166 = arith.constant 0 : i32
    %cond3A_167 = arith.cmpi ne, %convert_element_type3A_165, %cond3A_166 : i32
    scf.if %cond3A_167 {
      %dma_wait3A = arith.constant 0 : i32
      %dma_wait3A_253 = arith.constant 0 : i32
      %dma_wait3A_254 = tpu.memref_slice %arg5[%dma_wait3A, %dma_wait3A_253] : memref<16384x2048xf32, #tpu.memory_space<hbm>> -> memref<16384x2048xf32, #tpu.memory_space<hbm>>
      tpu.wait_indirect_dma semaphore(%arg30 : memref<!tpu.dma_semaphore, #tpu.memory_space<semaphore_mem>>) src(%arg22 : memref<16x2048xf32, #tpu.memory_space<vmem>>) dst(%dma_wait3A_254 : memref<16384x2048xf32, #tpu.memory_space<hbm>>)
    } else {
    }
    %jit3A_168 = arith.constant 16 : i32
    %eq3A_169 = arith.constant 0 : i32
    %eq3A_170 = arith.cmpi eq, %jit3A_168, %eq3A_169 : i32
    %jit3A_171 = arith.constant 1 : i32
    %select_n3A_172 = arith.select %eq3A_170, %jit3A_171, %jit3A_168 : i32
    %rem3A_173 = arith.remsi %scan3A_9, %select_n3A_172 : i32
    %ne3A_174 = arith.constant 0 : i32
    %ne3A_175 = arith.cmpi ne, %rem3A_173, %ne3A_174 : i32
    %lt3A_176 = arith.constant 0 : i32
    %lt3A_177 = arith.cmpi slt, %rem3A_173, %lt3A_176 : i32
    %lt3A_178 = arith.constant 0 : i32
    %lt3A_179 = arith.cmpi slt, %select_n3A_172, %lt3A_178 : i32
    %ne3A_180 = arith.xori %lt3A_177, %lt3A_179 : i1
    %and3A_181 = arith.andi %ne3A_180, %ne3A_175 : i1
    %add3A_182 = arith.addi %rem3A_173, %select_n3A_172 : i32
    %select_n3A_183 = arith.select %and3A_181, %add3A_182, %rem3A_173 : i32
    %sub3A_184 = arith.subi %scan3A_9, %select_n3A_183 : i32
    %min3A_185 = arith.constant 496 : i32
    %min3A_186 = arith.minsi %sub3A_184, %min3A_185 : i32
    %get3A_187 = arith.index_cast %min3A_186 : i32 to index
    %get3A_188 = tpu.vector_load %arg7[%get3A_187] {strides = array<i32>} : memref<512xi32, #tpu.memory_space<vmem>>, vector<16xi32>,
    %add3A_189 = arith.addi %reduce_sum3A_127, %sub3A_184 : i32
    %add3A_190 = vector.broadcast %add3A_189 : i32 to vector<16xi32>
    %add3A_191 = arith.addi %add3A_190, %iota3A : vector<16xi32>
    %jit3A_192 = arith.constant true
    %select_n3A_193 = arith.select %jit3A_192, %add3A_191, %get3A_188 : vector<16xi32>
    %and3A_194 = arith.constant 8 : i32
    %and3A_195 = arith.andi %select_n3A_183, %and3A_194 : i32
    %ne3A_196 = arith.constant 0 : i32
    %ne3A_197 = arith.cmpi ne, %and3A_195, %ne3A_196 : i32
    %convert_element_type3A_198 = arith.extui %ne3A_197 : i1 to i32
    %cond3A_199 = arith.constant 0 : i32
    %cond3A_200 = arith.constant 0 : i32
    %cond3A_201 = arith.cmpi ne, %convert_element_type3A_198, %cond3A_200 : i32
    scf.if %cond3A_201 {
      %ge3A_253 = vector.broadcast %cond3A_199 : i32 to vector<16xi32>
      %ge3A_254 = arith.cmpi sge, %iota3A, %ge3A_253 : vector<16xi32>
      %add3A_255 = arith.constant 8 : i32
      %add3A_256 = arith.addi %cond3A_199, %add3A_255 : i32
      %lt3A_257 = vector.broadcast %add3A_256 : i32 to vector<16xi32>
      %lt3A_258 = arith.cmpi slt, %iota3A, %lt3A_257 : vector<16xi32>
      %and3A_259 = arith.andi %ge3A_254, %lt3A_258 : vector<16xi1>
      %sub3A_260 = vector.broadcast %cond3A_199 : i32 to vector<16xi32>
      %sub3A_261 = arith.subi %iota3A, %sub3A_260 : vector<16xi32>
      tpu.vector_store_idx %arg13[%sub3A_261], %select_n3A_193 masked %and3A_259 : memref<8xi32, #tpu.memory_space<vmem>>[vector<16xi32>], vector<16xi32>, vector<16xi1>
      %sub3A_262 = vector.broadcast %cond3A_199 : i32 to vector<16xi32>
      %sub3A_263 = arith.subi %iota3A, %sub3A_262 : vector<16xi32>
      tpu.vector_store_idx %arg14[%sub3A_263], %get3A_188 masked %and3A_259 : memref<8xi32, #tpu.memory_space<vmem>>[vector<16xi32>], vector<16xi32>, vector<16xi1>
      %dma_start3A = arith.constant 0 : i32
      %dma_start3A_264 = arith.constant 0 : i32
      %dma_start3A_265 = tpu.memref_slice %arg4[%dma_start3A, %dma_start3A_264] : memref<16384x2048xf32, #tpu.memory_space<hbm>> -> memref<16384x2048xf32, #tpu.memory_space<hbm>>
      tpu.enqueue_indirect_dma source(%dma_start3A_265 : memref<16384x2048xf32, #tpu.memory_space<hbm>>) target(%arg23 : memref<8x2048xf32, #tpu.memory_space<vmem>>) offsets(%arg13 : memref<8xi32, #tpu.memory_space<vmem>>) semaphore(%arg31 : memref<!tpu.dma_semaphore, #tpu.memory_space<semaphore_mem>>)
      %dma_wait3A = arith.constant 0 : i32
      %dma_wait3A_266 = arith.constant 0 : i32
      %dma_wait3A_267 = tpu.memref_slice %arg4[%dma_wait3A, %dma_wait3A_266] : memref<16384x2048xf32, #tpu.memory_space<hbm>> -> memref<16384x2048xf32, #tpu.memory_space<hbm>>
      tpu.wait_indirect_dma semaphore(%arg31 : memref<!tpu.dma_semaphore, #tpu.memory_space<semaphore_mem>>) src(%dma_wait3A_267 : memref<16384x2048xf32, #tpu.memory_space<hbm>>) dst(%arg23 : memref<8x2048xf32, #tpu.memory_space<vmem>>)
      %dma_start3A_268 = arith.constant 0 : i32
      %dma_start3A_269 = arith.constant 0 : i32
      %dma_start3A_270 = tpu.memref_slice %arg5[%dma_start3A_268, %dma_start3A_269] : memref<16384x2048xf32, #tpu.memory_space<hbm>> -> memref<16384x2048xf32, #tpu.memory_space<hbm>>
      tpu.enqueue_indirect_dma source(%arg23 : memref<8x2048xf32, #tpu.memory_space<vmem>>) target(%dma_start3A_270 : memref<16384x2048xf32, #tpu.memory_space<hbm>>) offsets(%arg14 : memref<8xi32, #tpu.memory_space<vmem>>) semaphore(%arg31 : memref<!tpu.dma_semaphore, #tpu.memory_space<semaphore_mem>>)
      %dma_wait3A_271 = arith.constant 0 : i32
      %dma_wait3A_272 = arith.constant 0 : i32
      %dma_wait3A_273 = tpu.memref_slice %arg5[%dma_wait3A_271, %dma_wait3A_272] : memref<16384x2048xf32, #tpu.memory_space<hbm>> -> memref<16384x2048xf32, #tpu.memory_space<hbm>>
      tpu.wait_indirect_dma semaphore(%arg31 : memref<!tpu.dma_semaphore, #tpu.memory_space<semaphore_mem>>) src(%arg23 : memref<8x2048xf32, #tpu.memory_space<vmem>>) dst(%dma_wait3A_273 : memref<16384x2048xf32, #tpu.memory_space<hbm>>)
    } else {
    }
    %and3A_202 = arith.constant 8 : i32
    %and3A_203 = arith.andi %select_n3A_183, %and3A_202 : i32
    %ne3A_204 = arith.constant 0 : i32
    %ne3A_205 = arith.cmpi ne, %and3A_203, %ne3A_204 : i32
    %add3A_206 = arith.constant 0 : i32
    %add3A_207 = arith.constant 8 : i32
    %add3A_208 = arith.addi %add3A_206, %add3A_207 : i32
    %jit3A_209 = arith.constant 0 : i32
    %select_n3A_210 = arith.select %ne3A_205, %add3A_208, %jit3A_209 : i32
    %and3A_211 = arith.constant 4 : i32
    %and3A_212 = arith.andi %select_n3A_183, %and3A_211 : i32
    %ne3A_213 = arith.constant 0 : i32
    %ne3A_214 = arith.cmpi ne, %and3A_212, %ne3A_213 : i32
    %convert_element_type3A_215 = arith.extui %ne3A_214 : i1 to i32
    %cond3A_216 = arith.constant 0 : i32
    %cond3A_217 = arith.cmpi ne, %convert_element_type3A_215, %cond3A_216 : i32
    scf.if %cond3A_217 {
      %ge3A_253 = vector.broadcast %select_n3A_210 : i32 to vector<16xi32>
      %ge3A_254 = arith.cmpi sge, %iota3A, %ge3A_253 : vector<16xi32>
      %add3A_255 = arith.constant 4 : i32
      %add3A_256 = arith.addi %select_n3A_210, %add3A_255 : i32
      %lt3A_257 = vector.broadcast %add3A_256 : i32 to vector<16xi32>
      %lt3A_258 = arith.cmpi slt, %iota3A, %lt3A_257 : vector<16xi32>
      %and3A_259 = arith.andi %ge3A_254, %lt3A_258 : vector<16xi1>
      %sub3A_260 = vector.broadcast %select_n3A_210 : i32 to vector<16xi32>
      %sub3A_261 = arith.subi %iota3A, %sub3A_260 : vector<16xi32>
      tpu.vector_store_idx %arg15[%sub3A_261], %select_n3A_193 masked %and3A_259 : memref<4xi32, #tpu.memory_space<vmem>>[vector<16xi32>], vector<16xi32>, vector<16xi1>
      %sub3A_262 = vector.broadcast %select_n3A_210 : i32 to vector<16xi32>
      %sub3A_263 = arith.subi %iota3A, %sub3A_262 : vector<16xi32>
      tpu.vector_store_idx %arg16[%sub3A_263], %get3A_188 masked %and3A_259 : memref<4xi32, #tpu.memory_space<vmem>>[vector<16xi32>], vector<16xi32>, vector<16xi1>
      %dma_start3A = arith.constant 0 : i32
      %dma_start3A_264 = arith.constant 0 : i32
      %dma_start3A_265 = tpu.memref_slice %arg4[%dma_start3A, %dma_start3A_264] : memref<16384x2048xf32, #tpu.memory_space<hbm>> -> memref<16384x2048xf32, #tpu.memory_space<hbm>>
      tpu.enqueue_indirect_dma source(%dma_start3A_265 : memref<16384x2048xf32, #tpu.memory_space<hbm>>) target(%arg24 : memref<4x2048xf32, #tpu.memory_space<vmem>>) offsets(%arg15 : memref<4xi32, #tpu.memory_space<vmem>>) semaphore(%arg31 : memref<!tpu.dma_semaphore, #tpu.memory_space<semaphore_mem>>)
      %dma_wait3A = arith.constant 0 : i32
      %dma_wait3A_266 = arith.constant 0 : i32
      %dma_wait3A_267 = tpu.memref_slice %arg4[%dma_wait3A, %dma_wait3A_266] : memref<16384x2048xf32, #tpu.memory_space<hbm>> -> memref<16384x2048xf32, #tpu.memory_space<hbm>>
      tpu.wait_indirect_dma semaphore(%arg31 : memref<!tpu.dma_semaphore, #tpu.memory_space<semaphore_mem>>) src(%dma_wait3A_267 : memref<16384x2048xf32, #tpu.memory_space<hbm>>) dst(%arg24 : memref<4x2048xf32, #tpu.memory_space<vmem>>)
      %dma_start3A_268 = arith.constant 0 : i32
      %dma_start3A_269 = arith.constant 0 : i32
      %dma_start3A_270 = tpu.memref_slice %arg5[%dma_start3A_268, %dma_start3A_269] : memref<16384x2048xf32, #tpu.memory_space<hbm>> -> memref<16384x2048xf32, #tpu.memory_space<hbm>>
      tpu.enqueue_indirect_dma source(%arg24 : memref<4x2048xf32, #tpu.memory_space<vmem>>) target(%dma_start3A_270 : memref<16384x2048xf32, #tpu.memory_space<hbm>>) offsets(%arg16 : memref<4xi32, #tpu.memory_space<vmem>>) semaphore(%arg31 : memref<!tpu.dma_semaphore, #tpu.memory_space<semaphore_mem>>)
      %dma_wait3A_271 = arith.constant 0 : i32
      %dma_wait3A_272 = arith.constant 0 : i32
      %dma_wait3A_273 = tpu.memref_slice %arg5[%dma_wait3A_271, %dma_wait3A_272] : memref<16384x2048xf32, #tpu.memory_space<hbm>> -> memref<16384x2048xf32, #tpu.memory_space<hbm>>
      tpu.wait_indirect_dma semaphore(%arg31 : memref<!tpu.dma_semaphore, #tpu.memory_space<semaphore_mem>>) src(%arg24 : memref<4x2048xf32, #tpu.memory_space<vmem>>) dst(%dma_wait3A_273 : memref<16384x2048xf32, #tpu.memory_space<hbm>>)
    } else {
    }
    %and3A_218 = arith.constant 4 : i32
    %and3A_219 = arith.andi %select_n3A_183, %and3A_218 : i32
    %ne3A_220 = arith.constant 0 : i32
    %ne3A_221 = arith.cmpi ne, %and3A_219, %ne3A_220 : i32
    %add3A_222 = arith.constant 4 : i32
    %add3A_223 = arith.addi %select_n3A_210, %add3A_222 : i32
    %select_n3A_224 = arith.select %ne3A_221, %add3A_223, %select_n3A_210 : i32
    %and3A_225 = arith.constant 2 : i32
    %and3A_226 = arith.andi %select_n3A_183, %and3A_225 : i32
    %ne3A_227 = arith.constant 0 : i32
    %ne3A_228 = arith.cmpi ne, %and3A_226, %ne3A_227 : i32
    %convert_element_type3A_229 = arith.extui %ne3A_228 : i1 to i32
    %cond3A_230 = arith.constant 0 : i32
    %cond3A_231 = arith.cmpi ne, %convert_element_type3A_229, %cond3A_230 : i32
    scf.if %cond3A_231 {
      %ge3A_253 = vector.broadcast %select_n3A_224 : i32 to vector<16xi32>
      %ge3A_254 = arith.cmpi sge, %iota3A, %ge3A_253 : vector<16xi32>
      %add3A_255 = arith.constant 2 : i32
      %add3A_256 = arith.addi %select_n3A_224, %add3A_255 : i32
      %lt3A_257 = vector.broadcast %add3A_256 : i32 to vector<16xi32>
      %lt3A_258 = arith.cmpi slt, %iota3A, %lt3A_257 : vector<16xi32>
      %and3A_259 = arith.andi %ge3A_254, %lt3A_258 : vector<16xi1>
      %sub3A_260 = vector.broadcast %select_n3A_224 : i32 to vector<16xi32>
      %sub3A_261 = arith.subi %iota3A, %sub3A_260 : vector<16xi32>
      tpu.vector_store_idx %arg17[%sub3A_261], %select_n3A_193 masked %and3A_259 : memref<2xi32, #tpu.memory_space<vmem>>[vector<16xi32>], vector<16xi32>, vector<16xi1>
      %sub3A_262 = vector.broadcast %select_n3A_224 : i32 to vector<16xi32>
      %sub3A_263 = arith.subi %iota3A, %sub3A_262 : vector<16xi32>
      tpu.vector_store_idx %arg18[%sub3A_263], %get3A_188 masked %and3A_259 : memref<2xi32, #tpu.memory_space<vmem>>[vector<16xi32>], vector<16xi32>, vector<16xi1>
      %dma_start3A = arith.constant 0 : i32
      %dma_start3A_264 = arith.constant 0 : i32
      %dma_start3A_265 = tpu.memref_slice %arg4[%dma_start3A, %dma_start3A_264] : memref<16384x2048xf32, #tpu.memory_space<hbm>> -> memref<16384x2048xf32, #tpu.memory_space<hbm>>
      tpu.enqueue_indirect_dma source(%dma_start3A_265 : memref<16384x2048xf32, #tpu.memory_space<hbm>>) target(%arg25 : memref<2x2048xf32, #tpu.memory_space<vmem>>) offsets(%arg17 : memref<2xi32, #tpu.memory_space<vmem>>) semaphore(%arg31 : memref<!tpu.dma_semaphore, #tpu.memory_space<semaphore_mem>>)
      %dma_wait3A = arith.constant 0 : i32
      %dma_wait3A_266 = arith.constant 0 : i32
      %dma_wait3A_267 = tpu.memref_slice %arg4[%dma_wait3A, %dma_wait3A_266] : memref<16384x2048xf32, #tpu.memory_space<hbm>> -> memref<16384x2048xf32, #tpu.memory_space<hbm>>
      tpu.wait_indirect_dma semaphore(%arg31 : memref<!tpu.dma_semaphore, #tpu.memory_space<semaphore_mem>>) src(%dma_wait3A_267 : memref<16384x2048xf32, #tpu.memory_space<hbm>>) dst(%arg25 : memref<2x2048xf32, #tpu.memory_space<vmem>>)
      %dma_start3A_268 = arith.constant 0 : i32
      %dma_start3A_269 = arith.constant 0 : i32
      %dma_start3A_270 = tpu.memref_slice %arg5[%dma_start3A_268, %dma_start3A_269] : memref<16384x2048xf32, #tpu.memory_space<hbm>> -> memref<16384x2048xf32, #tpu.memory_space<hbm>>
      tpu.enqueue_indirect_dma source(%arg25 : memref<2x2048xf32, #tpu.memory_space<vmem>>) target(%dma_start3A_270 : memref<16384x2048xf32, #tpu.memory_space<hbm>>) offsets(%arg18 : memref<2xi32, #tpu.memory_space<vmem>>) semaphore(%arg31 : memref<!tpu.dma_semaphore, #tpu.memory_space<semaphore_mem>>)
      %dma_wait3A_271 = arith.constant 0 : i32
      %dma_wait3A_272 = arith.constant 0 : i32
      %dma_wait3A_273 = tpu.memref_slice %arg5[%dma_wait3A_271, %dma_wait3A_272] : memref<16384x2048xf32, #tpu.memory_space<hbm>> -> memref<16384x2048xf32, #tpu.memory_space<hbm>>
      tpu.wait_indirect_dma semaphore(%arg31 : memref<!tpu.dma_semaphore, #tpu.memory_space<semaphore_mem>>) src(%arg25 : memref<2x2048xf32, #tpu.memory_space<vmem>>) dst(%dma_wait3A_273 : memref<16384x2048xf32, #tpu.memory_space<hbm>>)
    } else {
    }
    %and3A_232 = arith.constant 2 : i32
    %and3A_233 = arith.andi %select_n3A_183, %and3A_232 : i32
    %ne3A_234 = arith.constant 0 : i32
    %ne3A_235 = arith.cmpi ne, %and3A_233, %ne3A_234 : i32
    %add3A_236 = arith.constant 2 : i32
    %add3A_237 = arith.addi %select_n3A_224, %add3A_236 : i32
    %select_n3A_238 = arith.select %ne3A_235, %add3A_237, %select_n3A_224 : i32
    %and3A_239 = arith.constant 1 : i32
    %and3A_240 = arith.andi %select_n3A_183, %and3A_239 : i32
    %ne3A_241 = arith.constant 0 : i32
    %ne3A_242 = arith.cmpi ne, %and3A_240, %ne3A_241 : i32
    %convert_element_type3A_243 = arith.extui %ne3A_242 : i1 to i32
    %cond3A_244 = arith.constant 0 : i32
    %cond3A_245 = arith.cmpi ne, %convert_element_type3A_243, %cond3A_244 : i32
    scf.if %cond3A_245 {
      %ge3A_253 = vector.broadcast %select_n3A_238 : i32 to vector<16xi32>
      %ge3A_254 = arith.cmpi sge, %iota3A, %ge3A_253 : vector<16xi32>
      %add3A_255 = arith.constant 1 : i32
      %add3A_256 = arith.addi %select_n3A_238, %add3A_255 : i32
      %lt3A_257 = vector.broadcast %add3A_256 : i32 to vector<16xi32>
      %lt3A_258 = arith.cmpi slt, %iota3A, %lt3A_257 : vector<16xi32>
      %and3A_259 = arith.andi %ge3A_254, %lt3A_258 : vector<16xi1>
      %sub3A_260 = vector.broadcast %select_n3A_238 : i32 to vector<16xi32>
      %sub3A_261 = arith.subi %iota3A, %sub3A_260 : vector<16xi32>
      tpu.vector_store_idx %arg19[%sub3A_261], %select_n3A_193 masked %and3A_259 : memref<1xi32, #tpu.memory_space<vmem>>[vector<16xi32>], vector<16xi32>, vector<16xi1>
      %sub3A_262 = vector.broadcast %select_n3A_238 : i32 to vector<16xi32>
      %sub3A_263 = arith.subi %iota3A, %sub3A_262 : vector<16xi32>
      tpu.vector_store_idx %arg20[%sub3A_263], %get3A_188 masked %and3A_259 : memref<1xi32, #tpu.memory_space<vmem>>[vector<16xi32>], vector<16xi32>, vector<16xi1>
      %dma_start3A = arith.constant 0 : i32
      %dma_start3A_264 = arith.constant 0 : i32
      %dma_start3A_265 = tpu.memref_slice %arg4[%dma_start3A, %dma_start3A_264] : memref<16384x2048xf32, #tpu.memory_space<hbm>> -> memref<16384x2048xf32, #tpu.memory_space<hbm>>
      tpu.enqueue_indirect_dma source(%dma_start3A_265 : memref<16384x2048xf32, #tpu.memory_space<hbm>>) target(%arg26 : memref<1x2048xf32, #tpu.memory_space<vmem>>) offsets(%arg19 : memref<1xi32, #tpu.memory_space<vmem>>) semaphore(%arg31 : memref<!tpu.dma_semaphore, #tpu.memory_space<semaphore_mem>>)
      %dma_wait3A = arith.constant 0 : i32
      %dma_wait3A_266 = arith.constant 0 : i32
      %dma_wait3A_267 = tpu.memref_slice %arg4[%dma_wait3A, %dma_wait3A_266] : memref<16384x2048xf32, #tpu.memory_space<hbm>> -> memref<16384x2048xf32, #tpu.memory_space<hbm>>
      tpu.wait_indirect_dma semaphore(%arg31 : memref<!tpu.dma_semaphore, #tpu.memory_space<semaphore_mem>>) src(%dma_wait3A_267 : memref<16384x2048xf32, #tpu.memory_space<hbm>>) dst(%arg26 : memref<1x2048xf32, #tpu.memory_space<vmem>>)
      %dma_start3A_268 = arith.constant 0 : i32
      %dma_start3A_269 = arith.constant 0 : i32
      %dma_start3A_270 = tpu.memref_slice %arg5[%dma_start3A_268, %dma_start3A_269] : memref<16384x2048xf32, #tpu.memory_space<hbm>> -> memref<16384x2048xf32, #tpu.memory_space<hbm>>
      tpu.enqueue_indirect_dma source(%arg26 : memref<1x2048xf32, #tpu.memory_space<vmem>>) target(%dma_start3A_270 : memref<16384x2048xf32, #tpu.memory_space<hbm>>) offsets(%arg20 : memref<1xi32, #tpu.memory_space<vmem>>) semaphore(%arg31 : memref<!tpu.dma_semaphore, #tpu.memory_space<semaphore_mem>>)
      %dma_wait3A_271 = arith.constant 0 : i32
      %dma_wait3A_272 = arith.constant 0 : i32
      %dma_wait3A_273 = tpu.memref_slice %arg5[%dma_wait3A_271, %dma_wait3A_272] : memref<16384x2048xf32, #tpu.memory_space<hbm>> -> memref<16384x2048xf32, #tpu.memory_space<hbm>>
      tpu.wait_indirect_dma semaphore(%arg31 : memref<!tpu.dma_semaphore, #tpu.memory_space<semaphore_mem>>) src(%arg26 : memref<1x2048xf32, #tpu.memory_space<vmem>>) dst(%dma_wait3A_273 : memref<16384x2048xf32, #tpu.memory_space<hbm>>)
    } else {
    }
    %and3A_246 = arith.constant 1 : i32
    %and3A_247 = arith.andi %select_n3A_183, %and3A_246 : i32
    %ne3A_248 = arith.constant 0 : i32
    %ne3A_249 = arith.cmpi ne, %and3A_247, %ne3A_248 : i32
    %add3A_250 = arith.constant 1 : i32
    %add3A_251 = arith.addi %select_n3A_238, %add3A_250 : i32
    %select_n3A_252 = arith.select %ne3A_249, %add3A_251, %select_n3A_238 : i32
    return
  }
}

</mosaic_0001>

<sc_bundles>
// kernel: _scatter.3.cloned.1.call-start
scs
__scs_entry_jumppad:
0x0: {  	(pc) =	sbr.rel $0x88, $3  }
0x1: {  	(tag) =	ssettag $0x0;
	lr =	simm.s32 $0x1  }
0x2: {  	[smem:$0x3F9E] =	sst lr;
	_ =	strace $0xD0000000  }
0x3: {  	_ = 	snop  }
0x4: {  	_ = 	snop  }
0x5: {  	_ = 	snop  }
0x6: {  	_ = 	snop  }
0x7: {  	_ = 	snop  }
__scs_overlays_trampoline_lowered:
0x8: {  	[smem:$0x3FAD] =	sst s0  }
0x9: {  	[smem:$0x3FAE] =	sst s1  }
0xa: {  	[smem:$0x3FAF] =	sst s2  }
0xb: {  	[smem:$0x3FB0] =	sst s3  }
0xc: {  	[smem:$0x3FB1] =	sst s4  }
0xd: {  	[smem:$0x3FB2] =	sst s5  }
0xe: {  	[smem:$0x3FB3] =	sst s6  }
0xf: {  	[smem:$0x3FB4] =	sst s7  }
0x10: {  	[smem:$0x3FB5] =	sst s8  }
0x11: {  	[smem:$0x3FB6] =	sst s9;
	s0 =	simm.s32 @!p0 $0x0  }
0x12: {  	s1 =	sld [smem:$0x3F9C];
	s0 =	simm.s32 @p0 $0x1  }
0x13: {  	[smem:$0x3FB7] =	sst s0;
	s0 =	simm.s32 @!p1 $0x0  }
0x14: {  	s2 =	sld [smem:$0x3F9B];
	s0 =	simm.s32 @p1 $0x1  }
0x15: {  	[smem:$0x3FB8] =	sst s0;
	s0 =	simm.s32 @!p2 $0x0  }
0x16: {  	s3 =	sld [smem:$0x3FDB];
	s0 =	simm.s32 @p2 $0x1  }
0x17: {  	s4 =	simm.s32 $0x1BF5;
	[smem:$0x3FBA] =	sst s0  }
0x18: {  	s0 =	sld [smem:$0x3F9D];
	_ =	swait.ge [sflag:s4], $0x0  }
0x19: {  	s7 =	sld [smem:$0x3F9E]  }
0x1a: {  	s8 =	sadd.s32 $0xFFFFE003, lr  }
0x1b: {  	s9 =	sadd.s32 $0xFFFFFEF7, lr;
	s5 =	simm.s32 $0xFFFFFFFF;
	p2 =	slt.u32 s8, $0xFFFFF086  }
0x1c: {  	p1 =	slt.u32 s9, $0xF7A;
	s5 =	simm.s32 @!p2 $0x0  }
0x1d: {  	s5 =	simm.s32 @p1 $0x1;
	p0 =	seq.s32 s7, s2  }
0x1e: {  	s7 =	smul.u32 @!p0 $0xF7A, s2;
	p2 =	seq.s32 @!p0 s5, $0x0  }
0x1f: {  	s9 =	smul.u32 $0xF7A, s1;
	s8 =	simm.s32 @!p0 $0x1BF5;
	p2 =	por !p2, p0  }
0x20: {  	[sflag:s8] =	ssyncset.s32 @!p0 $0xFFFFF086;
	s6 =	sadd.s32 @!p0 s3, s7;
	s7 =	simm.s32 @!p0 $0x108  }
0x21: {  	s3 =	sadd.s32 s3, s9;
	s6 =	sadd.s32 @!p0 $0x88, s6;
	s7 =	simm.s32 @p2 $0x1082  }
0x22: {  	[simem:s7], [sflag:s8] =	dma.local @!p0 [hbm:s6], $0xF7A  }
0x23: {  	s9 =	sor.u32 $0xD0000000, s2;
	s6 =	simm.s32 $0x108;
	_ =	swait.ge @!p0 [sflag:s8], $0x0  }
0x24: {  	s3 =	sadd.s32 $0x88, s3;
	s6 =	simm.s32 @!p1 $0x1082;
	[sflag:s4] =	ssyncset.s32 $0xFFFFF086  }
0x25: {  	[simem:s6], [sflag:s4] =	dma.local [hbm:s3], $0xF7A  }
0x26: {  	[smem:$0x3F9E] =	sst s1;
	(tag) =	ssettag s2;
	_ =	strace s9  }
0x27: {  	s1 =	sld [smem:$0x3FAE]  }
0x28: {  	s2 =	sld [smem:$0x3FAF]  }
0x29: {  	s4 =	sld [smem:$0x3FB1]  }
0x2a: {  	p0 =	seq.s32 s5, $0x0;
	s5 =	sld [smem:$0x3FB2]  }
0x2b: {  	s6 =	sld [smem:$0x3FB3]  }
0x2c: {  	s7 =	sld [smem:$0x3FB4]  }
0x2d: {  	s3 =	simm.s32 $0x108;
	s8 =	sld [smem:$0x3FB5]  }
0x2e: {  	s3 =	simm.s32 @!p0 $0x1082;
	s9 =	sld [smem:$0x3FB6]  }
0x2f: {  	lr =	sadd.s32 s0, s3;
	s0 =	sld [smem:$0x3FAD]  }
0x30: {  	s3 =	sld [smem:$0x3FB0]  }
0x31: {  	[smem:$0x3FB9] =	sst s10  }
0x32: {  	s10 =	sld [smem:$0x3FB7];
	_ =	sdelay $0x3  }
0x33: {  	p0 =	seq.s32 s10, $0x1;
	s10 =	sld [smem:$0x3FB9];
	_ =	sdelay $0x3  }
0x34: {  	[smem:$0x3FB9] =	sst s10  }
0x35: {  	s10 =	sld [smem:$0x3FB8];
	_ =	sdelay $0x3  }
0x36: {  	p1 =	seq.s32 s10, $0x1;
	s10 =	sld [smem:$0x3FB9];
	_ =	sdelay $0x3  }
0x37: {  	[smem:$0x3FB9] =	sst s10  }
0x38: {  	s10 =	sld [smem:$0x3FBA]  }
0x39: {  	_ = 	snop;
	(pc) =	sbr.ind lr, $3  }
0x3a: {  	_ = 	snop  }
0x3b: {  	_ = 	snop  }
0x3c: {  	p2 =	seq.s32 s10, $0x1;
	s10 =	sld [smem:$0x3FB9]  }
0x3d: {  	_ =	shalt  }
0x3e: {  	_ =	shalt  }
0x3f: {  	_ =	shalt  }
0x40: {  	_ =	shalt  }
0x41: {  	_ =	shalt  }
0x42: {  	_ =	shalt  }
0x43: {  	_ =	shalt  }
0x44: {  	_ =	shalt  }
0x45: {  	_ =	shalt  }
0x46: {  	_ =	shalt  }
0x47: {  	_ =	shalt  }
0x48: {  	_ =	shalt  }
0x49: {  	_ =	shalt  }
0x4a: {  	_ =	shalt  }
0x4b: {  	_ =	shalt  }
0x4c: {  	_ =	shalt  }
0x4d: {  	_ =	shalt  }
0x4e: {  	_ =	shalt  }
0x4f: {  	_ =	shalt  }
0x50: {  	_ =	shalt  }
0x51: {  	_ =	shalt  }
0x52: {  	_ =	shalt  }
0x53: {  	_ =	shalt  }
0x54: {  	_ =	shalt  }
0x55: {  	_ =	shalt  }
0x56: {  	_ =	shalt  }
0x57: {  	_ =	shalt  }
0x58: {  	_ =	shalt  }
0x59: {  	_ =	shalt  }
0x5a: {  	_ =	shalt  }
0x5b: {  	_ =	shalt  }
0x5c: {  	_ =	shalt  }
0x5d: {  	_ =	shalt  }
0x5e: {  	_ =	shalt  }
0x5f: {  	_ =	shalt  }
0x60: {  	_ =	shalt  }
0x61: {  	_ =	shalt  }
0x62: {  	_ =	shalt  }
0x63: {  	_ =	shalt  }
0x64: {  	_ =	shalt  }
0x65: {  	_ =	shalt  }
0x66: {  	_ =	shalt  }
0x67: {  	_ =	shalt  }
0x68: {  	_ =	shalt  }
0x69: {  	_ =	shalt  }
0x6a: {  	_ =	shalt  }
0x6b: {  	_ =	shalt  }
0x6c: {  	_ =	shalt  }
0x6d: {  	_ =	shalt  }
0x6e: {  	_ =	shalt  }
0x6f: {  	_ =	shalt  }
0x70: {  	_ =	shalt  }
0x71: {  	_ =	shalt  }
0x72: {  	_ =	shalt  }
0x73: {  	_ =	shalt  }
0x74: {  	_ =	shalt  }
0x75: {  	_ =	shalt  }
0x76: {  	_ =	shalt  }
0x77: {  	_ =	shalt  }
0x78: {  	_ =	shalt  }
0x79: {  	_ =	shalt  }
0x7a: {  	_ =	shalt  }
0x7b: {  	_ =	shalt  }
0x7c: {  	_ =	shalt  }
0x7d: {  	_ =	shalt  }
0x7e: {  	_ =	shalt  }
0x7f: {  	_ =	shalt  }
0x80: {  	_ =	shalt  }
0x81: {  	_ =	shalt  }
0x82: {  	_ =	shalt  }
0x83: {  	_ =	shalt  }
0x84: {  	_ =	shalt  }
0x85: {  	_ =	shalt  }
0x86: {  	_ =	shalt  }
0x87: {  	_ =	shalt  }
.Lfunc_end0:
.L_simem_size_0:
called_computation_lowered:
.L_overlay_start_0:
0x88: {  	s2 =	sld [smem:$0x3FD9]  }
0x89: {  	s3 =	sld [smem:$0x3FFE];
	_ =	sdelay $0x1  }
0x8a: {  	s1 =	srdreg.scid  }
0x8b: {  	s0 =	sand.u32 $0x1, s1  }
0x8c: {  	s18 =	sshll.u32 s0, $0xA;
	s2 =	sadd.s32 s3, s2  }
0x8d: {  	s2 =	sadd.s32 s2, s18  }
0x8e: {  	[smem:$0x3FC5] =	sst s2  }
0x8f: {  	_ = 	snop  }
0x90: {  	s2 =	sld [smem:$0x3FC9]  }
0x91: {  	s19 =	sld [smem:$0x3FC8]  }
0x92: {  	s4 =	sld [smem:$0x3FC7]  }
0x93: {  	s5 =	sld [smem:$0x3FD0];
	(tm) =	ssettm $0x1  }
0x94: {  	s6 =	sld [smem:$0x3FFB];
	_ =	sdelay $0x3  }
0x95: {  	_ =	strace s6  }
0x96: {  	s6 =	sld [smem:$0x3FFC];
	_ =	sdelay $0x3  }
0x97: {  	_ =	strace s6  }
0x98: {  	s6 =	sld [smem:$0x3FFD];
	_ =	sdelay $0x3  }
0x99: {  	_ =	strace s6  }
0x9a: {  	_ =	strace $0x8FFFFFFF  }
0x9b: {  	s20 =	sld [smem:$0x3FDB];
	_ =	sdelay $0x1  }
0x9c: {  	s7 =	simm.s32 $_scs_section_size  }
0x9d: {  	s8 =	simm.s32 $_size__tile_overlayer_lowered;
	s9 =	simm.s32 $_tile_overlayer_lowered  }
0x9e: {  	s23 =	simm.s32 $0x1BFF;
	s22 =	sshll.u32 s9, $0x1;
	s6 =	sadd.s32 s7, s20  }
0x9f: {  	s10 =	simm.s32 $0x0;
	s21 =	sshll.u32 s8, $0x1;
	s8 =	sadd.s32 s22, s6  }
0xa0: {  	[timem:s10], [sflag:s23] =	dma.local [hbm:s8], s21  }
0xa1: {  	_ =	swait.ge [sflag:s23], s21  }
0xa2: {  	s7 =	ssub.s32 $0x0, s21;
	[sflag:s23] =	ssyncset.done $0x0  }
0xa3: {  	[sflag:s23] =	ssyncadd.s32 s7;
	_ =	sdelay $0x1  }
0xa4: {  	s24 =	simm.s32 $0x1B8B  }
0xa5: {  	_ =	swait.ge [sflag:s24], $0x1  }
0xa6: {  	[sflag:s24] =	ssyncset.done $0x0  }
0xa7: {  	s25 =	simm.s32 $0x1B8E;
	[sflag:s24] =	ssyncadd.s32 $0xFFFFFFFF  }
0xa8: {  	s26 =	simm.s32 $execute0_lowered;
	[smem:$0x3FD2] =	sst s25  }
0xa9: {  	s7 =	sshll.u32 s26, $0x1;
	_ =	strace $0x80000046;
	[dreg:$0x1] =	wrdreg $0xFFFFFFFF  }
0xaa: {  	s28 =	simm.s32 $_size_execute0_lowered;
	s6 =	sadd.s32 s6, s7;
	[dreg:$0x0] =	wrdreg $0x0  }
0xab: {  	s7 =	sshll.u32 s28, $0x1;
	[dreg:$0x2] =	wrdreg s6  }
0xac: {  	[dreg:$0x3] =	wrdreg s7  }
0xad: {  	[dreg:$0x4] =	wrdreg $0xC0  }
0xae: {  	_ =	task [dreg:s10], $0x5FFFF  }
0xaf: {  	[dreg:$0x1] =	wrdreg $0xFFFFFFFF  }
0xb0: {  	[dreg:$0x0] =	wrdreg $0x60  }
0xb1: {  	[dreg:$0x2] =	wrdreg s2  }
0xb2: {  	[dreg:$0x3] =	wrdreg s19  }
0xb3: {  	[dreg:$0x4] =	wrdreg s4  }
0xb4: {  	[dreg:$0x5] =	wrdreg s5  }
0xb5: {  	[dreg:$0x6] =	wrdreg $0x9  }
0xb6: {  	_ =	task.clear_ibuf [dreg:s10], $0x7FFFF;
	_ =	strace $0x90000046  }
0xb7: {  	s29 =	simm.s32 $0x9;
	_ =	strace $0x80000048  }
0xb8: {  	_ =	swait.ge [sflag:s29], $0x1  }
0xb9: {  	[sflag:s29] =	ssyncadd.s32 $0xFFFFFFFF  }
0xba: {  	_ =	strace $0x90000048  }
0xbb: {  	_ =	sfence  }
0xbc: {  	s30 =	sld [smem:$0x0];
	_ =	sdelay $0x2  }
0xbd: {  	s31 =	sshll.u32 s1, $0xD;
	s1 =	sshrl.u32 s1, $0x2  }
0xbe: {  	s3 =	sand.u32 $0x4000, s31;
	s1 =	sadd.s32 s1, s30  }
0xbf: {  	s0 =	sor.u32 s3, s0;
	s1 =	sshll.u32 s1, $0x11  }
0xc0: {  	s0 =	sor.u32 s1, s0  }
0xc1: {  	s0 =	sadd.s32 $0x8F2B, s0  }
0xc2: {  	[sflag:s0] =	ssyncadd.remote.s32 $0x1  }
0xc3: {  	_ =	sfence.sel $0xFFFF  }
0xc4: {  	[dreg:$0x0] =	wrdreg $0xFFFFFFFF;
	(pc) =	sbr.abs _section_cstart, $3  }
0xc5: {  	[dreg:$0x1] =	wrdreg $0xFFFFFFFF  }
0xc6: {  	_ =	task.clear_ibuf [dreg:s10], $0x2FFFF;
	_ =	strace $0x9FFFFFFF  }
0xc7: {  	(tm) =	ssettm $0x7FFFFFFF  }
tec
execute0_lowered:
.L_overlay_start_1:
0x0: {  	(tag) =	ssettag $0x1  }
0x1: {  	s8 =	rddreg [dreg:$0x0]  }
0x2: {  	s4 =	rddreg [dreg:$0x2];
	s0 =	srdreg.scid  }
0x3: {  	s5 =	rddreg [dreg:$0x3];
	s2 =	stileid.u32;
	_ =	strace $0x80000047  }
0x4: {  	s12 =	simm.s32 $0x4000;
	s13 =	simm.s32 $0x4200;
	s0 =	sand.u32 $0x1, s0  }
0x5: {  	s2 =	sshll.u32 s2, $0x1;
	s20 =	sadd.s32 $0x100, s8;
	s21 =	sadd.s32 $0x200, s8  }
0x6: {  	s22 =	sadd.s32 $0x300, s8;
	s23 =	sadd.s32 $0x400, s8;
	s24 =	sadd.s32 $0x500, s8  }
0x7: {  	s25 =	sadd.s32 $0x600, s8;
	s26 =	sadd.s32 $0x700, s8;
	[dreg:$0x5] =	wrdreg s20  }
0x8: {  	s15 =	sadd.s32 $0x100, s5;
	s16 =	sadd.s32 $0x200, s5;
	[dreg:$0x6] =	wrdreg s21  }
0x9: {  	s17 =	sadd.s32 $0x300, s5;
	s18 =	sadd.s32 $0x400, s5;
	[dreg:$0x7] =	wrdreg s22  }
0xa: {  	s19 =	sadd.s32 $0x500, s5;
	s28 =	sadd.s32 $0x500, s4;
	[dreg:$0x8] =	wrdreg s23  }
0xb: {  	s29 =	sadd.s32 $0x600, s4;
	s30 =	sadd.s32 $0x700, s4;
	[dreg:$0x9] =	wrdreg s24  }
0xc: {  	s1 =	ssub.s32 $0x2, s0;
	s0 =	sor.u32 s0, s2;
	[dreg:$0xa] =	wrdreg s25  }
0xd: {  	[dreg:$0xb] =	wrdreg s26;
	s20 =	sadd.s32 $0x600, s5;
	s21 =	sadd.s32 $0x700, s5  }
0xe: {  	s22 =	sadd.s32 $0x100, s4;
	s23 =	sadd.s32 $0x200, s4;
	s3 =	sshrl.u32 s1, $0x1  }
0xf: {  	s24 =	sadd.s32 $0x300, s4;
	s6 =	sshll.u32 s0, $0x9;
	s1 =	ssub.s32 s1, s3  }
0x10: {  	v0 =	vlaneseq.u32;
	s26 =	sadd.s32 $0x400, s4;
	[dreg:$0xf] =	wrdreg s6;
	s31 =	smax.u32 s1, $0x1  }
0x11: {  	s7 =	sshll.u32 s0, $0x5;
	v1 =	vor.u32 s6, v0;
	s1 =	simm.s32 $0x0;
	[dreg:$0xc] =	wrdreg s31  }
.LBB2_1:
0x12: {  	[dreg:$0xd] =	wrdreg s1  }
0x13: {  	s0 =	rddreg [dreg:$0x1];
	s2 =	simm.s32 $0x0;
	s3 =	simm.s32 $0x6  }
0x14: {  	[tilespmem:s2], [sflag:$0x6] =	stream.linear.gather [hbm4b:s0+s2], $0x4000, $0x38;
	[tilespmem:$0x1C200] =	vst v63  }
0x15: {  	s25 =	sand.u32 $0x180, s2;
	_ =	swait.ge [sflag:s3], $0x4000  }
0x16: {  	s31 =	sand.u32 $0x70, s2;
	s0 =	sadd.s32 s25, s6;
	[sflag:s3] =	ssyncset.done $0x0  }
0x17: {  	s0 =	sadd.s32 s31, s0;
	[sflag:s3] =	ssyncadd.s32 $0xFFFFC000  }
0x18: {  	v2 =	vld [tilespmem:s0+$0x0];
	_ =	sdelay $0x4  }
0x19: {  	(xrf0) =	vadd.scan.msk.s32 $0xffff, v2;
	_ =	sdelay $0x5  }
0x1a: {  	vm0 =	vle.s32 v2, $0x0;
	v3 =	vsub.s32 s2, v2;
	vm1 =	vgt.s32 v2, $0x0;
	v4, _, _ =	vpop (xrf0)  }
0x1b: {  	v2 =	vadd.s32 v4, v3;
	v3 =	vor.u32 s2, v0;
	(v2sf) =	vpush v4, $0xF  }
0x1c: {  	v3 =	vsub.s32 v3, v2;
	_ =	sdelay $0x1  }
0x1d: {  	s0 =	simm.s32 $0x10  }
0x1e: {  	s8 =	simm.s32 $0x20;
	s1 =	simm.s32 $0x0;
	s9 =	sand.u32 $0x180, s0;
	v4 =	vor.u32 s2, v1  }
.LBB2_2:
0x1f: {  	p0 =	sne.s32 s8, $0x1F0;
	s10 =	sand.u32 $0x70, s0;
	s9 =	sadd.s32 s9, s6;
	[tilespmem:v2+s12+$0x0] =	vst.idx.msk vm1, v4  }
0x20: {  	s9 =	sadd.s32 s10, s9;
	[tilespmem:v3+s13+$0x0] =	vst.idx.msk vm0, v4  }
0x21: {  	v2 =	vld [tilespmem:s9+$0x0];
	_ =	sdelay $0x4  }
0x22: {  	vm0 =	vle.s32 v2, $0x0;
	vm1 =	vgt.s32 v2, $0x0;
	(xrf0) =	vadd.scan.msk.s32 $0xffff, v2;
	_ =	sdelay $0x2  }
0x23: {  	s9 =	spop (v2sf)  }
0x24: {  	s1 =	sadd.s32 s1, s9  }
0x25: {  	v2 =	vsub.s32 s1, v2  }
0x26: {  	v3, _, _ =	vpop (xrf0)  }
.Ltmp0:
0x27: {  	v4 =	vor.u32 s0, v0;
	v2 =	vadd.s32 v3, v2;
	(v2sf) =	vpush v3, $0xF;
	(pc) =	sbr.rel @p0 .LBB2_2-.Ltmp0, $2  }
0x28: {  	v3 =	vsub.s32 v4, v2;
	_ =	sdelay $0x2  }
0x29: {  	s9 =	sand.u32 $0x180, s8;
	v4 =	vor.u32 s0, v1;
	s0 =	smov.u32 s8;
	s8 =	sadd.s32 $0x10, s8  }
0x2a: {  	_ =	sdelay $0x4  }
0x2b: {  	s8 =	sand.u32 $0x70, s0;
	s9 =	sadd.s32 s9, s6;
	[tilespmem:v2+s12+$0x0] =	vst.idx.msk vm1, v4  }
0x2c: {  	s8 =	sadd.s32 s8, s9;
	[tilespmem:v3+s13+$0x0] =	vst.idx.msk vm0, v4  }
0x2d: {  	v2 =	vld [tilespmem:s8+$0x0];
	_ =	sdelay $0x4  }
0x2e: {  	(xrf0) =	vadd.scan.msk.s32 $0xffff, v2;
	_ =	sdelay $0x5  }
0x2f: {  	v3, _, _ =	vpop (xrf0)  }
0x30: {  	(v2sf) =	vpush v3, $0xF;
	_ =	sdelay $0xd  }
0x31: {  	s3 =	spop (v2sf)  }
0x32: {  	s8 =	sadd.s32 s1, s3;
	s4 =	spop (v2sf)  }
0x33: {  	s1 =	sadd.s32 s8, s4  }
0x34: {  	s2 =	ssub.s32 $0x200, s1  }
0x35: {  	s6 =	sshra.s32 s2, $0x1F  }
0x36: {  	s11 =	simm.s32 $0x1;
	p0 =	sne.s32 s1, $0x200;
	s10 =	sshrl.u32 s6, $0x1C  }
0x37: {  	vm14 =	vgt.s32 v2, $0x0;
	v62 =	vsub.s32 s8, v2;
	s11 =	simm.s32 @!p0 $0x0;
	s14 =	sadd.s32 s10, s2  }
0x38: {  	vm15 =	vle.s32 v2, $0x0;
	v2 =	vadd.s32 v3, v62;
	v3 =	vor.u32 s0, v0;
	s9 =	sor.u32 s11, s6;
	s10 =	sand.u32 $0xFFFFFFF0, s14  }
0x39: {  	v3 =	vsub.s32 v3, v2;
	p6 =	sne.s32 s9, $0x1;
	p1 =	sne.s32 s2, s10  }
0x3a: {  	p0 =	por !p1, !p6  }
0x3b: {  	s31 =	simm.s32 $0x0;
	s9 =	simm.s32 $0x1;
	p0 =	por !p0, !p0  }
0x3c: {  	v63 =	vor.u32 s0, v1;
	[dreg:$0x12] =	wrdreg s31;
	s25 =	sshra.s32 s14, $0x4;
	s9 =	simm.s32 @!p0 $0x0  }
0x3d: {  	[tilespmem:v2+s12+$0x0] =	vst.idx.msk vm14, v63;
	s12 =	simm.s32 $0x0;
	[dreg:$0xe] =	wrdreg s2;
	s0 =	ssub.s32 s25, s9  }
0x3e: {  	v10 =	vimm.s32 $0x0;
	[tilespmem:v3+s13+$0x0] =	vst.idx.msk vm15, v63;
	s4 =	simm.s32 $0x4210;
	s2 =	simm.s32 $0x20;
	[dreg:$0x10] =	wrdreg s0  }
.LBB2_4:
0x3f: {  	s9 =	smin.u32 s12, $0x3FF  }
0x40: {  	s9 =	sshll.u32 s9, $0x4  }
0x41: {  	v2 =	vld [tilespmem:s9+$0x0];
	_ =	sdelay $0x1  }
0x42: {  	s0 =	sadd.s32 $0x1, s12  }
0x43: {  	s11 =	smin.u32 s0, $0x3FF  }
0x44: {  	s11 =	sshll.u32 s11, $0x4  }
0x45: {  	[tilespmem:$0x1FF80] =	vst v2;
	v2 =	vld [tilespmem:s11+$0x0];
	_ =	sdelay $0x1  }
0x46: {  	s13 =	sadd.s32 $0x2, s12  }
0x47: {  	[dreg:$0x14] =	wrdreg s13;
	s13 =	smin.u32 s13, $0x3FF  }
0x48: {  	s14 =	sshll.u32 s13, $0x4  }
0x49: {  	[tilespmem:$0x1FF90] =	vst v2;
	v2 =	vld [tilespmem:s14+$0x0]  }
0x4a: {  	[dreg:$0x11] =	wrdreg s2  }
0x4b: {  	s3 =	sadd.s32 $0x3, s12;
	[dreg:$0x13] =	wrdreg s0  }
0x4c: {  	s25 =	sadd.s32 $0x4, s12;
	[dreg:$0x17] =	wrdreg s3;
	s31 =	smin.u32 s3, $0x3FF  }
0x4d: {  	[dreg:$0x15] =	wrdreg s25;
	s6 =	sshll.u32 s31, $0x4  }
0x4e: {  	s0 =	smin.u32 s25, $0x3FF;
	s3 =	sadd.s32 $0x5, s12;
	s25 =	sadd.s32 $0x7, s12;
	[tilespmem:$0x1FFA0] =	vst v2;
	v2 =	vld [tilespmem:s6+$0x0]  }
0x4f: {  	[dreg:$0x16] =	wrdreg s3;
	s8 =	sshll.u32 s0, $0x4;
	s10 =	smin.u32 s3, $0x3FF  }
0x50: {  	[dreg:$0x18] =	wrdreg s25;
	s0 =	smin.u32 s25, $0x3FF;
	s3 =	sadd.s32 $0x8, s12  }
0x51: {  	s25 =	sadd.s32 $0xA, s12;
	s13 =	sshll.u32 s10, $0x4;
	[dreg:$0x19] =	wrdreg s3  }
0x52: {  	s10 =	smin.u32 s3, $0x3FF;
	[dreg:$0x1b] =	wrdreg s25;
	s3 =	sadd.s32 $0xB, s12  }
0x53: {  	[dreg:$0x1c] =	wrdreg s3;
	s14 =	sadd.s32 $0x6, s12;
	[tilespmem:$0x1FFB0] =	vst v2;
	v2 =	vld [tilespmem:s8+$0x0]  }
0x54: {  	[dreg:$0x1a] =	wrdreg s14;
	s31 =	smin.u32 s14, $0x3FF;
	s14 =	sadd.s32 $0x9, s12  }
0x55: {  	[dreg:$0x1d] =	wrdreg s14  }
0x56: {  	s6 =	sshll.u32 s31, $0x4;
	s31 =	smin.u32 s14, $0x3FF;
	s14 =	sadd.s32 $0xC, s12  }
0x57: {  	[smem:$0x7CC] =	sst s14  }
0x58: {  	s8 =	sshll.u32 s0, $0x4;
	s0 =	smin.u32 s25, $0x3FF;
	s25 =	sadd.s32 $0xD, s12;
	[tilespmem:$0x1FFC0] =	vst v2;
	v2 =	vld [tilespmem:s13+$0x0]  }
0x59: {  	s13 =	sshll.u32 s10, $0x4;
	s10 =	smin.u32 s3, $0x3FF;
	s3 =	sadd.s32 $0xE, s12  }
0x5a: {  	[dreg:$0x1e] =	wrdreg s25;
	v11 =	vld [tilespmem:s13+$0x0];
	s13 =	sshll.u32 s10, $0x4;
	s10 =	smin.u32 s3, $0x3FF  }
0x5b: {  	[dreg:$0x1f] =	wrdreg s3;
	s3 =	sadd.s32 $0x11, s12;
	v14 =	vld [tilespmem:s13+$0x0];
	s13 =	sshll.u32 s10, $0x4  }
0x5c: {  	[smem:$0x7CF] =	sst s3;
	s10 =	smin.u32 s3, $0x3FF;
	s3 =	sadd.s32 $0x14, s12;
	v17 =	vld [tilespmem:s13+$0x0]  }
0x5d: {  	s13 =	sshll.u32 s10, $0x4;
	[tilespmem:$0x1FFD0] =	vst v2;
	v2 =	vld [tilespmem:s6+$0x0];
	s6 =	sshll.u32 s31, $0x4;
	s31 =	smin.u32 s14, $0x3FF  }
0x5e: {  	[smem:$0x7D2] =	sst s3;
	s14 =	sadd.s32 $0xF, s12;
	v12 =	vld [tilespmem:s6+$0x0];
	s6 =	sshll.u32 s31, $0x4  }
0x5f: {  	v20 =	vld [tilespmem:s13+$0x0];
	[smem:$0x7CD] =	sst s14;
	s31 =	smin.u32 s14, $0x3FF;
	s14 =	sadd.s32 $0x12, s12  }
0x60: {  	s10 =	smin.u32 s3, $0x3FF;
	v15 =	vld [tilespmem:s6+$0x0];
	s6 =	sshll.u32 s31, $0x4;
	s31 =	smin.u32 s14, $0x3FF  }
0x61: {  	[smem:$0x7D0] =	sst s14;
	s14 =	sadd.s32 $0x15, s12;
	v18 =	vld [tilespmem:s6+$0x0];
	s6 =	sshll.u32 s31, $0x4  }
0x62: {  	s13 =	sshll.u32 s10, $0x4;
	[smem:$0x7D3] =	sst s14;
	s31 =	smin.u32 s14, $0x3FF;
	v21 =	vld [tilespmem:s6+$0x0]  }
0x63: {  	s6 =	sadd.s32 $0x17, s12;
	[tilespmem:$0x1FFE0] =	vst v2;
	v2 =	vld [tilespmem:s8+$0x0];
	s8 =	sshll.u32 s0, $0x4;
	s0 =	smin.u32 s25, $0x3FF  }
0x64: {  	s25 =	sadd.s32 $0x10, s12;
	[smem:$0x7D5] =	sst s6;
	s14 =	smin.u32 s6, $0x3FF  }
0x65: {  	s6 =	rddreg [dreg:$0xe];
	v13 =	vld [tilespmem:s8+$0x0];
	s8 =	sshll.u32 s0, $0x4;
	s0 =	smin.u32 s25, $0x3FF  }
0x66: {  	[smem:$0x7CE] =	sst s25;
	s25 =	sadd.s32 $0x13, s12;
	v16 =	vld [tilespmem:s8+$0x0];
	s8 =	sshll.u32 s0, $0x4  }
0x67: {  	[smem:$0x7D1] =	sst s25;
	s0 =	smin.u32 s25, $0x3FF;
	s25 =	sadd.s32 $0x16, s12  }
0x68: {  	v19 =	vld [tilespmem:s8+$0x0];
	s8 =	sshll.u32 s0, $0x4;
	[smem:$0x7D4] =	sst s25;
	s3 =	smin.u32 s25, $0x3FF  }
0x69: {  	s25 =	sshll.u32 s14, $0x4;
	v22 =	vld [tilespmem:s8+$0x0];
	s8 =	sshll.u32 s31, $0x4;
	s10 =	sshll.u32 s3, $0x4  }
0x6a: {  	s31 =	sadd.s32 $0x18, s12;
	s3 =	sadd.s32 $0xFFFFFFF0, s2;
	v26 =	vld [tilespmem:s25+$0x0];
	s25 =	sadd.s32 $0x1A, s12  }
0x6b: {  	v24 =	vld [tilespmem:s8+$0x0];
	[smem:$0x7D6] =	sst s31;
	p0 =	sgt.s32 s3, s6;
	s8 =	smin.u32 s31, $0x3FF  }
0x6c: {  	v25 =	vld [tilespmem:s10+$0x0];
	s10 =	sadd.s32 $0x19, s12;
	[smem:$0x7D8] =	sst s25;
	s2 =	smin.u32 s25, $0x3FF  }
0x6d: {  	s3 =	sadd.s32 $0x1B, s12;
	s25 =	sadd.s32 $0x1D, s12;
	[smem:$0x7D7] =	sst s10  }
0x6e: {  	v23 =	vld [tilespmem:s13+$0x0];
	s13 =	sshll.u32 s8, $0x4;
	s14 =	smin.u32 s10, $0x3FF;
	[smem:$0x7D9] =	sst s3  }
0x6f: {  	s6 =	sshll.u32 s2, $0x4;
	s8 =	smin.u32 s3, $0x3FF;
	s10 =	sadd.s32 $0x1C, s12  }
0x70: {  	[smem:$0x7DB] =	sst s25;
	s2 =	smin.u32 s25, $0x3FF;
	s3 =	sadd.s32 $0x1E, s12  }
0x71: {  	s25 =	sadd.s32 $0x20, s12;
	p1 =	seq.s32 @!p0 s12, $0x0;
	s31 =	sshll.u32 s14, $0x4  }
0x72: {  	v27 =	vld [tilespmem:s13+$0x0];
	[smem:$0x7DA] =	sst s10;
	s13 =	sshll.u32 s8, $0x4;
	s14 =	smin.u32 s10, $0x3FF  }
0x73: {  	v29 =	vld [tilespmem:s6+$0x0];
	[smem:$0x7DC] =	sst s3;
	s6 =	sshll.u32 s2, $0x4;
	s8 =	smin.u32 s3, $0x3FF  }
0x74: {  	s10 =	sadd.s32 $0x1F, s12;
	[smem:$0x7DE] =	sst s25;
	s2 =	smin.u32 s25, $0x3FF  }
0x75: {  	s3 =	sadd.s32 $0x21, s12;
	s25 =	sadd.s32 $0x23, s12;
	p1 =	por p1, p0;
	v28 =	vld [tilespmem:s31+$0x0]  }
0x76: {  	v30 =	vld [tilespmem:s13+$0x0];
	s31 =	sshll.u32 s14, $0x4;
	[smem:$0x7DD] =	sst s10;
	s13 =	sshll.u32 s8, $0x4  }
0x77: {  	v32 =	vld [tilespmem:s6+$0x0];
	s14 =	smin.u32 s10, $0x3FF;
	[smem:$0x7DF] =	sst s3;
	s6 =	sshll.u32 s2, $0x4  }
0x78: {  	s8 =	smin.u32 s3, $0x3FF;
	s10 =	sadd.s32 $0x22, s12;
	[smem:$0x7E1] =	sst s25  }
0x79: {  	s2 =	smin.u32 s25, $0x3FF;
	s3 =	sadd.s32 $0x24, s12;
	s25 =	sadd.s32 $0x26, s12;
	v31 =	vld [tilespmem:s31+$0x0]  }
0x7a: {  	v33 =	vld [tilespmem:s13+$0x0];
	s31 =	sshll.u32 s14, $0x4;
	[smem:$0x7E0] =	sst s10;
	s13 =	sshll.u32 s8, $0x4  }
0x7b: {  	v35 =	vld [tilespmem:s6+$0x0];
	s14 =	smin.u32 s10, $0x3FF;
	[smem:$0x7E2] =	sst s3;
	s6 =	sshll.u32 s2, $0x4  }
0x7c: {  	s8 =	smin.u32 s3, $0x3FF;
	s10 =	sadd.s32 $0x25, s12;
	[smem:$0x7E4] =	sst s25  }
0x7d: {  	s2 =	smin.u32 s25, $0x3FF;
	s3 =	sadd.s32 $0x27, s12;
	s25 =	sadd.s32 $0x29, s12;
	v34 =	vld [tilespmem:s31+$0x0]  }
0x7e: {  	v36 =	vld [tilespmem:s13+$0x0];
	s31 =	sshll.u32 s14, $0x4;
	[smem:$0x7E3] =	sst s10;
	s13 =	sshll.u32 s8, $0x4  }
0x7f: {  	v38 =	vld [tilespmem:s6+$0x0];
	s14 =	smin.u32 s10, $0x3FF;
	[smem:$0x7E5] =	sst s3;
	s6 =	sshll.u32 s2, $0x4  }
0x80: {  	s8 =	smin.u32 s3, $0x3FF;
	s10 =	sadd.s32 $0x28, s12;
	[smem:$0x7E7] =	sst s25  }
0x81: {  	s2 =	smin.u32 s25, $0x3FF;
	s3 =	sadd.s32 $0x2A, s12;
	s25 =	sadd.s32 $0x2C, s12;
	v37 =	vld [tilespmem:s31+$0x0]  }
0x82: {  	v39 =	vld [tilespmem:s13+$0x0];
	s31 =	sshll.u32 s14, $0x4;
	[smem:$0x7E6] =	sst s10;
	s13 =	sshll.u32 s8, $0x4  }
0x83: {  	v41 =	vld [tilespmem:s6+$0x0];
	s14 =	smin.u32 s10, $0x3FF;
	[smem:$0x7E8] =	sst s3;
	s6 =	sshll.u32 s2, $0x4  }
0x84: {  	s8 =	smin.u32 s3, $0x3FF;
	s10 =	sadd.s32 $0x2B, s12;
	[smem:$0x7EA] =	sst s25  }
0x85: {  	s2 =	smin.u32 s25, $0x3FF;
	s3 =	sadd.s32 $0x2D, s12;
	s25 =	sadd.s32 $0x2F, s12;
	v40 =	vld [tilespmem:s31+$0x0]  }
0x86: {  	v42 =	vld [tilespmem:s13+$0x0];
	s31 =	sshll.u32 s14, $0x4;
	[smem:$0x7E9] =	sst s10;
	s13 =	sshll.u32 s8, $0x4  }
0x87: {  	v44 =	vld [tilespmem:s6+$0x0];
	s14 =	smin.u32 s10, $0x3FF;
	[smem:$0x7EB] =	sst s3;
	s6 =	sshll.u32 s2, $0x4  }
0x88: {  	s8 =	smin.u32 s3, $0x3FF;
	s10 =	sadd.s32 $0x2E, s12;
	[smem:$0x7ED] =	sst s25  }
0x89: {  	s2 =	smin.u32 s25, $0x3FF;
	s3 =	sadd.s32 $0x30, s12;
	s25 =	sadd.s32 $0x32, s12;
	v43 =	vld [tilespmem:s31+$0x0]  }
0x8a: {  	v45 =	vld [tilespmem:s13+$0x0];
	s31 =	sshll.u32 s14, $0x4;
	[smem:$0x7EC] =	sst s10;
	s13 =	sshll.u32 s8, $0x4  }
0x8b: {  	v47 =	vld [tilespmem:s6+$0x0];
	s14 =	smin.u32 s10, $0x3FF;
	[smem:$0x7EE] =	sst s3;
	s6 =	sshll.u32 s2, $0x4  }
0x8c: {  	s8 =	smin.u32 s3, $0x3FF;
	s10 =	sadd.s32 $0x31, s12;
	[smem:$0x7F0] =	sst s25  }
0x8d: {  	s2 =	smin.u32 s25, $0x3FF;
	s3 =	sadd.s32 $0x33, s12;
	s25 =	sadd.s32 $0x35, s12;
	v46 =	vld [tilespmem:s31+$0x0]  }
0x8e: {  	v48 =	vld [tilespmem:s13+$0x0];
	s31 =	sshll.u32 s14, $0x4;
	[smem:$0x7EF] =	sst s10;
	s13 =	sshll.u32 s8, $0x4  }
0x8f: {  	v50 =	vld [tilespmem:s6+$0x0];
	s14 =	smin.u32 s10, $0x3FF;
	[smem:$0x7F1] =	sst s3;
	s6 =	sshll.u32 s2, $0x4  }
0x90: {  	s8 =	smin.u32 s3, $0x3FF;
	s10 =	sadd.s32 $0x34, s12;
	[smem:$0x7F3] =	sst s25  }
0x91: {  	s2 =	smin.u32 s25, $0x3FF;
	s3 =	sadd.s32 $0x36, s12;
	s25 =	sadd.s32 $0x38, s12;
	v49 =	vld [tilespmem:s31+$0x0]  }
0x92: {  	v51 =	vld [tilespmem:s13+$0x0];
	s31 =	sshll.u32 s14, $0x4;
	[smem:$0x7F2] =	sst s10;
	s13 =	sshll.u32 s8, $0x4  }
0x93: {  	v53 =	vld [tilespmem:s6+$0x0];
	s14 =	smin.u32 s10, $0x3FF;
	[smem:$0x7F4] =	sst s3;
	s6 =	sshll.u32 s2, $0x4  }
0x94: {  	s8 =	smin.u32 s3, $0x3FF;
	s10 =	sadd.s32 $0x37, s12;
	[smem:$0x7F6] =	sst s25;
	v52 =	vld [tilespmem:s31+$0x0]  }
0x95: {  	s2 =	smin.u32 s25, $0x3FF;
	s3 =	sadd.s32 $0x39, s12;
	s25 =	sadd.s32 $0x3B, s12;
	v54 =	vld [tilespmem:s13+$0x0]  }
0x96: {  	s31 =	sshll.u32 s14, $0x4;
	[smem:$0x7F5] =	sst s10;
	v56 =	vld [tilespmem:s6+$0x0];
	s13 =	sshll.u32 s8, $0x4  }
0x97: {  	s14 =	smin.u32 s10, $0x3FF;
	[smem:$0x7F7] =	sst s3;
	s6 =	sshll.u32 s2, $0x4;
	v55 =	vld [tilespmem:s31+$0x0]  }
0x98: {  	s8 =	smin.u32 s3, $0x3FF;
	s10 =	sadd.s32 $0x3A, s12;
	[smem:$0x7F9] =	sst s25;
	v57 =	vld [tilespmem:s13+$0x0]  }
0x99: {  	s2 =	smin.u32 s25, $0x3FF;
	s3 =	sadd.s32 $0x3C, s12;
	s31 =	sshll.u32 s14, $0x4;
	v59 =	vld [tilespmem:s6+$0x0]  }
0x9a: {  	[smem:$0x7F8] =	sst s10;
	s13 =	sshll.u32 s8, $0x4;
	s14 =	smin.u32 s10, $0x3FF;
	v58 =	vld [tilespmem:s31+$0x0]  }
0x9b: {  	[smem:$0x7FA] =	sst s3;
	s11 =	sshll.u32 s2, $0x4;
	s6 =	sadd.s32 $0x3D, s12;
	v60 =	vld [tilespmem:s13+$0x0]  }
0x9c: {  	s10 =	sadd.s32 $0x3E, s12;
	s31 =	sshll.u32 s14, $0x4;
	s14 =	smin.u32 s3, $0x3FF;
	v62 =	vld [tilespmem:s11+$0x0]  }
0x9d: {  	[smem:$0x7FB] =	sst s6;
	s9 =	smin.u32 s6, $0x3FF;
	v61 =	vld [tilespmem:s31+$0x0];
	s8 =	sshll.u32 s14, $0x4  }
0x9e: {  	s13 =	smin.u32 s10, $0x3FF;
	s2 =	sshll.u32 s9, $0x4;
	s14 =	sadd.s32 $0x3F, s12;
	v63 =	vld [tilespmem:s8+$0x0]  }
0x9f: {  	[smem:$0x7FC] =	sst s10;
	s25 =	sshll.u32 s13, $0x4;
	v5 =	vld [tilespmem:s2+$0x0];
	s31 =	smin.u32 s14, $0x3FF  }
0xa0: {  	[tilespmem:$0x1FFF0] =	vst v2;
	[smem:$0x7FD] =	sst s14;
	v3 =	vld [tilespmem:s25+$0x0];
	s2 =	simm.s32 @!p1 $0x2;
	s0 =	sshll.u32 s31, $0x4  }
0xa1: {  	v4 =	vld [tilespmem:s0+$0x0];
	_ =	swait.ge @!p1 [sflag:s2], $0x8000  }
0xa2: {  	[sflag:s2] =	ssyncset.done @!p1 $0x0  }
0xa3: {  	[sflag:s2] =	ssyncadd.s32 @!p1 $0xFFFF8000  }
0xa4: {  	v2 =	vld @!p0 [tilespmem:s4+$0xFFFFFFF0];
	_ =	sdelay $0x4  }
0xa5: {  	v7 =	vshll.u32 @!p0 v2, $0x4  }
0xa6: {  	v8 =	vlaneseq.u32 @!p0;
	v6 =	vand.u32 @!p0 $0x7, v2;
	v7 =	vand.u32 @!p0 $0xFFFFFF80, v7  }
0xa7: {  	v9 =	vshrl.u32 @!p0 v8, $0x3;
	v6 =	vor.u32 @!p0 v6, v7;
	v7 =	vand.u32 @!p0 $0x7, v8  }
0xa8: {  	v9 =	vmul.u32 @!p0 $0x8, v9;
	v7 =	vperm.xlane @!p0 v6, v7;
	_ =	sdelay $0x1  }
0xa9: {  	v7 =	vadd.s32 @!p0 v9, v7;
	_ =	sdelay $0x2  }
0xaa: {  	[tilespmem:$0x4480] =	vst @!p0 v2  }
0xab: {  	vm0 =	vmmov @!p0 $0xffff;
	s3 =	simm.s32 @!p0 $0x4A00;
	s2 =	simm.s32 @!p0 $0x0;
	s13 =	rddreg [dreg:$0x0];
	[tilespmem:$0x4400] =	vst @!p0 v2  }
0xac: {  	[tilespmem:s3], [sflag:$0x1] =	stream.indirect_vreg.gather @!p0 [hbm4b:s13+s2], $0x80, v7, vm0, $0xb8;
	[tilespmem:$0x1C200] =	vst v63  }
0xad: {  	s11 =	smov.u32 s4;
	s4 =	rddreg [dreg:$0x5];
	s3 =	simm.s32 @!p0 $0x5200  }
0xae: {  	[tilespmem:s3], [sflag:$0x1] =	stream.indirect_vreg.gather @!p0 [hbm4b:s4+s2], $0x80, v7, vm0, $0xb8;
	[tilespmem:$0x1C200] =	vst v63  }
0xaf: {  	s8 =	rddreg [dreg:$0x6];
	s3 =	simm.s32 @!p0 $0x5A00  }
0xb0: {  	[tilespmem:s3], [sflag:$0x1] =	stream.indirect_vreg.gather @!p0 [hbm4b:s8+s2], $0x80, v7, vm0, $0xb8;
	[tilespmem:$0x1C200] =	vst v63  }
0xb1: {  	s0 =	rddreg [dreg:$0x7];
	s3 =	simm.s32 @!p0 $0x6200  }
0xb2: {  	[tilespmem:s3], [sflag:$0x1] =	stream.indirect_vreg.gather @!p0 [hbm4b:s0+s2], $0x80, v7, vm0, $0xb8;
	[tilespmem:$0x1C200] =	vst v63  }
0xb3: {  	s31 =	rddreg [dreg:$0x8];
	s3 =	simm.s32 @!p0 $0x6A00  }
0xb4: {  	v2 =	vor.u32 @!p0 $0x8, v8;
	[tilespmem:s3], [sflag:$0x1] =	stream.indirect_vreg.gather @!p0 [hbm4b:s31+s2], $0x80, v7, vm0, $0xb8;
	[tilespmem:$0x1C200] =	vst v63  }
0xb5: {  	s6 =	rddreg [dreg:$0x9];
	v2 =	vperm.xlane @!p0 v6, v2;
	s3 =	simm.s32 @!p0 $0x7200  }
0xb6: {  	[tilespmem:s3], [sflag:$0x1] =	stream.indirect_vreg.gather @!p0 [hbm4b:s6+s2], $0x80, v7, vm0, $0xb8;
	[tilespmem:$0x1C200] =	vst v63  }
0xb7: {  	s25 =	rddreg [dreg:$0xa];
	v2 =	vadd.s32 @!p0 v9, v2;
	s3 =	simm.s32 @!p0 $0x7A00  }
0xb8: {  	[tilespmem:s3], [sflag:$0x1] =	stream.indirect_vreg.gather @!p0 [hbm4b:s25+s2], $0x80, v7, vm0, $0xb8;
	[tilespmem:$0x1C200] =	vst v63  }
0xb9: {  	s10 =	rddreg [dreg:$0xb];
	s3 =	simm.s32 @!p0 $0x8200  }
0xba: {  	[tilespmem:s3], [sflag:$0x1] =	stream.indirect_vreg.gather @!p0 [hbm4b:s10+s2], $0x80, v7, vm0, $0xb8;
	[tilespmem:$0x1C200] =	vst v63  }
0xbb: {  	s3 =	simm.s32 @!p0 $0x8A00  }
0xbc: {  	[tilespmem:s3], [sflag:$0x1] =	stream.indirect_vreg.gather @!p0 [hbm4b:s13+s2], $0x80, v2, vm0, $0xb8;
	[tilespmem:$0x1C200] =	vst v63  }
0xbd: {  	s3 =	simm.s32 @!p0 $0x9200  }
0xbe: {  	[tilespmem:s3], [sflag:$0x1] =	stream.indirect_vreg.gather @!p0 [hbm4b:s4+s2], $0x80, v2, vm0, $0xb8;
	[tilespmem:$0x1C200] =	vst v63  }
0xbf: {  	s3 =	simm.s32 @!p0 $0x9A00  }
0xc0: {  	[tilespmem:s3], [sflag:$0x1] =	stream.indirect_vreg.gather @!p0 [hbm4b:s8+s2], $0x80, v2, vm0, $0xb8;
	[tilespmem:$0x1C200] =	vst v63  }
0xc1: {  	s3 =	simm.s32 @!p0 $0xA200  }
0xc2: {  	[tilespmem:s3], [sflag:$0x1] =	stream.indirect_vreg.gather @!p0 [hbm4b:s0+s2], $0x80, v2, vm0, $0xb8;
	[tilespmem:$0x1C200] =	vst v63  }
0xc3: {  	s3 =	simm.s32 @!p0 $0xAA00  }
0xc4: {  	[tilespmem:s3], [sflag:$0x1] =	stream.indirect_vreg.gather @!p0 [hbm4b:s31+s2], $0x80, v2, vm0, $0xb8;
	[tilespmem:$0x1C200] =	vst v63  }
0xc5: {  	s3 =	simm.s32 @!p0 $0xB200  }
0xc6: {  	[tilespmem:s3], [sflag:$0x1] =	stream.indirect_vreg.gather @!p0 [hbm4b:s6+s2], $0x80, v2, vm0, $0xb8;
	[tilespmem:$0x1C200] =	vst v63  }
0xc7: {  	s3 =	simm.s32 @!p0 $0xBA00  }
0xc8: {  	[tilespmem:s3], [sflag:$0x1] =	stream.indirect_vreg.gather @!p0 [hbm4b:s25+s2], $0x80, v2, vm0, $0xb8;
	[tilespmem:$0x1C200] =	vst v63  }
0xc9: {  	s9 =	rddreg [dreg:$0x10];
	s3 =	simm.s32 @!p0 $0xC200  }
0xca: {  	[tilespmem:s3], [sflag:$0x1] =	stream.indirect_vreg.gather @!p0 [hbm4b:s10+s2], $0x80, v2, vm0, $0xb8;
	[tilespmem:$0x1C200] =	vst v63  }
0xcb: {  	s14 =	rddreg [dreg:$0x12];
	p0 =	seq.s32 s12, $0x0  }
0xcc: {  	p1 =	sgt.s32 @!p0 s14, s9  }
0xcd: {  	p0 =	por p1, p0  }
0xce: {  	s2 =	simm.s32 @!p0 $0x3  }
0xcf: {  	_ =	swait.ge @!p0 [sflag:s2], $0x8000  }
0xd0: {  	[sflag:s2] =	ssyncset.done @!p0 $0x0  }
0xd1: {  	[sflag:s2] =	ssyncadd.s32 @!p0 $0xFFFF8000  }
0xd2: {  	v2 =	vld @!p0 [tilespmem:$0x4580];
	_ =	sdelay $0x4  }
0xd3: {  	v6 =	vshll.u32 @!p0 v2, $0x4  }
0xd4: {  	v7 =	vlaneseq.u32 @!p0;
	v2 =	vand.u32 @!p0 $0x7, v2;
	v6 =	vand.u32 @!p0 $0xFFFFFF80, v6  }
0xd5: {  	v8 =	vshrl.u32 @!p0 v7, $0x3;
	v2 =	vor.u32 @!p0 v2, v6;
	v6 =	vand.u32 @!p0 $0x7, v7  }
0xd6: {  	v8 =	vmul.u32 @!p0 $0x8, v8;
	v6 =	vperm.xlane @!p0 v2, v6;
	_ =	sdelay $0x1  }
0xd7: {  	v6 =	vadd.s32 @!p0 v8, v6;
	_ =	sdelay $0x3  }
0xd8: {  	vm0 =	vmmov @!p0 $0xffff;
	s3 =	simm.s32 @!p0 $0xCA00;
	s2 =	simm.s32 @!p0 $0x0  }
0xd9: {  	[hbm4b:s5+s2] =	stream.indirect_vreg.scatter @!p0 [tilespmem:s3], [sflag:$0x4], $0x80, v6, vm0, $0xb8;
	[tilespmem:$0x1C200] =	vst v63  }
0xda: {  	s3 =	simm.s32 @!p0 $0xD200  }
0xdb: {  	[hbm4b:s15+s2] =	stream.indirect_vreg.scatter @!p0 [tilespmem:s3], [sflag:$0x4], $0x80, v6, vm0, $0xb8;
	[tilespmem:$0x1C200] =	vst v63  }
0xdc: {  	s3 =	simm.s32 @!p0 $0xDA00  }
0xdd: {  	[hbm4b:s16+s2] =	stream.indirect_vreg.scatter @!p0 [tilespmem:s3], [sflag:$0x4], $0x80, v6, vm0, $0xb8;
	[tilespmem:$0x1C200] =	vst v63  }
0xde: {  	s3 =	simm.s32 @!p0 $0xE200  }
0xdf: {  	[hbm4b:s17+s2] =	stream.indirect_vreg.scatter @!p0 [tilespmem:s3], [sflag:$0x4], $0x80, v6, vm0, $0xb8;
	[tilespmem:$0x1C200] =	vst v63  }
0xe0: {  	s3 =	simm.s32 @!p0 $0xEA00  }
0xe1: {  	v7 =	vor.u32 @!p0 $0x8, v7;
	[hbm4b:s18+s2] =	stream.indirect_vreg.scatter @!p0 [tilespmem:s3], [sflag:$0x4], $0x80, v6, vm0, $0xb8;
	[tilespmem:$0x1C200] =	vst v63  }
0xe2: {  	v2 =	vperm.xlane @!p0 v2, v7;
	s3 =	simm.s32 @!p0 $0xF200  }
0xe3: {  	[hbm4b:s19+s2] =	stream.indirect_vreg.scatter @!p0 [tilespmem:s3], [sflag:$0x4], $0x80, v6, vm0, $0xb8;
	[tilespmem:$0x1C200] =	vst v63  }
0xe4: {  	v2 =	vadd.s32 @!p0 v8, v2;
	s3 =	simm.s32 @!p0 $0xFA00  }
0xe5: {  	[hbm4b:s20+s2] =	stream.indirect_vreg.scatter @!p0 [tilespmem:s3], [sflag:$0x4], $0x80, v6, vm0, $0xb8;
	[tilespmem:$0x1C200] =	vst v63  }
0xe6: {  	s3 =	simm.s32 @!p0 $0x10200  }
0xe7: {  	[hbm4b:s21+s2] =	stream.indirect_vreg.scatter @!p0 [tilespmem:s3], [sflag:$0x4], $0x80, v6, vm0, $0xb8;
	[tilespmem:$0x1C200] =	vst v63  }
0xe8: {  	s3 =	simm.s32 @!p0 $0x10A00  }
0xe9: {  	[hbm4b:s5+s2] =	stream.indirect_vreg.scatter @!p0 [tilespmem:s3], [sflag:$0x4], $0x80, v2, vm0, $0xb8;
	[tilespmem:$0x1C200] =	vst v63  }
0xea: {  	s3 =	simm.s32 @!p0 $0x11200  }
0xeb: {  	[hbm4b:s15+s2] =	stream.indirect_vreg.scatter @!p0 [tilespmem:s3], [sflag:$0x4], $0x80, v2, vm0, $0xb8;
	[tilespmem:$0x1C200] =	vst v63  }
0xec: {  	s3 =	simm.s32 @!p0 $0x11A00  }
0xed: {  	[hbm4b:s16+s2] =	stream.indirect_vreg.scatter @!p0 [tilespmem:s3], [sflag:$0x4], $0x80, v2, vm0, $0xb8;
	[tilespmem:$0x1C200] =	vst v63  }
0xee: {  	s3 =	simm.s32 @!p0 $0x12200  }
0xef: {  	[hbm4b:s17+s2] =	stream.indirect_vreg.scatter @!p0 [tilespmem:s3], [sflag:$0x4], $0x80, v2, vm0, $0xb8;
	[tilespmem:$0x1C200] =	vst v63  }
0xf0: {  	s3 =	simm.s32 @!p0 $0x12A00  }
0xf1: {  	[hbm4b:s18+s2] =	stream.indirect_vreg.scatter @!p0 [tilespmem:s3], [sflag:$0x4], $0x80, v2, vm0, $0xb8;
	[tilespmem:$0x1C200] =	vst v63  }
0xf2: {  	s3 =	simm.s32 @!p0 $0x13200  }
0xf3: {  	[hbm4b:s19+s2] =	stream.indirect_vreg.scatter @!p0 [tilespmem:s3], [sflag:$0x4], $0x80, v2, vm0, $0xb8;
	[tilespmem:$0x1C200] =	vst v63  }
0xf4: {  	s3 =	simm.s32 @!p0 $0x13A00  }
0xf5: {  	[hbm4b:s20+s2] =	stream.indirect_vreg.scatter @!p0 [tilespmem:s3], [sflag:$0x4], $0x80, v2, vm0, $0xb8;
	[tilespmem:$0x1C200] =	vst v63  }
0xf6: {  	s3 =	simm.s32 @!p0 $0x14200  }
0xf7: {  	[hbm4b:s21+s2] =	stream.indirect_vreg.scatter @!p0 [tilespmem:s3], [sflag:$0x4], $0x80, v2, vm0, $0xb8;
	[tilespmem:$0x1C200] =	vst v63  }
0xf8: {  	s2 =	rddreg [dreg:$0x11]  }
0xf9: {  	s3 =	rddreg [dreg:$0xe]  }
0xfa: {  	p0 =	sgt.s32 s2, s3  }
0xfb: {  	p1 =	seq.s32 @!p0 s12, $0x0  }
0xfc: {  	p1 =	por p1, p0  }
0xfd: {  	s2 =	simm.s32 @!p1 $0x4  }
0xfe: {  	_ =	swait.ge @!p1 [sflag:s2], $0x8000  }
0xff: {  	[sflag:s2] =	ssyncset.done @!p1 $0x0  }
0x100: {  	[sflag:s2] =	ssyncadd.s32 @!p1 $0xFFFF8000  }
0x101: {  	v2 =	vld @!p0 [tilespmem:s11+$0x0];
	_ =	sdelay $0x4  }
0x102: {  	v6 =	vshll.u32 @!p0 v2, $0x4  }
0x103: {  	v8 =	vlaneseq.u32 @!p0;
	v7 =	vand.u32 @!p0 $0x7, v2;
	v6 =	vand.u32 @!p0 $0xFFFFFF80, v6  }
0x104: {  	v9 =	vshrl.u32 @!p0 v8, $0x3;
	v6 =	vor.u32 @!p0 v7, v6;
	v7 =	vand.u32 @!p0 $0x7, v8  }
0x105: {  	v9 =	vmul.u32 @!p0 $0x8, v9;
	v7 =	vperm.xlane @!p0 v6, v7;
	_ =	sdelay $0x1  }
0x106: {  	v7 =	vadd.s32 @!p0 v9, v7;
	_ =	sdelay $0x2  }
0x107: {  	[tilespmem:$0x4580] =	vst @!p0 v2  }
0x108: {  	vm0 =	vmmov @!p0 $0xffff;
	s3 =	simm.s32 @!p0 $0xCA00;
	s2 =	simm.s32 @!p0 $0x0;
	[tilespmem:$0x4500] =	vst @!p0 v2  }
0x109: {  	[tilespmem:s3], [sflag:$0x3] =	stream.indirect_vreg.gather @!p0 [hbm4b:s13+s2], $0x80, v7, vm0, $0xb8;
	[tilespmem:$0x1C200] =	vst v63  }
0x10a: {  	s3 =	simm.s32 @!p0 $0xD200  }
0x10b: {  	[tilespmem:s3], [sflag:$0x3] =	stream.indirect_vreg.gather @!p0 [hbm4b:s4+s2], $0x80, v7, vm0, $0xb8;
	[tilespmem:$0x1C200] =	vst v63  }
0x10c: {  	s3 =	simm.s32 @!p0 $0xDA00  }
0x10d: {  	[tilespmem:s3], [sflag:$0x3] =	stream.indirect_vreg.gather @!p0 [hbm4b:s8+s2], $0x80, v7, vm0, $0xb8;
	[tilespmem:$0x1C200] =	vst v63  }
0x10e: {  	s3 =	simm.s32 @!p0 $0xE200  }
0x10f: {  	[tilespmem:s3], [sflag:$0x3] =	stream.indirect_vreg.gather @!p0 [hbm4b:s0+s2], $0x80, v7, vm0, $0xb8;
	[tilespmem:$0x1C200] =	vst v63  }
0x110: {  	s3 =	simm.s32 @!p0 $0xEA00  }
0x111: {  	v2 =	vor.u32 @!p0 $0x8, v8;
	[tilespmem:s3], [sflag:$0x3] =	stream.indirect_vreg.gather @!p0 [hbm4b:s31+s2], $0x80, v7, vm0, $0xb8;
	[tilespmem:$0x1C200] =	vst v63  }
0x112: {  	v2 =	vperm.xlane @!p0 v6, v2;
	s3 =	simm.s32 @!p0 $0xF200  }
0x113: {  	[tilespmem:s3], [sflag:$0x3] =	stream.indirect_vreg.gather @!p0 [hbm4b:s6+s2], $0x80, v7, vm0, $0xb8;
	[tilespmem:$0x1C200] =	vst v63  }
0x114: {  	v2 =	vadd.s32 @!p0 v9, v2;
	s3 =	simm.s32 @!p0 $0xFA00  }
0x115: {  	[tilespmem:s3], [sflag:$0x3] =	stream.indirect_vreg.gather @!p0 [hbm4b:s25+s2], $0x80, v7, vm0, $0xb8;
	[tilespmem:$0x1C200] =	vst v63  }
0x116: {  	s3 =	simm.s32 @!p0 $0x10200  }
0x117: {  	[tilespmem:s3], [sflag:$0x3] =	stream.indirect_vreg.gather @!p0 [hbm4b:s10+s2], $0x80, v7, vm0, $0xb8;
	[tilespmem:$0x1C200] =	vst v63  }
0x118: {  	s3 =	simm.s32 @!p0 $0x10A00  }
0x119: {  	[tilespmem:s3], [sflag:$0x3] =	stream.indirect_vreg.gather @!p0 [hbm4b:s13+s2], $0x80, v2, vm0, $0xb8;
	[tilespmem:$0x1C200] =	vst v63  }
0x11a: {  	s3 =	simm.s32 @!p0 $0x11200  }
0x11b: {  	[tilespmem:s3], [sflag:$0x3] =	stream.indirect_vreg.gather @!p0 [hbm4b:s4+s2], $0x80, v2, vm0, $0xb8;
	[tilespmem:$0x1C200] =	vst v63  }
0x11c: {  	s3 =	simm.s32 @!p0 $0x11A00  }
0x11d: {  	[tilespmem:s3], [sflag:$0x3] =	stream.indirect_vreg.gather @!p0 [hbm4b:s8+s2], $0x80, v2, vm0, $0xb8;
	[tilespmem:$0x1C200] =	vst v63  }
0x11e: {  	s3 =	simm.s32 @!p0 $0x12200  }
0x11f: {  	[tilespmem:s3], [sflag:$0x3] =	stream.indirect_vreg.gather @!p0 [hbm4b:s0+s2], $0x80, v2, vm0, $0xb8;
	[tilespmem:$0x1C200] =	vst v63  }
0x120: {  	s3 =	simm.s32 @!p0 $0x12A00  }
0x121: {  	[tilespmem:s3], [sflag:$0x3] =	stream.indirect_vreg.gather @!p0 [hbm4b:s31+s2], $0x80, v2, vm0, $0xb8;
	[tilespmem:$0x1C200] =	vst v63  }
0x122: {  	s3 =	simm.s32 @!p0 $0x13200  }
0x123: {  	[tilespmem:s3], [sflag:$0x3] =	stream.indirect_vreg.gather @!p0 [hbm4b:s6+s2], $0x80, v2, vm0, $0xb8;
	[tilespmem:$0x1C200] =	vst v63  }
0x124: {  	s3 =	simm.s32 @!p0 $0x13A00  }
0x125: {  	[tilespmem:s3], [sflag:$0x3] =	stream.indirect_vreg.gather @!p0 [hbm4b:s25+s2], $0x80, v2, vm0, $0xb8;
	[tilespmem:$0x1C200] =	vst v63  }
0x126: {  	s3 =	simm.s32 @!p0 $0x14200  }
0x127: {  	[tilespmem:s3], [sflag:$0x3] =	stream.indirect_vreg.gather @!p0 [hbm4b:s10+s2], $0x80, v2, vm0, $0xb8;
	[tilespmem:$0x1C200] =	vst v63  }
0x128: {  	p0 =	sge.s32 s14, s9  }
0x129: {  	s2 =	simm.s32 @!p0 $0x1  }
0x12a: {  	_ =	swait.ge @!p0 [sflag:s2], $0x8000  }
0x12b: {  	[sflag:s2] =	ssyncset.done @!p0 $0x0  }
0x12c: {  	[sflag:s2] =	ssyncadd.s32 @!p0 $0xFFFF8000  }
0x12d: {  	v2 =	vld @!p0 [tilespmem:$0x4480];
	_ =	sdelay $0x4  }
0x12e: {  	v6 =	vshll.u32 @!p0 v2, $0x4  }
0x12f: {  	v7 =	vlaneseq.u32 @!p0;
	v2 =	vand.u32 @!p0 $0x7, v2;
	v6 =	vand.u32 @!p0 $0xFFFFFF80, v6  }
0x130: {  	v8 =	vshrl.u32 @!p0 v7, $0x3;
	v2 =	vor.u32 @!p0 v2, v6;
	v6 =	vand.u32 @!p0 $0x7, v7  }
0x131: {  	v8 =	vmul.u32 @!p0 $0x8, v8;
	v6 =	vperm.xlane @!p0 v2, v6;
	_ =	sdelay $0x1  }
0x132: {  	v6 =	vadd.s32 @!p0 v8, v6;
	_ =	sdelay $0x3  }
0x133: {  	vm0 =	vmmov @!p0 $0xffff;
	s3 =	simm.s32 @!p0 $0x4A00;
	s2 =	simm.s32 @!p0 $0x0  }
0x134: {  	[hbm4b:s5+s2] =	stream.indirect_vreg.scatter @!p0 [tilespmem:s3], [sflag:$0x2], $0x80, v6, vm0, $0xb8;
	[tilespmem:$0x1C200] =	vst v63  }
0x135: {  	s3 =	simm.s32 @!p0 $0x5200  }
0x136: {  	[hbm4b:s15+s2] =	stream.indirect_vreg.scatter @!p0 [tilespmem:s3], [sflag:$0x2], $0x80, v6, vm0, $0xb8;
	[tilespmem:$0x1C200] =	vst v63  }
0x137: {  	s3 =	simm.s32 @!p0 $0x5A00  }
0x138: {  	[hbm4b:s16+s2] =	stream.indirect_vreg.scatter @!p0 [tilespmem:s3], [sflag:$0x2], $0x80, v6, vm0, $0xb8;
	[tilespmem:$0x1C200] =	vst v63  }
0x139: {  	s3 =	simm.s32 @!p0 $0x6200  }
0x13a: {  	[hbm4b:s17+s2] =	stream.indirect_vreg.scatter @!p0 [tilespmem:s3], [sflag:$0x2], $0x80, v6, vm0, $0xb8;
	[tilespmem:$0x1C200] =	vst v63  }
0x13b: {  	s3 =	simm.s32 @!p0 $0x6A00  }
0x13c: {  	v7 =	vor.u32 @!p0 $0x8, v7;
	[hbm4b:s18+s2] =	stream.indirect_vreg.scatter @!p0 [tilespmem:s3], [sflag:$0x2], $0x80, v6, vm0, $0xb8;
	[tilespmem:$0x1C200] =	vst v63  }
0x13d: {  	v2 =	vperm.xlane @!p0 v2, v7;
	s3 =	simm.s32 @!p0 $0x7200  }
0x13e: {  	[hbm4b:s19+s2] =	stream.indirect_vreg.scatter @!p0 [tilespmem:s3], [sflag:$0x2], $0x80, v6, vm0, $0xb8;
	[tilespmem:$0x1C200] =	vst v63  }
0x13f: {  	v2 =	vadd.s32 @!p0 v8, v2;
	s3 =	simm.s32 @!p0 $0x7A00  }
0x140: {  	[hbm4b:s20+s2] =	stream.indirect_vreg.scatter @!p0 [tilespmem:s3], [sflag:$0x2], $0x80, v6, vm0, $0xb8;
	[tilespmem:$0x1C200] =	vst v63  }
0x141: {  	s3 =	simm.s32 @!p0 $0x8200  }
0x142: {  	[hbm4b:s21+s2] =	stream.indirect_vreg.scatter @!p0 [tilespmem:s3], [sflag:$0x2], $0x80, v6, vm0, $0xb8;
	[tilespmem:$0x1C200] =	vst v63  }
0x143: {  	s3 =	simm.s32 @!p0 $0x8A00  }
0x144: {  	[hbm4b:s5+s2] =	stream.indirect_vreg.scatter @!p0 [tilespmem:s3], [sflag:$0x2], $0x80, v2, vm0, $0xb8;
	[tilespmem:$0x1C200] =	vst v63  }
0x145: {  	s3 =	simm.s32 @!p0 $0x9200  }
0x146: {  	[hbm4b:s15+s2] =	stream.indirect_vreg.scatter @!p0 [tilespmem:s3], [sflag:$0x2], $0x80, v2, vm0, $0xb8;
	[tilespmem:$0x1C200] =	vst v63  }
0x147: {  	s3 =	simm.s32 @!p0 $0x9A00  }
0x148: {  	[hbm4b:s16+s2] =	stream.indirect_vreg.scatter @!p0 [tilespmem:s3], [sflag:$0x2], $0x80, v2, vm0, $0xb8;
	[tilespmem:$0x1C200] =	vst v63  }
0x149: {  	s3 =	simm.s32 @!p0 $0xA200  }
0x14a: {  	[hbm4b:s17+s2] =	stream.indirect_vreg.scatter @!p0 [tilespmem:s3], [sflag:$0x2], $0x80, v2, vm0, $0xb8;
	[tilespmem:$0x1C200] =	vst v63  }
0x14b: {  	s3 =	simm.s32 @!p0 $0xAA00  }
0x14c: {  	[hbm4b:s18+s2] =	stream.indirect_vreg.scatter @!p0 [tilespmem:s3], [sflag:$0x2], $0x80, v2, vm0, $0xb8;
	[tilespmem:$0x1C200] =	vst v63  }
0x14d: {  	s3 =	simm.s32 @!p0 $0xB200  }
0x14e: {  	[hbm4b:s19+s2] =	stream.indirect_vreg.scatter @!p0 [tilespmem:s3], [sflag:$0x2], $0x80, v2, vm0, $0xb8;
	[tilespmem:$0x1C200] =	vst v63  }
0x14f: {  	s3 =	simm.s32 @!p0 $0xBA00  }
0x150: {  	[hbm4b:s20+s2] =	stream.indirect_vreg.scatter @!p0 [tilespmem:s3], [sflag:$0x2], $0x80, v2, vm0, $0xb8;
	[tilespmem:$0x1C200] =	vst v63  }
0x151: {  	s3 =	simm.s32 @!p0 $0xC200  }
0x152: {  	[hbm4b:s21+s2] =	stream.indirect_vreg.scatter @!p0 [tilespmem:s3], [sflag:$0x2], $0x80, v2, vm0, $0xb8;
	v2 =	vld [tilespmem:$0x1FF80]  }
0x153: {  	v6 =	vld [tilespmem:$0x1FF90];
	_ =	sdelay $0x2  }
0x154: {  	p3 =	slt.u32 s12, s7;
	s3 =	rddreg [dreg:$0x13]  }
0x155: {  	p4 =	slt.u32 s3, s7;
	v2 =	vpsel !p3, $0x0, v2  }
0x156: {  	v6 =	vpsel !p4, $0x0, v6;
	v2 =	vadd.s32 v10, v2  }
0x157: {  	v2 =	vadd.s32 v6, v2;
	v6 =	vld [tilespmem:$0x1FFA0];
	_ =	sdelay $0x2  }
0x158: {  	s4 =	rddreg [dreg:$0x14]  }
0x159: {  	p5 =	slt.u32 s4, s7  }
0x15a: {  	v6 =	vpsel !p5, $0x0, v6  }
0x15b: {  	v2 =	vadd.s32 v6, v2;
	v6 =	vld [tilespmem:$0x1FFB0];
	_ =	sdelay $0x2  }
0x15c: {  	s6 =	rddreg [dreg:$0x17]  }
0x15d: {  	p6 =	slt.u32 s6, s7  }
0x15e: {  	v6 =	vpsel !p6, $0x0, v6  }
0x15f: {  	v2 =	vadd.s32 v6, v2;
	v6 =	vld [tilespmem:$0x1FFC0];
	_ =	sdelay $0x2  }
0x160: {  	s8 =	rddreg [dreg:$0x15]  }
0x161: {  	p2 =	slt.u32 s8, s7  }
0x162: {  	v6 =	vpsel !p2, $0x0, v6  }
0x163: {  	v2 =	vadd.s32 v6, v2;
	v6 =	vld [tilespmem:$0x1FFD0];
	_ =	sdelay $0x2  }
0x164: {  	s9 =	rddreg [dreg:$0x16]  }
0x165: {  	p3 =	slt.u32 s9, s7  }
0x166: {  	v6 =	vpsel !p3, $0x0, v6  }
0x167: {  	v2 =	vadd.s32 v6, v2;
	v6 =	vld [tilespmem:$0x1FFE0];
	_ =	sdelay $0x2  }
0x168: {  	s10 =	rddreg [dreg:$0x1a]  }
0x169: {  	p4 =	slt.u32 s10, s7  }
0x16a: {  	v6 =	vpsel !p4, $0x0, v6  }
0x16b: {  	v2 =	vadd.s32 v6, v2;
	v6 =	vld [tilespmem:$0x1FFF0]  }
0x16c: {  	s13 =	rddreg [dreg:$0x18]  }
0x16d: {  	s25 =	rddreg [dreg:$0x19]  }
0x16e: {  	s31 =	rddreg [dreg:$0x1d]  }
0x16f: {  	s4 =	rddreg [dreg:$0x1c];
	p5 =	slt.u32 s13, s7  }
0x170: {  	s6 =	sld [smem:$0x7CC];
	p6 =	slt.u32 s25, s7;
	v6 =	vpsel !p5, $0x0, v6  }
0x171: {  	s3 =	rddreg [dreg:$0x1b];
	p2 =	slt.u32 s31, s7;
	v2 =	vadd.s32 v6, v2;
	v6 =	vpsel !p6, $0x0, v11  }
0x172: {  	s8 =	rddreg [dreg:$0x1e];
	v12 =	vpsel !p2, $0x0, v12;
	p3 =	slt.u32 s3, s7;
	v2 =	vadd.s32 v6, v2  }
0x173: {  	s10 =	sld [smem:$0x7CD];
	v13 =	vpsel !p3, $0x0, v13;
	p4 =	slt.u32 s4, s7;
	v2 =	vadd.s32 v12, v2  }
0x174: {  	s9 =	rddreg [dreg:$0x1f];
	v14 =	vpsel !p4, $0x0, v14;
	p5 =	slt.u32 s6, s7;
	v2 =	vadd.s32 v13, v2  }
0x175: {  	s13 =	sld [smem:$0x7CE];
	p6 =	slt.u32 s8, s7;
	v15 =	vpsel !p5, $0x0, v15;
	v2 =	vadd.s32 v14, v2  }
0x176: {  	s25 =	sld [smem:$0x7CF];
	p2 =	slt.u32 s9, s7;
	v16 =	vpsel !p6, $0x0, v16;
	v2 =	vadd.s32 v15, v2  }
0x177: {  	s31 =	sld [smem:$0x7D0];
	v17 =	vpsel !p2, $0x0, v17;
	p3 =	slt.u32 s10, s7;
	v2 =	vadd.s32 v16, v2  }
0x178: {  	s3 =	sld [smem:$0x7D1];
	v18 =	vpsel !p3, $0x0, v18;
	p4 =	slt.u32 s13, s7;
	v2 =	vadd.s32 v17, v2  }
0x179: {  	s4 =	sld [smem:$0x7D2];
	v19 =	vpsel !p4, $0x0, v19;
	p5 =	slt.u32 s25, s7;
	v2 =	vadd.s32 v18, v2  }
0x17a: {  	s6 =	sld [smem:$0x7D3];
	p6 =	slt.u32 s31, s7;
	v20 =	vpsel !p5, $0x0, v20;
	v2 =	vadd.s32 v19, v2  }
0x17b: {  	p2 =	slt.u32 s3, s7;
	s8 =	sld [smem:$0x7D4];
	v21 =	vpsel !p6, $0x0, v21;
	v2 =	vadd.s32 v20, v2  }
0x17c: {  	s9 =	sld [smem:$0x7D5];
	v22 =	vpsel !p2, $0x0, v22;
	p3 =	slt.u32 s4, s7;
	v2 =	vadd.s32 v21, v2  }
0x17d: {  	s10 =	sld [smem:$0x7D6];
	v23 =	vpsel !p3, $0x0, v23;
	p4 =	slt.u32 s6, s7;
	v2 =	vadd.s32 v22, v2  }
0x17e: {  	s13 =	sld [smem:$0x7D7];
	p5 =	slt.u32 s8, s7;
	v24 =	vpsel !p4, $0x0, v24;
	v2 =	vadd.s32 v23, v2  }
0x17f: {  	s25 =	sld [smem:$0x7D8];
	p6 =	slt.u32 s9, s7;
	v25 =	vpsel !p5, $0x0, v25;
	v2 =	vadd.s32 v24, v2  }
0x180: {  	p2 =	slt.u32 s10, s7;
	s31 =	sld [smem:$0x7D9];
	v26 =	vpsel !p6, $0x0, v26;
	v2 =	vadd.s32 v25, v2  }
0x181: {  	s3 =	sld [smem:$0x7DA];
	v27 =	vpsel !p2, $0x0, v27;
	p3 =	slt.u32 s13, s7;
	v2 =	vadd.s32 v26, v2  }
0x182: {  	s4 =	sld [smem:$0x7DB];
	v28 =	vpsel !p3, $0x0, v28;
	p4 =	slt.u32 s25, s7;
	v2 =	vadd.s32 v27, v2  }
0x183: {  	s6 =	sld [smem:$0x7DC];
	p5 =	slt.u32 s31, s7;
	v29 =	vpsel !p4, $0x0, v29;
	v2 =	vadd.s32 v28, v2  }
0x184: {  	p6 =	slt.u32 s3, s7;
	s8 =	sld [smem:$0x7DD];
	v30 =	vpsel !p5, $0x0, v30;
	v2 =	vadd.s32 v29, v2  }
0x185: {  	p2 =	slt.u32 s4, s7;
	s9 =	sld [smem:$0x7DE];
	v31 =	vpsel !p6, $0x0, v31;
	v2 =	vadd.s32 v30, v2  }
0x186: {  	s10 =	sld [smem:$0x7DF];
	v32 =	vpsel !p2, $0x0, v32;
	p3 =	slt.u32 s6, s7;
	v2 =	vadd.s32 v31, v2  }
0x187: {  	s13 =	sld [smem:$0x7E0];
	p4 =	slt.u32 s8, s7;
	v33 =	vpsel !p3, $0x0, v33;
	v2 =	vadd.s32 v32, v2  }
0x188: {  	s25 =	sld [smem:$0x7E1];
	p5 =	slt.u32 s9, s7;
	v34 =	vpsel !p4, $0x0, v34;
	v2 =	vadd.s32 v33, v2  }
0x189: {  	p6 =	slt.u32 s10, s7;
	s31 =	sld [smem:$0x7E2];
	v35 =	vpsel !p5, $0x0, v35;
	v2 =	vadd.s32 v34, v2  }
0x18a: {  	p2 =	slt.u32 s13, s7;
	s3 =	sld [smem:$0x7E3];
	v36 =	vpsel !p6, $0x0, v36;
	v2 =	vadd.s32 v35, v2  }
0x18b: {  	s4 =	sld [smem:$0x7E4];
	v37 =	vpsel !p2, $0x0, v37;
	p3 =	slt.u32 s25, s7;
	v2 =	vadd.s32 v36, v2  }
0x18c: {  	s6 =	sld [smem:$0x7E5];
	p4 =	slt.u32 s31, s7;
	v38 =	vpsel !p3, $0x0, v38;
	v2 =	vadd.s32 v37, v2  }
0x18d: {  	p5 =	slt.u32 s3, s7;
	s8 =	sld [smem:$0x7E6];
	v39 =	vpsel !p4, $0x0, v39;
	v2 =	vadd.s32 v38, v2  }
0x18e: {  	p6 =	slt.u32 s4, s7;
	s9 =	sld [smem:$0x7E7];
	v40 =	vpsel !p5, $0x0, v40;
	v2 =	vadd.s32 v39, v2  }
0x18f: {  	s10 =	sld [smem:$0x7E8];
	v41 =	vpsel !p6, $0x0, v41;
	p2 =	slt.u32 s6, s7;
	v2 =	vadd.s32 v40, v2  }
0x190: {  	s13 =	sld [smem:$0x7E9];
	p3 =	slt.u32 s8, s7;
	v42 =	vpsel !p2, $0x0, v42;
	v2 =	vadd.s32 v41, v2  }
0x191: {  	s25 =	sld [smem:$0x7EA];
	p4 =	slt.u32 s9, s7;
	v43 =	vpsel !p3, $0x0, v43;
	v2 =	vadd.s32 v42, v2  }
0x192: {  	p5 =	slt.u32 s10, s7;
	s31 =	sld [smem:$0x7EB];
	v44 =	vpsel !p4, $0x0, v44;
	v2 =	vadd.s32 v43, v2  }
0x193: {  	p6 =	slt.u32 s13, s7;
	s3 =	sld [smem:$0x7EC];
	v45 =	vpsel !p5, $0x0, v45;
	v2 =	vadd.s32 v44, v2  }
0x194: {  	s4 =	sld [smem:$0x7ED];
	v46 =	vpsel !p6, $0x0, v46;
	p2 =	slt.u32 s25, s7;
	v2 =	vadd.s32 v45, v2  }
0x195: {  	s6 =	sld [smem:$0x7EE];
	p3 =	slt.u32 s31, s7;
	v47 =	vpsel !p2, $0x0, v47;
	v2 =	vadd.s32 v46, v2  }
0x196: {  	p4 =	slt.u32 s3, s7;
	s8 =	sld [smem:$0x7EF];
	v48 =	vpsel !p3, $0x0, v48;
	v2 =	vadd.s32 v47, v2  }
0x197: {  	p5 =	slt.u32 s4, s7;
	s9 =	sld [smem:$0x7F0];
	v49 =	vpsel !p4, $0x0, v49;
	v2 =	vadd.s32 v48, v2  }
0x198: {  	s10 =	sld [smem:$0x7F1];
	v50 =	vpsel !p5, $0x0, v50;
	p6 =	slt.u32 s6, s7;
	v2 =	vadd.s32 v49, v2  }
0x199: {  	s13 =	sld [smem:$0x7F2];
	p2 =	slt.u32 s8, s7;
	v51 =	vpsel !p6, $0x0, v51;
	v2 =	vadd.s32 v50, v2  }
0x19a: {  	s25 =	sld [smem:$0x7F3];
	p3 =	slt.u32 s9, s7;
	v52 =	vpsel !p2, $0x0, v52;
	v2 =	vadd.s32 v51, v2  }
0x19b: {  	p4 =	slt.u32 s10, s7;
	s31 =	sld [smem:$0x7F4];
	v53 =	vpsel !p3, $0x0, v53;
	v2 =	vadd.s32 v52, v2  }
0x19c: {  	p5 =	slt.u32 s13, s7;
	s3 =	sld [smem:$0x7F5];
	v54 =	vpsel !p4, $0x0, v54;
	v2 =	vadd.s32 v53, v2  }
0x19d: {  	s4 =	sld [smem:$0x7F6];
	v55 =	vpsel !p5, $0x0, v55;
	p6 =	slt.u32 s25, s7;
	v2 =	vadd.s32 v54, v2  }
0x19e: {  	s6 =	sld [smem:$0x7F7];
	p2 =	slt.u32 s31, s7;
	v56 =	vpsel !p6, $0x0, v56;
	v2 =	vadd.s32 v55, v2  }
0x19f: {  	p3 =	slt.u32 s3, s7;
	s8 =	sld [smem:$0x7F8];
	v57 =	vpsel !p2, $0x0, v57;
	v2 =	vadd.s32 v56, v2  }
0x1a0: {  	p4 =	slt.u32 s4, s7;
	s9 =	sld [smem:$0x7F9];
	v58 =	vpsel !p3, $0x0, v58;
	v2 =	vadd.s32 v57, v2  }
0x1a1: {  	s10 =	sld [smem:$0x7FA];
	v59 =	vpsel !p4, $0x0, v59;
	p5 =	slt.u32 s6, s7;
	v2 =	vadd.s32 v58, v2  }
0x1a2: {  	s13 =	sld [smem:$0x7FB];
	p6 =	slt.u32 s8, s7;
	v60 =	vpsel !p5, $0x0, v60;
	v2 =	vadd.s32 v59, v2  }
0x1a3: {  	s12 =	sadd.s32 $0x40, s12;
	s25 =	sld [smem:$0x7FC];
	p2 =	slt.u32 s9, s7;
	v61 =	vpsel !p6, $0x0, v61;
	v2 =	vadd.s32 v60, v2  }
0x1a4: {  	p0 =	sne.s32 s12, $0x440;
	p3 =	slt.u32 s10, s7;
	s31 =	sld [smem:$0x7FD];
	v62 =	vpsel !p2, $0x0, v62;
	v2 =	vadd.s32 v61, v2  }
.Ltmp1:
0x1a5: {  	p4 =	slt.u32 s13, s7;
	v63 =	vpsel !p3, $0x0, v63;
	v2 =	vadd.s32 v62, v2;
	(pc) =	sbr.rel @p0 .LBB2_4-.Ltmp1, $4  }
0x1a6: {  	v5 =	vpsel !p4, $0x0, v5;
	p5 =	slt.u32 s25, s7;
	v2 =	vadd.s32 v63, v2  }
0x1a7: {  	v3 =	vpsel !p5, $0x0, v3;
	p6 =	slt.u32 s31, s7;
	v2 =	vadd.s32 v5, v2  }
0x1a8: {  	s14 =	sadd.s32 $0x2, s14;
	s2 =	rddreg [dreg:$0x11];
	v2 =	vadd.s32 v3, v2;
	v3 =	vpsel !p6, $0x0, v4  }
0x1a9: {  	[dreg:$0x12] =	wrdreg s14;
	s2 =	sadd.s32 $0x20, s2;
	s4 =	sadd.s32 $0x20, s11;
	v10 =	vadd.s32 v3, v2  }
0x1aa: {  	s2 =	rddreg [dreg:$0x10]  }
0x1ab: {  	p0 =	slt.s32 s2, $0x1  }
0x1ac: {  	s0 =	simm.s32 @!p0 $0x2  }
0x1ad: {  	p1 =	seq.s32 @!p0 s2, $0x1;
	_ =	swait.ge @!p0 [sflag:s0], $0x8000  }
0x1ae: {  	p1 =	por p1, p0;
	[sflag:s0] =	ssyncset.done @!p0 $0x0  }
0x1af: {  	[sflag:s0] =	ssyncadd.s32 @!p0 $0xFFFF8000;
	s0 =	simm.s32 @!p1 $0x4  }
0x1b0: {  	_ =	swait.ge @!p1 [sflag:s0], $0x8000  }
0x1b1: {  	s12 =	rddreg [dreg:$0xe]  }
0x1b2: {  	s2 =	sand.u32 $0xFFFFFFF0, s12  }
0x1b3: {  	[sflag:s0] =	ssyncset.done @!p1 $0x0;
	s3 =	sand.u32 $0x8, s12;
	p0 =	slt.s32 s2, $0x1F0  }
0x1b4: {  	[sflag:s0] =	ssyncadd.s32 @!p1 $0xFFFF8000;
	p1 =	seq.s32 s3, $0x0;
	s2 =	simm.s32 @!p0 $0x1F0  }
0x1b5: {  	v2 =	vlaneseq.u32 @!p1;
	v3 =	vld [tilespmem:s2+$0x4200];
	_ =	sdelay $0x3  }
0x1b6: {  	s0 =	simm.s32 @!p1 $0x4600  }
0x1b7: {  	[tilespmem:v2+s0+$0x0] =	vst.idx.msk @!p1 $0xff, v3;
	s0 =	simm.s32 @!p1 $0x4680  }
0x1b8: {  	[tilespmem:v2+s0+$0x0] =	vst.idx.msk @!p1 $0xff, v3  }
0x1b9: {  	v4 =	vld.msk @!p1 [tilespmem:$0x4600], $0xff;
	_ =	sdelay $0x4  }
0x1ba: {  	v5 =	vshll.u32 @!p1 v4, $0x4  }
0x1bb: {  	v4 =	vand.u32 @!p1 $0x7, v4;
	v5 =	vand.u32 @!p1 $0xFFFFFF80, v5  }
0x1bc: {  	v4 =	vor.u32 @!p1 v4, v5;
	v5 =	vand.u32 @!p1 $0x7, v2;
	v2 =	vshrl.u32 @!p1 v2, $0x3  }
0x1bd: {  	v4 =	vperm.xlane @!p1 v4, v5;
	v2 =	vmul.u32 @!p1 $0x8, v2;
	_ =	sdelay $0x1  }
0x1be: {  	v4 =	vadd.s32 @!p1 v2, v4;
	_ =	sdelay $0x3  }
0x1bf: {  	s31 =	rddreg [dreg:$0x0];
	vm0 =	vmmov @!p1 $0xffff;
	s2 =	simm.s32 @!p1 $0x14A00;
	s0 =	simm.s32 @!p1 $0x0  }
0x1c0: {  	[tilespmem:s2], [sflag:$0x5] =	stream.indirect_vreg.gather @!p1 [hbm4b:s31+s0], $0x80, v4, vm0, $0xb8;
	[tilespmem:$0x1C200] =	vst v63  }
0x1c1: {  	s14 =	simm.s32 @!p1 $0x15200;
	s2 =	rddreg [dreg:$0x5]  }
0x1c2: {  	[tilespmem:s14], [sflag:$0x5] =	stream.indirect_vreg.gather @!p1 [hbm4b:s2+s0], $0x80, v4, vm0, $0xb8;
	[tilespmem:$0x1C200] =	vst v63  }
0x1c3: {  	s9 =	rddreg [dreg:$0x6];
	s2 =	simm.s32 @!p1 $0x15A00  }
0x1c4: {  	[tilespmem:s2], [sflag:$0x5] =	stream.indirect_vreg.gather @!p1 [hbm4b:s9+s0], $0x80, v4, vm0, $0xb8;
	[tilespmem:$0x1C200] =	vst v63  }
0x1c5: {  	s6 =	rddreg [dreg:$0x7];
	s10 =	simm.s32 @!p1 $0x16200  }
0x1c6: {  	[tilespmem:s10], [sflag:$0x5] =	stream.indirect_vreg.gather @!p1 [hbm4b:s6+s0], $0x80, v4, vm0, $0xb8;
	[tilespmem:$0x1C200] =	vst v63  }
0x1c7: {  	s11 =	simm.s32 @!p1 $0x16A00;
	s31 =	rddreg [dreg:$0x8]  }
0x1c8: {  	[tilespmem:s11], [sflag:$0x5] =	stream.indirect_vreg.gather @!p1 [hbm4b:s31+s0], $0x80, v4, vm0, $0xb8;
	[tilespmem:$0x1C200] =	vst v63  }
0x1c9: {  	s13 =	simm.s32 @!p1 $0x17200;
	s6 =	rddreg [dreg:$0x9]  }
0x1ca: {  	[tilespmem:s13], [sflag:$0x5] =	stream.indirect_vreg.gather @!p1 [hbm4b:s6+s0], $0x80, v4, vm0, $0xb8;
	[tilespmem:$0x1C200] =	vst v63  }
0x1cb: {  	s8 =	rddreg [dreg:$0xa];
	s6 =	simm.s32 @!p1 $0x17A00  }
0x1cc: {  	[tilespmem:s6], [sflag:$0x5] =	stream.indirect_vreg.gather @!p1 [hbm4b:s8+s0], $0x80, v4, vm0, $0xb8;
	[tilespmem:$0x1C200] =	vst v63  }
0x1cd: {  	s25 =	rddreg [dreg:$0xb];
	s6 =	simm.s32 @!p1 $0x18200  }
0x1ce: {  	[tilespmem:s6], [sflag:$0x5] =	stream.indirect_vreg.gather @!p1 [hbm4b:s25+s0], $0x80, v4, vm0, $0xb8;
	[tilespmem:$0x1C200] =	vst v63  }
0x1cf: {  	s25 =	simm.s32 @!p1 $0x5  }
0x1d0: {  	_ =	swait.ge @!p1 [sflag:s25], $0x4000  }
0x1d1: {  	[sflag:s25] =	ssyncset.done @!p1 $0x0  }
0x1d2: {  	[sflag:s25] =	ssyncadd.s32 @!p1 $0xFFFFC000  }
0x1d3: {  	v4 =	vld.msk @!p1 [tilespmem:$0x4680], $0xff;
	_ =	sdelay $0x4  }
0x1d4: {  	v6 =	vshll.u32 @!p1 v4, $0x4  }
0x1d5: {  	v4 =	vand.u32 @!p1 $0x7, v4;
	v6 =	vand.u32 @!p1 $0xFFFFFF80, v6  }
0x1d6: {  	v4 =	vor.u32 @!p1 v4, v6  }
0x1d7: {  	v4 =	vperm.xlane @!p1 v4, v5;
	_ =	sdelay $0x1  }
0x1d8: {  	v2 =	vadd.s32 @!p1 v2, v4;
	_ =	sdelay $0x3  }
0x1d9: {  	s4 =	simm.s32 @!p1 $0x14A00  }
0x1da: {  	[hbm4b:s5+s0] =	stream.indirect_vreg.scatter @!p1 [tilespmem:s4], [sflag:$0x5], $0x80, v2, vm0, $0xb8;
	[tilespmem:$0x1C200] =	vst v63  }
0x1db: {  	_ = 	snop  }
0x1dc: {  	[hbm4b:s15+s0] =	stream.indirect_vreg.scatter @!p1 [tilespmem:s14], [sflag:$0x5], $0x80, v2, vm0, $0xb8;
	[tilespmem:$0x1C200] =	vst v63  }
0x1dd: {  	_ = 	snop  }
0x1de: {  	[hbm4b:s16+s0] =	stream.indirect_vreg.scatter @!p1 [tilespmem:s2], [sflag:$0x5], $0x80, v2, vm0, $0xb8;
	[tilespmem:$0x1C200] =	vst v63  }
0x1df: {  	_ = 	snop  }
0x1e0: {  	[hbm4b:s17+s0] =	stream.indirect_vreg.scatter @!p1 [tilespmem:s10], [sflag:$0x5], $0x80, v2, vm0, $0xb8;
	[tilespmem:$0x1C200] =	vst v63  }
0x1e1: {  	s10 =	sand.u32 $0x4, s12  }
0x1e2: {  	p0 =	seq.s32 s10, $0x0  }
0x1e3: {  	[hbm4b:s18+s0] =	stream.indirect_vreg.scatter @!p1 [tilespmem:s11], [sflag:$0x5], $0x80, v2, vm0, $0xb8;
	[tilespmem:$0x1C200] =	vst v63  }
0x1e4: {  	v4 =	vlaneseq.u32 @!p0;
	s2 =	sor.u32 @!p0 $0x4, s3  }
0x1e5: {  	v5 =	vmov @!p0 s3;
	v6 =	vadd.s32 @!p0 $0x1, v4;
	v7 =	vmov @!p0 s2;
	[hbm4b:s19+s0] =	stream.indirect_vreg.scatter @!p1 [tilespmem:s13], [sflag:$0x5], $0x80, v2, vm0, $0xb8;
	[tilespmem:$0x1C200] =	vst v63  }
0x1e6: {  	s2 =	simm.s32 @!p1 $0x17A00;
	vm1 =	vlt.u32 @!p0 v5, v6;
	vm2 =	vgt.u32 @!p0 v7, v4  }
0x1e7: {  	vm1 =	vmand @!p0 vm1, vm2;
	[hbm4b:s20+s0] =	stream.indirect_vreg.scatter @!p1 [tilespmem:s2], [sflag:$0x5], $0x80, v2, vm0, $0xb8;
	[tilespmem:$0x1C200] =	vst v63  }
0x1e8: {  	v5 =	vsub.s32 @!p0 v4, v5  }
0x1e9: {  	[hbm4b:s21+s0] =	stream.indirect_vreg.scatter @!p1 [tilespmem:s6], [sflag:$0x5], $0x80, v2, vm0, $0xb8;
	[tilespmem:$0x1C200] =	vst v63  }
0x1ea: {  	_ =	swait.ge @!p1 [sflag:s25], $0x4000  }
0x1eb: {  	[sflag:s25] =	ssyncset.done @!p1 $0x0  }
0x1ec: {  	s0 =	simm.s32 @!p0 $0x4700;
	[sflag:s25] =	ssyncadd.s32 @!p1 $0xFFFFC000  }
0x1ed: {  	[tilespmem:v5+s0+$0x0] =	vst.idx.msk @!p0 vm1, v3;
	s0 =	simm.s32 @!p0 $0x4780  }
0x1ee: {  	[tilespmem:v5+s0+$0x0] =	vst.idx.msk @!p0 vm1, v3  }
0x1ef: {  	v2 =	vld.msk @!p0 [tilespmem:$0x4700], $0xf;
	_ =	sdelay $0x4  }
0x1f0: {  	v5 =	vshll.u32 @!p0 v2, $0x4  }
0x1f1: {  	v2 =	vand.u32 @!p0 $0x7, v2;
	v5 =	vand.u32 @!p0 $0xFFFFFF80, v5  }
0x1f2: {  	v2 =	vor.u32 @!p0 v2, v5;
	v5 =	vand.u32 @!p0 $0x3, v4;
	v4 =	vshrl.u32 @!p0 v4, $0x2  }
0x1f3: {  	v2 =	vperm.xlane @!p0 v2, v5;
	v4 =	vmul.u32 @!p0 $0x8, v4;
	_ =	sdelay $0x1  }
0x1f4: {  	v2 =	vadd.s32 @!p0 v4, v2;
	_ =	sdelay $0x3  }
0x1f5: {  	s2 =	simm.s32 @!p0 $0x18A00;
	vm0 =	vmmov @!p0 $0xffff;
	s4 =	rddreg [dreg:$0x0];
	s0 =	simm.s32 @!p0 $0x0  }
0x1f6: {  	[tilespmem:s2], [sflag:$0x5] =	stream.indirect_vreg.gather @!p0 [hbm4b:s4+s0], $0x80, v2, vm0, $0xb8;
	[tilespmem:$0x1C200] =	vst v63  }
0x1f7: {  	s3 =	simm.s32 @!p0 $0x19200  }
0x1f8: {  	[tilespmem:s3], [sflag:$0x5] =	stream.indirect_vreg.gather @!p0 [hbm4b:s9+s0], $0x80, v2, vm0, $0xb8;
	[tilespmem:$0x1C200] =	vst v63  }
0x1f9: {  	s13 =	simm.s32 @!p0 $0x19A00  }
0x1fa: {  	[tilespmem:s13], [sflag:$0x5] =	stream.indirect_vreg.gather @!p0 [hbm4b:s31+s0], $0x80, v2, vm0, $0xb8;
	[tilespmem:$0x1C200] =	vst v63  }
0x1fb: {  	s10 =	simm.s32 @!p0 $0x5;
	s9 =	simm.s32 @!p0 $0x1A200  }
0x1fc: {  	[tilespmem:s9], [sflag:$0x5] =	stream.indirect_vreg.gather @!p0 [hbm4b:s8+s0], $0x80, v2, vm0, $0xb8;
	[tilespmem:$0x1C200] =	vst v63  }
0x1fd: {  	_ =	swait.ge @!p0 [sflag:s10], $0x2000  }
0x1fe: {  	[sflag:s10] =	ssyncset.done @!p0 $0x0  }
0x1ff: {  	[sflag:s10] =	ssyncadd.s32 @!p0 $0xFFFFE000  }
0x200: {  	v2 =	vld.msk @!p0 [tilespmem:$0x4780], $0xf;
	_ =	sdelay $0x4  }
0x201: {  	v6 =	vshll.u32 @!p0 v2, $0x4  }
0x202: {  	v2 =	vand.u32 @!p0 $0x7, v2;
	v6 =	vand.u32 @!p0 $0xFFFFFF80, v6  }
0x203: {  	v2 =	vor.u32 @!p0 v2, v6  }
0x204: {  	v2 =	vperm.xlane @!p0 v2, v5;
	_ =	sdelay $0x1  }
0x205: {  	v2 =	vadd.s32 @!p0 v4, v2;
	_ =	sdelay $0x2  }
0x206: {  	s11 =	sand.u32 $0x2, s12  }
0x207: {  	p1 =	seq.s32 s11, $0x0  }
0x208: {  	[hbm4b:s5+s0] =	stream.indirect_vreg.scatter @!p0 [tilespmem:s2], [sflag:$0x5], $0x80, v2, vm0, $0xb8;
	[tilespmem:$0x1C200] =	vst v63  }
0x209: {  	s2 =	sand.u32 @!p1 $0xC, s12  }
0x20a: {  	v4 =	vlaneseq.u32 @!p1;
	s11 =	sor.u32 @!p1 $0x2, s2  }
0x20b: {  	v6 =	vadd.s32 @!p1 $0x1, v4;
	v5 =	vmov @!p1 s2;
	[hbm4b:s16+s0] =	stream.indirect_vreg.scatter @!p0 [tilespmem:s3], [sflag:$0x5], $0x80, v2, vm0, $0xb8;
	v7 =	vmov @!p1 s11;
	[tilespmem:$0x1C200] =	vst v63  }
0x20c: {  	vm1 =	vlt.u32 @!p1 v5, v6;
	vm2 =	vgt.u32 @!p1 v7, v4  }
0x20d: {  	[hbm4b:s18+s0] =	stream.indirect_vreg.scatter @!p0 [tilespmem:s13], [sflag:$0x5], $0x80, v2, vm0, $0xb8;
	vm1 =	vmand @!p1 vm1, vm2;
	[tilespmem:$0x1C200] =	vst v63  }
0x20e: {  	v5 =	vsub.s32 @!p1 v4, v5  }
0x20f: {  	[hbm4b:s20+s0] =	stream.indirect_vreg.scatter @!p0 [tilespmem:s9], [sflag:$0x5], $0x80, v2, vm0, $0xb8;
	[tilespmem:$0x1C200] =	vst v63  }
0x210: {  	_ =	swait.ge @!p0 [sflag:s10], $0x2000  }
0x211: {  	[sflag:s10] =	ssyncset.done @!p0 $0x0  }
0x212: {  	s0 =	simm.s32 @!p1 $0x4800;
	[sflag:s10] =	ssyncadd.s32 @!p0 $0xFFFFE000  }
0x213: {  	[tilespmem:v5+s0+$0x0] =	vst.idx.msk @!p1 vm1, v3;
	s0 =	simm.s32 @!p1 $0x4880  }
0x214: {  	[tilespmem:v5+s0+$0x0] =	vst.idx.msk @!p1 vm1, v3  }
0x215: {  	v2 =	vld.msk @!p1 [tilespmem:$0x4800], $0x3;
	_ =	sdelay $0x4  }
0x216: {  	v5 =	vshll.u32 @!p1 v2, $0x4  }
0x217: {  	v2 =	vand.u32 @!p1 $0x7, v2;
	v5 =	vand.u32 @!p1 $0xFFFFFF80, v5  }
0x218: {  	v2 =	vor.u32 @!p1 v2, v5;
	v5 =	vand.u32 @!p1 $0x1, v4;
	v4 =	vshrl.u32 @!p1 v4, $0x1  }
0x219: {  	v2 =	vperm.xlane @!p1 v2, v5;
	v4 =	vmul.u32 @!p1 $0x8, v4;
	_ =	sdelay $0x1  }
0x21a: {  	v2 =	vadd.s32 @!p1 v4, v2;
	_ =	sdelay $0x3  }
0x21b: {  	s2 =	simm.s32 @!p1 $0x1AA00;
	vm0 =	vmmov @!p1 $0xffff;
	s0 =	simm.s32 @!p1 $0x0  }
0x21c: {  	[tilespmem:s2], [sflag:$0x5] =	stream.indirect_vreg.gather @!p1 [hbm4b:s4+s0], $0x80, v2, vm0, $0xb8;
	[tilespmem:$0x1C200] =	vst v63  }
0x21d: {  	s8 =	simm.s32 @!p1 $0x5;
	s3 =	simm.s32 @!p1 $0x1B200  }
0x21e: {  	[tilespmem:s3], [sflag:$0x5] =	stream.indirect_vreg.gather @!p1 [hbm4b:s31+s0], $0x80, v2, vm0, $0xb8;
	[tilespmem:$0x1C200] =	vst v63  }
0x21f: {  	_ =	swait.ge @!p1 [sflag:s8], $0x1000  }
0x220: {  	[sflag:s8] =	ssyncset.done @!p1 $0x0  }
0x221: {  	[sflag:s8] =	ssyncadd.s32 @!p1 $0xFFFFF000  }
0x222: {  	v2 =	vld.msk @!p1 [tilespmem:$0x4880], $0x3;
	_ =	sdelay $0x4  }
0x223: {  	v6 =	vshll.u32 @!p1 v2, $0x4  }
0x224: {  	v2 =	vand.u32 @!p1 $0x7, v2;
	v6 =	vand.u32 @!p1 $0xFFFFFF80, v6  }
0x225: {  	v2 =	vor.u32 @!p1 v2, v6  }
0x226: {  	v2 =	vperm.xlane @!p1 v2, v5  }
0x227: {  	s13 =	sand.u32 $0x1, s12  }
0x228: {  	p2 =	seq.s32 s13, $0x0;
	v2 =	vadd.s32 @!p1 v4, v2  }
0x229: {  	s9 =	sand.u32 @!p2 $0xE, s12  }
0x22a: {  	s10 =	sor.u32 @!p2 $0x1, s9;
	v4 =	vlaneseq.u32 @!p2  }
0x22b: {  	v7 =	vmov @!p2 s10;
	v5 =	vmov @!p2 s9;
	v6 =	vadd.s32 @!p2 $0x1, v4  }
0x22c: {  	vm2 =	vgt.u32 @!p2 v7, v4;
	vm1 =	vlt.u32 @!p2 v5, v6  }
0x22d: {  	vm1 =	vmand @!p2 vm1, vm2;
	[hbm4b:s5+s0] =	stream.indirect_vreg.scatter @!p1 [tilespmem:s2], [sflag:$0x5], $0x80, v2, vm0, $0xb8;
	[tilespmem:$0x1C200] =	vst v63  }
0x22e: {  	v5 =	vsub.s32 @!p2 v4, v5  }
0x22f: {  	[hbm4b:s18+s0] =	stream.indirect_vreg.scatter @!p1 [tilespmem:s3], [sflag:$0x5], $0x80, v2, vm0, $0xb8;
	[tilespmem:$0x1C200] =	vst v63  }
0x230: {  	_ =	swait.ge @!p1 [sflag:s8], $0x1000  }
0x231: {  	[sflag:s8] =	ssyncset.done @!p1 $0x0  }
0x232: {  	s0 =	simm.s32 @!p2 $0x4900;
	[sflag:s8] =	ssyncadd.s32 @!p1 $0xFFFFF000  }
0x233: {  	[tilespmem:v5+s0+$0x0] =	vst.idx.msk @!p2 vm1, v3;
	s0 =	simm.s32 @!p2 $0x4980  }
0x234: {  	[tilespmem:v5+s0+$0x0] =	vst.idx.msk @!p2 vm1, v3  }
0x235: {  	v2 =	vld.msk @!p2 [tilespmem:$0x4900], $0x1;
	_ =	sdelay $0x4  }
0x236: {  	v3 =	vshll.u32 @!p2 v2, $0x4  }
0x237: {  	v2 =	vand.u32 @!p2 $0x7, v2;
	v3 =	vand.u32 @!p2 $0xFFFFFF80, v3  }
0x238: {  	v2 =	vor.u32 @!p2 v2, v3;
	v3 =	vimm.s32 @!p2 $0x0  }
0x239: {  	v4 =	vmul.u32 @!p2 $0x8, v4;
	v2 =	vperm.xlane @!p2 v2, v3;
	_ =	sdelay $0x1  }
0x23a: {  	v2 =	vadd.s32 @!p2 v4, v2;
	_ =	sdelay $0x3  }
0x23b: {  	s2 =	simm.s32 @!p2 $0x1BA00;
	vm0 =	vmmov @!p2 $0xffff;
	s3 =	simm.s32 @!p2 $0x5;
	s0 =	simm.s32 @!p2 $0x0  }
0x23c: {  	[tilespmem:s2], [sflag:$0x5] =	stream.indirect_vreg.gather @!p2 [hbm4b:s4+s0], $0x80, v2, vm0, $0xb8;
	[tilespmem:$0x1C200] =	vst v63  }
0x23d: {  	_ =	swait.ge @!p2 [sflag:s3], $0x800  }
0x23e: {  	[sflag:s3] =	ssyncset.done @!p2 $0x0  }
0x23f: {  	[sflag:s3] =	ssyncadd.s32 @!p2 $0xFFFFF800  }
0x240: {  	v2 =	vld.msk @!p2 [tilespmem:$0x4980], $0x1;
	_ =	sdelay $0x4  }
0x241: {  	v5 =	vshll.u32 @!p2 v2, $0x4  }
0x242: {  	v2 =	vand.u32 @!p2 $0x7, v2;
	v5 =	vand.u32 @!p2 $0xFFFFFF80, v5  }
0x243: {  	v2 =	vor.u32 @!p2 v2, v5  }
0x244: {  	v2 =	vperm.xlane @!p2 v2, v3;
	_ =	sdelay $0x1  }
0x245: {  	v2 =	vadd.s32 @!p2 v4, v2;
	_ =	sdelay $0x4  }
0x246: {  	[hbm4b:s5+s0] =	stream.indirect_vreg.scatter @!p2 [tilespmem:s2], [sflag:$0x5], $0x80, v2, vm0, $0xb8;
	[tilespmem:$0x1C200] =	vst v63  }
0x247: {  	_ =	swait.ge @!p2 [sflag:s3], $0x800  }
0x248: {  	(xrf0) =	vadd.scan.msk.s32 $0xffff, v10;
	_ =	sdelay $0x5  }
0x249: {  	v2, _, _ =	vpop (xrf0)  }
0x24a: {  	(v2sf) =	vpush v2, $0xF;
	_ =	sdelay $0xe  }
0x24b: {  	p0 =	slt.s32 s1, $0x10;
	s31 =	spop (v2sf)  }
0x24c: {  	s0 =	sadd.s32 @!p0 $0x20, s31  }
0x24d: {  	p1 =	por @!p0 $0x1, $0x1;
	v2 =	vlaneseq.u32 @!p0;
	s0 =	sadd.s32 @!p0 $0xFFFFFFE0, s0  }
0x24e: {  	p1 =	por p1, p0;
	[sflag:s3] =	ssyncset.done @!p2 $0x0;
	v3 =	vadd.s32 @!p0 s0, v2  }
0x24f: {  	s2 =	simm.s32 @!p1 $0x2;
	[sflag:s3] =	ssyncadd.s32 @!p2 $0xFFFFF800;
	v4 =	vshll.u32 @!p0 v3, $0x4  }
0x250: {  	_ =	swait.ge @!p1 [sflag:s2], $0x8000;
	v5 =	vand.u32 @!p0 $0x7, v3;
	v4 =	vand.u32 @!p0 $0xFFFFFF80, v4  }
0x251: {  	v6 =	vand.u32 @!p0 $0x7, v2;
	v7 =	vshrl.u32 @!p0 v2, $0x3;
	[sflag:s2] =	ssyncset.done @!p1 $0x0;
	v4 =	vor.u32 @!p0 v5, v4  }
0x252: {  	s0 =	simm.s32 $0x4010;
	[sflag:s2] =	ssyncadd.s32 @!p1 $0xFFFF8000;
	v5 =	vmul.u32 @!p0 $0x8, v7;
	v6 =	vperm.xlane @!p0 v4, v6  }
0x253: {  	v7 =	vld @!p0 [tilespmem:s0+$0xFFFFFFF0]  }
0x254: {  	v6 =	vadd.s32 @!p0 v5, v6;
	_ =	sdelay $0x2  }
0x255: {  	[tilespmem:$0x4400] =	vst @!p0 v3  }
0x256: {  	vm0 =	vmmov @!p0 $0xffff;
	s3 =	simm.s32 @!p0 $0x4A00;
	s2 =	simm.s32 @!p0 $0x0;
	s4 =	rddreg [dreg:$0x2];
	[tilespmem:$0x4480] =	vst @!p0 v7  }
0x257: {  	[tilespmem:s3], [sflag:$0x1] =	stream.indirect_vreg.gather @!p0 [hbm4b:s4+s2], $0x80, v6, vm0, $0xb8;
	[tilespmem:$0x1C200] =	vst v63  }
0x258: {  	s3 =	simm.s32 @!p0 $0x5200  }
0x259: {  	[tilespmem:s3], [sflag:$0x1] =	stream.indirect_vreg.gather @!p0 [hbm4b:s22+s2], $0x80, v6, vm0, $0xb8;
	[tilespmem:$0x1C200] =	vst v63  }
0x25a: {  	s3 =	simm.s32 @!p0 $0x5A00  }
0x25b: {  	[tilespmem:s3], [sflag:$0x1] =	stream.indirect_vreg.gather @!p0 [hbm4b:s23+s2], $0x80, v6, vm0, $0xb8;
	[tilespmem:$0x1C200] =	vst v63  }
0x25c: {  	s3 =	simm.s32 @!p0 $0x6200  }
0x25d: {  	[tilespmem:s3], [sflag:$0x1] =	stream.indirect_vreg.gather @!p0 [hbm4b:s24+s2], $0x80, v6, vm0, $0xb8;
	[tilespmem:$0x1C200] =	vst v63  }
0x25e: {  	s14 =	sshra.s32 s1, $0x1F;
	s8 =	simm.s32 @!p0 $0x6A00  }
0x25f: {  	v2 =	vor.u32 @!p0 $0x8, v2;
	[tilespmem:s8], [sflag:$0x1] =	stream.indirect_vreg.gather @!p0 [hbm4b:s26+s2], $0x80, v6, vm0, $0xb8;
	[tilespmem:$0x1C200] =	vst v63  }
0x260: {  	v2 =	vperm.xlane @!p0 v4, v2;
	s3 =	sshrl.u32 s14, $0x1C;
	s8 =	simm.s32 @!p0 $0x7200  }
0x261: {  	[tilespmem:s8], [sflag:$0x1] =	stream.indirect_vreg.gather @!p0 [hbm4b:s28+s2], $0x80, v6, vm0, $0xb8;
	[tilespmem:$0x1C200] =	vst v63  }
0x262: {  	v2 =	vadd.s32 @!p0 v5, v2;
	s3 =	sadd.s32 s3, s1;
	s8 =	simm.s32 @!p0 $0x7A00  }
0x263: {  	[tilespmem:s8], [sflag:$0x1] =	stream.indirect_vreg.gather @!p0 [hbm4b:s29+s2], $0x80, v6, vm0, $0xb8;
	[tilespmem:$0x1C200] =	vst v63  }
0x264: {  	s9 =	simm.s32 @!p0 $0x8200;
	s25 =	sand.u32 $0xFFFFFFF0, s3  }
0x265: {  	[tilespmem:s9], [sflag:$0x1] =	stream.indirect_vreg.gather @!p0 [hbm4b:s30+s2], $0x80, v6, vm0, $0xb8;
	[tilespmem:$0x1C200] =	vst v63  }
0x266: {  	p5 =	slt.s32 s1, $0x1;
	p6 =	sne.s32 s1, s25;
	s8 =	simm.s32 @!p0 $0x8A00  }
0x267: {  	[tilespmem:s8], [sflag:$0x1] =	stream.indirect_vreg.gather @!p0 [hbm4b:s4+s2], $0x80, v2, vm0, $0xb8;
	[tilespmem:$0x1C200] =	vst v63  }
0x268: {  	p1 =	por !p5, !p6;
	s8 =	simm.s32 @!p0 $0x9200  }
0x269: {  	[tilespmem:s8], [sflag:$0x1] =	stream.indirect_vreg.gather @!p0 [hbm4b:s22+s2], $0x80, v2, vm0, $0xb8;
	[tilespmem:$0x1C200] =	vst v63  }
0x26a: {  	p1 =	por !p1, !p1;
	s9 =	simm.s32 @!p0 $0x9A00;
	s8 =	simm.s32 $0x1  }
0x26b: {  	[tilespmem:s9], [sflag:$0x1] =	stream.indirect_vreg.gather @!p0 [hbm4b:s23+s2], $0x80, v2, vm0, $0xb8;
	[tilespmem:$0x1C200] =	vst v63  }
0x26c: {  	s3 =	sshra.s32 s3, $0x4;
	s8 =	simm.s32 @!p1 $0x0;
	s9 =	simm.s32 @!p0 $0xA200  }
0x26d: {  	[tilespmem:s9], [sflag:$0x1] =	stream.indirect_vreg.gather @!p0 [hbm4b:s24+s2], $0x80, v2, vm0, $0xb8;
	[tilespmem:$0x1C200] =	vst v63  }
0x26e: {  	p1 =	por $0x1, $0x1;
	s25 =	ssub.s32 s3, s8;
	s3 =	simm.s32 @!p0 $0xAA00  }
0x26f: {  	[tilespmem:s3], [sflag:$0x1] =	stream.indirect_vreg.gather @!p0 [hbm4b:s26+s2], $0x80, v2, vm0, $0xb8;
	[tilespmem:$0x1C200] =	vst v63  }
0x270: {  	p2 =	slt.s32 @!p1 s25, $0x0;
	s3 =	simm.s32 @!p0 $0xB200  }
0x271: {  	[tilespmem:s3], [sflag:$0x1] =	stream.indirect_vreg.gather @!p0 [hbm4b:s28+s2], $0x80, v2, vm0, $0xb8;
	[tilespmem:$0x1C200] =	vst v63  }
0x272: {  	p2 =	por p2, p1;
	s3 =	simm.s32 @!p0 $0xBA00  }
0x273: {  	[tilespmem:s3], [sflag:$0x1] =	stream.indirect_vreg.gather @!p0 [hbm4b:s29+s2], $0x80, v2, vm0, $0xb8;
	[tilespmem:$0x1C200] =	vst v63  }
0x274: {  	s8 =	simm.s32 @!p2 $0x3;
	s3 =	simm.s32 @!p0 $0xC200  }
0x275: {  	[tilespmem:s3], [sflag:$0x1] =	stream.indirect_vreg.gather @!p0 [hbm4b:s30+s2], $0x80, v2, vm0, $0xb8;
	[tilespmem:$0x1C200] =	vst v63  }
0x276: {  	_ =	swait.ge @!p2 [sflag:s8], $0x8000  }
0x277: {  	[sflag:s8] =	ssyncset.done @!p2 $0x0  }
0x278: {  	[sflag:s8] =	ssyncadd.s32 @!p2 $0xFFFF8000  }
0x279: {  	v2 =	vld @!p2 [tilespmem:$0x4580];
	_ =	sdelay $0x4  }
0x27a: {  	v3 =	vshll.u32 @!p2 v2, $0x4  }
0x27b: {  	v4 =	vlaneseq.u32 @!p2;
	v2 =	vand.u32 @!p2 $0x7, v2;
	v3 =	vand.u32 @!p2 $0xFFFFFF80, v3  }
0x27c: {  	v5 =	vand.u32 @!p2 $0x7, v4;
	v6 =	vshrl.u32 @!p2 v4, $0x3;
	v2 =	vor.u32 @!p2 v2, v3  }
0x27d: {  	v3 =	vperm.xlane @!p2 v2, v5;
	v5 =	vmul.u32 @!p2 $0x8, v6;
	_ =	sdelay $0x1  }
0x27e: {  	v3 =	vadd.s32 @!p2 v5, v3;
	_ =	sdelay $0x3  }
0x27f: {  	vm0 =	vmmov @!p2 $0xffff;
	s2 =	simm.s32 @!p2 $0x0;
	s3 =	simm.s32 @!p2 $0xCA00  }
0x280: {  	[hbm4b:s5+s2] =	stream.indirect_vreg.scatter @!p2 [tilespmem:s3], [sflag:$0x4], $0x80, v3, vm0, $0xb8;
	[tilespmem:$0x1C200] =	vst v63  }
0x281: {  	s3 =	simm.s32 @!p2 $0xD200  }
0x282: {  	[hbm4b:s15+s2] =	stream.indirect_vreg.scatter @!p2 [tilespmem:s3], [sflag:$0x4], $0x80, v3, vm0, $0xb8;
	[tilespmem:$0x1C200] =	vst v63  }
0x283: {  	s3 =	simm.s32 @!p2 $0xDA00  }
0x284: {  	[hbm4b:s16+s2] =	stream.indirect_vreg.scatter @!p2 [tilespmem:s3], [sflag:$0x4], $0x80, v3, vm0, $0xb8;
	[tilespmem:$0x1C200] =	vst v63  }
0x285: {  	s3 =	simm.s32 @!p2 $0xE200  }
0x286: {  	[hbm4b:s17+s2] =	stream.indirect_vreg.scatter @!p2 [tilespmem:s3], [sflag:$0x4], $0x80, v3, vm0, $0xb8;
	[tilespmem:$0x1C200] =	vst v63  }
0x287: {  	s3 =	simm.s32 @!p2 $0xEA00  }
0x288: {  	v4 =	vor.u32 @!p2 $0x8, v4;
	[hbm4b:s18+s2] =	stream.indirect_vreg.scatter @!p2 [tilespmem:s3], [sflag:$0x4], $0x80, v3, vm0, $0xb8;
	[tilespmem:$0x1C200] =	vst v63  }
0x289: {  	v2 =	vperm.xlane @!p2 v2, v4;
	s3 =	simm.s32 @!p2 $0xF200  }
0x28a: {  	[hbm4b:s19+s2] =	stream.indirect_vreg.scatter @!p2 [tilespmem:s3], [sflag:$0x4], $0x80, v3, vm0, $0xb8;
	[tilespmem:$0x1C200] =	vst v63  }
0x28b: {  	v2 =	vadd.s32 @!p2 v5, v2;
	s3 =	simm.s32 @!p2 $0xFA00  }
0x28c: {  	[hbm4b:s20+s2] =	stream.indirect_vreg.scatter @!p2 [tilespmem:s3], [sflag:$0x4], $0x80, v3, vm0, $0xb8;
	[tilespmem:$0x1C200] =	vst v63  }
0x28d: {  	s3 =	simm.s32 @!p2 $0x10200  }
0x28e: {  	[hbm4b:s21+s2] =	stream.indirect_vreg.scatter @!p2 [tilespmem:s3], [sflag:$0x4], $0x80, v3, vm0, $0xb8;
	[tilespmem:$0x1C200] =	vst v63  }
0x28f: {  	s3 =	simm.s32 @!p2 $0x10A00  }
0x290: {  	[hbm4b:s5+s2] =	stream.indirect_vreg.scatter @!p2 [tilespmem:s3], [sflag:$0x4], $0x80, v2, vm0, $0xb8;
	[tilespmem:$0x1C200] =	vst v63  }
0x291: {  	s3 =	simm.s32 @!p2 $0x11200  }
0x292: {  	[hbm4b:s15+s2] =	stream.indirect_vreg.scatter @!p2 [tilespmem:s3], [sflag:$0x4], $0x80, v2, vm0, $0xb8;
	[tilespmem:$0x1C200] =	vst v63  }
0x293: {  	s3 =	simm.s32 @!p2 $0x11A00  }
0x294: {  	[hbm4b:s16+s2] =	stream.indirect_vreg.scatter @!p2 [tilespmem:s3], [sflag:$0x4], $0x80, v2, vm0, $0xb8;
	[tilespmem:$0x1C200] =	vst v63  }
0x295: {  	s3 =	simm.s32 @!p2 $0x12200  }
0x296: {  	[hbm4b:s17+s2] =	stream.indirect_vreg.scatter @!p2 [tilespmem:s3], [sflag:$0x4], $0x80, v2, vm0, $0xb8;
	[tilespmem:$0x1C200] =	vst v63  }
0x297: {  	p1 =	slt.s32 s1, $0x20;
	s3 =	simm.s32 @!p2 $0x12A00  }
0x298: {  	[hbm4b:s18+s2] =	stream.indirect_vreg.scatter @!p2 [tilespmem:s3], [sflag:$0x4], $0x80, v2, vm0, $0xb8;
	[tilespmem:$0x1C200] =	vst v63  }
0x299: {  	p0 =	por @!p1 $0x1, $0x1;
	s8 =	simm.s32 @!p2 $0x13200;
	s3 =	sadd.s32 @!p1 $0x20, s31  }
0x29a: {  	[hbm4b:s19+s2] =	stream.indirect_vreg.scatter @!p2 [tilespmem:s8], [sflag:$0x4], $0x80, v2, vm0, $0xb8;
	[tilespmem:$0x1C200] =	vst v63  }
0x29b: {  	p0 =	por p0, p1;
	v4 =	vlaneseq.u32 @!p1;
	s3 =	sadd.s32 @!p1 $0xFFFFFFF0, s3;
	s8 =	simm.s32 @!p2 $0x13A00  }
0x29c: {  	v3 =	vadd.s32 @!p1 s3, v4;
	[hbm4b:s20+s2] =	stream.indirect_vreg.scatter @!p2 [tilespmem:s8], [sflag:$0x4], $0x80, v2, vm0, $0xb8;
	[tilespmem:$0x1C200] =	vst v63  }
0x29d: {  	s9 =	simm.s32 @!p0 $0x4;
	s3 =	simm.s32 @!p2 $0x14200;
	v5 =	vshll.u32 @!p1 v3, $0x4  }
0x29e: {  	v6 =	vand.u32 @!p1 $0x7, v4;
	v7 =	vand.u32 @!p1 $0x7, v3;
	v5 =	vand.u32 @!p1 $0xFFFFFF80, v5;
	[hbm4b:s21+s2] =	stream.indirect_vreg.scatter @!p2 [tilespmem:s3], [sflag:$0x4], $0x80, v2, vm0, $0xb8;
	[tilespmem:$0x1C200] =	vst v63  }
0x29f: {  	v5 =	vor.u32 @!p1 v7, v5;
	v2 =	vshrl.u32 @!p1 v4, $0x3;
	v4 =	vor.u32 @!p1 $0x8, v4;
	_ =	swait.ge @!p0 [sflag:s9], $0x8000  }
0x2a0: {  	s11 =	simm.s32 $0x60;
	v6 =	vperm.xlane @!p1 v5, v6;
	v2 =	vmul.u32 @!p1 $0x8, v2;
	v5 =	vperm.xlane @!p1 v5, v4;
	[sflag:s9] =	ssyncset.done @!p0 $0x0  }
0x2a1: {  	s10 =	simm.s32 $0x0;
	s13 =	simm.s32 @!p1 $0x0;
	[sflag:s9] =	ssyncadd.s32 @!p0 $0xFFFF8000  }
0x2a2: {  	s14 =	simm.s32 @!p1 $0xCA00;
	s8 =	simm.s32 $0x40;
	vm0 =	vmmov @!p1 $0xffff;
	v4 =	vadd.s32 @!p1 v2, v6;
	v2 =	vadd.s32 @!p1 v2, v5;
	s9 =	simm.s32 $0x0;
	v5 =	vld @!p1 [tilespmem:s0+$0x0]  }
.LBB2_6:
0x2a3: {  	_ =	sdelay $0x1  }
0x2a4: {  	s10 =	sadd.s32 $0x2, s10;
	s12 =	smov.u32 s11;
	s11 =	sadd.s32 $0x20, s11  }
0x2a5: {  	p0 =	sne.s32 s11, $0x240;
	[tilespmem:$0x4500] =	vst @!p1 v3  }
0x2a6: {  	[tilespmem:$0x4580] =	vst @!p1 v5  }
0x2a7: {  	[tilespmem:s14], [sflag:$0x3] =	stream.indirect_vreg.gather @!p1 [hbm4b:s4+s13], $0x80, v4, vm0, $0xb8;
	[tilespmem:$0x1C200] =	vst v63  }
0x2a8: {  	s2 =	simm.s32 @!p1 $0xD200  }
0x2a9: {  	[tilespmem:s2], [sflag:$0x3] =	stream.indirect_vreg.gather @!p1 [hbm4b:s22+s13], $0x80, v4, vm0, $0xb8;
	[tilespmem:$0x1C200] =	vst v63  }
0x2aa: {  	s2 =	simm.s32 @!p1 $0xDA00  }
0x2ab: {  	[tilespmem:s2], [sflag:$0x3] =	stream.indirect_vreg.gather @!p1 [hbm4b:s23+s13], $0x80, v4, vm0, $0xb8;
	[tilespmem:$0x1C200] =	vst v63  }
0x2ac: {  	s2 =	simm.s32 @!p1 $0xE200  }
0x2ad: {  	[tilespmem:s2], [sflag:$0x3] =	stream.indirect_vreg.gather @!p1 [hbm4b:s24+s13], $0x80, v4, vm0, $0xb8;
	[tilespmem:$0x1C200] =	vst v63  }
0x2ae: {  	s2 =	simm.s32 @!p1 $0xEA00  }
0x2af: {  	[tilespmem:s2], [sflag:$0x3] =	stream.indirect_vreg.gather @!p1 [hbm4b:s26+s13], $0x80, v4, vm0, $0xb8;
	[tilespmem:$0x1C200] =	vst v63  }
0x2b0: {  	s2 =	simm.s32 @!p1 $0xF200  }
0x2b1: {  	[tilespmem:s2], [sflag:$0x3] =	stream.indirect_vreg.gather @!p1 [hbm4b:s28+s13], $0x80, v4, vm0, $0xb8;
	[tilespmem:$0x1C200] =	vst v63  }
0x2b2: {  	s2 =	simm.s32 @!p1 $0xFA00  }
0x2b3: {  	[tilespmem:s2], [sflag:$0x3] =	stream.indirect_vreg.gather @!p1 [hbm4b:s29+s13], $0x80, v4, vm0, $0xb8;
	[tilespmem:$0x1C200] =	vst v63  }
0x2b4: {  	s2 =	simm.s32 @!p1 $0x10200  }
0x2b5: {  	[tilespmem:s2], [sflag:$0x3] =	stream.indirect_vreg.gather @!p1 [hbm4b:s30+s13], $0x80, v4, vm0, $0xb8;
	[tilespmem:$0x1C200] =	vst v63  }
0x2b6: {  	s2 =	simm.s32 @!p1 $0x10A00  }
0x2b7: {  	[tilespmem:s2], [sflag:$0x3] =	stream.indirect_vreg.gather @!p1 [hbm4b:s4+s13], $0x80, v2, vm0, $0xb8;
	[tilespmem:$0x1C200] =	vst v63  }
0x2b8: {  	s2 =	simm.s32 @!p1 $0x11200  }
0x2b9: {  	[tilespmem:s2], [sflag:$0x3] =	stream.indirect_vreg.gather @!p1 [hbm4b:s22+s13], $0x80, v2, vm0, $0xb8;
	[tilespmem:$0x1C200] =	vst v63  }
0x2ba: {  	p2 =	sge.s32 s9, s25;
	s9 =	smov.u32 s10;
	s2 =	simm.s32 @!p1 $0x11A00  }
0x2bb: {  	v3 =	vlaneseq.u32 @!p2;
	[tilespmem:s2], [sflag:$0x3] =	stream.indirect_vreg.gather @!p1 [hbm4b:s23+s13], $0x80, v2, vm0, $0xb8;
	[tilespmem:$0x1C200] =	vst v63  }
0x2bc: {  	v5 =	vshrl.u32 @!p2 v3, $0x3;
	v4 =	vand.u32 @!p2 $0x7, v3;
	v3 =	vor.u32 @!p2 $0x8, v3;
	s2 =	simm.s32 @!p1 $0x12200  }
0x2bd: {  	v5 =	vmul.u32 @!p2 $0x8, v5;
	[tilespmem:s2], [sflag:$0x3] =	stream.indirect_vreg.gather @!p1 [hbm4b:s24+s13], $0x80, v2, vm0, $0xb8;
	[tilespmem:$0x1C200] =	vst v63  }
0x2be: {  	s2 =	simm.s32 @!p1 $0x12A00  }
0x2bf: {  	[tilespmem:s2], [sflag:$0x3] =	stream.indirect_vreg.gather @!p1 [hbm4b:s26+s13], $0x80, v2, vm0, $0xb8;
	[tilespmem:$0x1C200] =	vst v63  }
0x2c0: {  	s2 =	simm.s32 @!p1 $0x13200  }
0x2c1: {  	[tilespmem:s2], [sflag:$0x3] =	stream.indirect_vreg.gather @!p1 [hbm4b:s28+s13], $0x80, v2, vm0, $0xb8;
	[tilespmem:$0x1C200] =	vst v63  }
0x2c2: {  	s2 =	simm.s32 @!p1 $0x13A00  }
0x2c3: {  	[tilespmem:s2], [sflag:$0x3] =	stream.indirect_vreg.gather @!p1 [hbm4b:s29+s13], $0x80, v2, vm0, $0xb8;
	[tilespmem:$0x1C200] =	vst v63  }
0x2c4: {  	s3 =	simm.s32 @!p2 $0x1;
	s2 =	simm.s32 @!p1 $0x14200  }
0x2c5: {  	[tilespmem:s2], [sflag:$0x3] =	stream.indirect_vreg.gather @!p1 [hbm4b:s30+s13], $0x80, v2, vm0, $0xb8;
	[tilespmem:$0x1C200] =	vst v63  }
0x2c6: {  	_ =	swait.ge @!p2 [sflag:s3], $0x8000  }
0x2c7: {  	[sflag:s3] =	ssyncset.done @!p2 $0x0  }
0x2c8: {  	[sflag:s3] =	ssyncadd.s32 @!p2 $0xFFFF8000  }
0x2c9: {  	v2 =	vld @!p2 [tilespmem:$0x4480];
	_ =	sdelay $0x4  }
0x2ca: {  	vm0 =	vmmov @!p2 $0xffff;
	s13 =	simm.s32 @!p2 $0x0;
	s2 =	simm.s32 @!p2 $0x4A00;
	v6 =	vshll.u32 @!p2 v2, $0x4  }
0x2cb: {  	v2 =	vand.u32 @!p2 $0x7, v2;
	v6 =	vand.u32 @!p2 $0xFFFFFF80, v6  }
0x2cc: {  	v2 =	vor.u32 @!p2 v2, v6  }
0x2cd: {  	v4 =	vperm.xlane @!p2 v2, v4;
	v2 =	vperm.xlane @!p2 v2, v3;
	_ =	sdelay $0x1  }
0x2ce: {  	v3 =	vadd.s32 @!p2 v5, v4;
	_ =	sdelay $0x4  }
0x2cf: {  	[hbm4b:s5+s13] =	stream.indirect_vreg.scatter @!p2 [tilespmem:s2], [sflag:$0x2], $0x80, v3, vm0, $0xb8;
	[tilespmem:$0x1C200] =	vst v63  }
0x2d0: {  	s2 =	simm.s32 @!p2 $0x5200  }
0x2d1: {  	[hbm4b:s15+s13] =	stream.indirect_vreg.scatter @!p2 [tilespmem:s2], [sflag:$0x2], $0x80, v3, vm0, $0xb8;
	[tilespmem:$0x1C200] =	vst v63  }
0x2d2: {  	s2 =	simm.s32 @!p2 $0x5A00  }
0x2d3: {  	[hbm4b:s16+s13] =	stream.indirect_vreg.scatter @!p2 [tilespmem:s2], [sflag:$0x2], $0x80, v3, vm0, $0xb8;
	[tilespmem:$0x1C200] =	vst v63  }
0x2d4: {  	s2 =	simm.s32 @!p2 $0x6200  }
0x2d5: {  	[hbm4b:s17+s13] =	stream.indirect_vreg.scatter @!p2 [tilespmem:s2], [sflag:$0x2], $0x80, v3, vm0, $0xb8;
	[tilespmem:$0x1C200] =	vst v63  }
0x2d6: {  	s2 =	simm.s32 @!p2 $0x6A00  }
0x2d7: {  	[hbm4b:s18+s13] =	stream.indirect_vreg.scatter @!p2 [tilespmem:s2], [sflag:$0x2], $0x80, v3, vm0, $0xb8;
	[tilespmem:$0x1C200] =	vst v63  }
0x2d8: {  	s2 =	simm.s32 @!p2 $0x7200  }
0x2d9: {  	[hbm4b:s19+s13] =	stream.indirect_vreg.scatter @!p2 [tilespmem:s2], [sflag:$0x2], $0x80, v3, vm0, $0xb8;
	[tilespmem:$0x1C200] =	vst v63  }
0x2da: {  	v2 =	vadd.s32 @!p2 v5, v2;
	s2 =	simm.s32 @!p2 $0x7A00  }
0x2db: {  	[hbm4b:s20+s13] =	stream.indirect_vreg.scatter @!p2 [tilespmem:s2], [sflag:$0x2], $0x80, v3, vm0, $0xb8;
	[tilespmem:$0x1C200] =	vst v63  }
0x2dc: {  	s2 =	simm.s32 @!p2 $0x8200  }
0x2dd: {  	[hbm4b:s21+s13] =	stream.indirect_vreg.scatter @!p2 [tilespmem:s2], [sflag:$0x2], $0x80, v3, vm0, $0xb8;
	[tilespmem:$0x1C200] =	vst v63  }
0x2de: {  	s2 =	simm.s32 @!p2 $0x8A00  }
0x2df: {  	[hbm4b:s5+s13] =	stream.indirect_vreg.scatter @!p2 [tilespmem:s2], [sflag:$0x2], $0x80, v2, vm0, $0xb8;
	[tilespmem:$0x1C200] =	vst v63  }
0x2e0: {  	s2 =	simm.s32 @!p2 $0x9200  }
0x2e1: {  	[hbm4b:s15+s13] =	stream.indirect_vreg.scatter @!p2 [tilespmem:s2], [sflag:$0x2], $0x80, v2, vm0, $0xb8;
	[tilespmem:$0x1C200] =	vst v63  }
0x2e2: {  	s3 =	simm.s32 @!p2 $0x9A00;
	s2 =	sadd.s32 $0xFFFFFFF0, s8  }
0x2e3: {  	[hbm4b:s16+s13] =	stream.indirect_vreg.scatter @!p2 [tilespmem:s3], [sflag:$0x2], $0x80, v2, vm0, $0xb8;
	[tilespmem:$0x1C200] =	vst v63  }
0x2e4: {  	s0 =	sadd.s32 $0x20, s0;
	p3 =	sgt.s32 s2, s1  }
0x2e5: {  	p1 =	seq.s32 @!p3 s8, $0x20;
	s2 =	sadd.s32 @!p3 s8, s31;
	s3 =	simm.s32 @!p2 $0xA200  }
0x2e6: {  	[hbm4b:s17+s13] =	stream.indirect_vreg.scatter @!p2 [tilespmem:s3], [sflag:$0x2], $0x80, v2, vm0, $0xb8;
	[tilespmem:$0x1C200] =	vst v63  }
0x2e7: {  	v3 =	vlaneseq.u32 @!p3;
	s2 =	sadd.s32 @!p3 $0xFFFFFFE0, s2;
	s3 =	simm.s32 @!p2 $0xAA00  }
0x2e8: {  	v5 =	vand.u32 @!p3 $0x7, v3;
	v6 =	vshrl.u32 @!p3 v3, $0x3;
	v4 =	vadd.s32 @!p3 s2, v3;
	[hbm4b:s18+s13] =	stream.indirect_vreg.scatter @!p2 [tilespmem:s3], [sflag:$0x2], $0x80, v2, vm0, $0xb8;
	[tilespmem:$0x1C200] =	vst v63  }
0x2e9: {  	v6 =	vmul.u32 @!p3 $0x8, v6;
	s2 =	simm.s32 @!p2 $0xB200;
	v7 =	vand.u32 @!p3 $0x7, v4;
	v8 =	vshll.u32 @!p3 v4, $0x4  }
0x2ea: {  	v3 =	vor.u32 @!p3 $0x8, v3;
	v8 =	vand.u32 @!p3 $0xFFFFFF80, v8;
	[hbm4b:s19+s13] =	stream.indirect_vreg.scatter @!p2 [tilespmem:s2], [sflag:$0x2], $0x80, v2, vm0, $0xb8;
	[tilespmem:$0x1C200] =	vst v63  }
0x2eb: {  	p1 =	por p1, p3;
	v7 =	vor.u32 @!p3 v7, v8;
	s2 =	simm.s32 @!p2 $0xBA00  }
0x2ec: {  	v5 =	vperm.xlane @!p3 v7, v5;
	v7 =	vperm.xlane @!p3 v7, v3;
	[hbm4b:s20+s13] =	stream.indirect_vreg.scatter @!p2 [tilespmem:s2], [sflag:$0x2], $0x80, v2, vm0, $0xb8;
	[tilespmem:$0x1C200] =	vst v63  }
0x2ed: {  	s3 =	simm.s32 @!p2 $0xC200;
	s2 =	simm.s32 @!p1 $0x2  }
0x2ee: {  	[hbm4b:s21+s13] =	stream.indirect_vreg.scatter @!p2 [tilespmem:s3], [sflag:$0x2], $0x80, v2, vm0, $0xb8;
	[tilespmem:$0x1C200] =	vst v63  }
0x2ef: {  	_ =	swait.ge @!p1 [sflag:s2], $0x8000  }
0x2f0: {  	[sflag:s2] =	ssyncset.done @!p1 $0x0  }
0x2f1: {  	v2 =	vadd.s32 @!p3 v6, v5;
	[sflag:s2] =	ssyncadd.s32 @!p1 $0xFFFF8000  }
0x2f2: {  	v3 =	vld @!p3 [tilespmem:s0+$0xFFFFFFF0];
	_ =	sdelay $0x3  }
0x2f3: {  	[tilespmem:$0x4400] =	vst @!p3 v4  }
0x2f4: {  	vm1 =	vmmov @!p3 $0xffff;
	s13 =	simm.s32 @!p3 $0x0;
	s2 =	simm.s32 @!p3 $0x4A00;
	[tilespmem:$0x4480] =	vst @!p3 v3  }
0x2f5: {  	[tilespmem:s2], [sflag:$0x1] =	stream.indirect_vreg.gather @!p3 [hbm4b:s4+s13], $0x80, v2, vm1, $0xb8;
	[tilespmem:$0x1C200] =	vst v63  }
0x2f6: {  	s2 =	simm.s32 @!p3 $0x5200  }
0x2f7: {  	[tilespmem:s2], [sflag:$0x1] =	stream.indirect_vreg.gather @!p3 [hbm4b:s22+s13], $0x80, v2, vm1, $0xb8;
	[tilespmem:$0x1C200] =	vst v63  }
0x2f8: {  	s2 =	simm.s32 @!p3 $0x5A00  }
0x2f9: {  	[tilespmem:s2], [sflag:$0x1] =	stream.indirect_vreg.gather @!p3 [hbm4b:s23+s13], $0x80, v2, vm1, $0xb8;
	[tilespmem:$0x1C200] =	vst v63  }
0x2fa: {  	p1 =	sgt.s32 s8, s1;
	s2 =	simm.s32 @!p3 $0x6200  }
0x2fb: {  	v4 =	vlaneseq.u32 @!p1;
	[tilespmem:s2], [sflag:$0x1] =	stream.indirect_vreg.gather @!p3 [hbm4b:s24+s13], $0x80, v2, vm1, $0xb8;
	[tilespmem:$0x1C200] =	vst v63  }
0x2fc: {  	p2 =	seq.s32 s8, $0x20;
	s3 =	sadd.s32 @!p1 s8, s31;
	v5 =	vand.u32 @!p1 $0x7, v4;
	v3 =	vshrl.u32 @!p1 v4, $0x3;
	s2 =	simm.s32 @!p3 $0x6A00  }
0x2fd: {  	v8 =	vmul.u32 @!p1 $0x8, v3;
	[tilespmem:s2], [sflag:$0x1] =	stream.indirect_vreg.gather @!p3 [hbm4b:s26+s13], $0x80, v2, vm1, $0xb8;
	[tilespmem:$0x1C200] =	vst v63  }
0x2fe: {  	p4 =	sgt.s32 @!p2 s10, s25;
	s3 =	sadd.s32 @!p1 $0xFFFFFFF0, s3;
	s2 =	simm.s32 @!p3 $0x7200  }
0x2ff: {  	v3 =	vadd.s32 @!p1 s3, v4;
	[tilespmem:s2], [sflag:$0x1] =	stream.indirect_vreg.gather @!p3 [hbm4b:s28+s13], $0x80, v2, vm1, $0xb8;
	[tilespmem:$0x1C200] =	vst v63  }
0x300: {  	v6 =	vadd.s32 @!p3 v6, v7;
	p2 =	por p4, p2;
	p4 =	seq.s32 @!p1 s8, $0x20;
	v7 =	vshll.u32 @!p1 v3, $0x4;
	s2 =	simm.s32 @!p3 $0x7A00  }
0x301: {  	v9 =	vlaneseq.u32 @!p2;
	v10 =	vand.u32 @!p1 $0x7, v3;
	v7 =	vand.u32 @!p1 $0xFFFFFF80, v7;
	[tilespmem:s2], [sflag:$0x1] =	stream.indirect_vreg.gather @!p3 [hbm4b:s29+s13], $0x80, v2, vm1, $0xb8;
	[tilespmem:$0x1C200] =	vst v63  }
0x302: {  	v11 =	vand.u32 @!p2 $0x7, v9;
	s8 =	smov.u32 s12;
	v4 =	vor.u32 @!p1 $0x8, v4;
	v7 =	vor.u32 @!p1 v10, v7;
	s2 =	simm.s32 @!p3 $0x8200  }
0x303: {  	v10 =	vshrl.u32 @!p2 v9, $0x3;
	v9 =	vor.u32 @!p2 $0x8, v9;
	[tilespmem:s2], [sflag:$0x1] =	stream.indirect_vreg.gather @!p3 [hbm4b:s30+s13], $0x80, v2, vm1, $0xb8;
	v2 =	vperm.xlane @!p1 v7, v5;
	[tilespmem:$0x1C200] =	vst v63  }
0x304: {  	s2 =	simm.s32 @!p3 $0x8A00;
	v5 =	vperm.xlane @!p1 v7, v4  }
0x305: {  	[tilespmem:s2], [sflag:$0x1] =	stream.indirect_vreg.gather @!p3 [hbm4b:s4+s13], $0x80, v6, vm1, $0xb8;
	v4 =	vadd.s32 @!p1 v8, v2;
	[tilespmem:$0x1C200] =	vst v63  }
0x306: {  	s2 =	simm.s32 @!p3 $0x9200  }
0x307: {  	vm0 =	vmmov @!p1 $0xffff;
	[tilespmem:s2], [sflag:$0x1] =	stream.indirect_vreg.gather @!p3 [hbm4b:s22+s13], $0x80, v6, vm1, $0xb8;
	[tilespmem:$0x1C200] =	vst v63  }
0x308: {  	s2 =	simm.s32 @!p3 $0x9A00  }
0x309: {  	[tilespmem:s2], [sflag:$0x1] =	stream.indirect_vreg.gather @!p3 [hbm4b:s23+s13], $0x80, v6, vm1, $0xb8;
	[tilespmem:$0x1C200] =	vst v63  }
0x30a: {  	s2 =	simm.s32 @!p3 $0xA200  }
0x30b: {  	[tilespmem:s2], [sflag:$0x1] =	stream.indirect_vreg.gather @!p3 [hbm4b:s24+s13], $0x80, v6, vm1, $0xb8;
	[tilespmem:$0x1C200] =	vst v63  }
0x30c: {  	s2 =	simm.s32 @!p3 $0xAA00  }
0x30d: {  	[tilespmem:s2], [sflag:$0x1] =	stream.indirect_vreg.gather @!p3 [hbm4b:s26+s13], $0x80, v6, vm1, $0xb8;
	[tilespmem:$0x1C200] =	vst v63  }
0x30e: {  	s2 =	simm.s32 @!p3 $0xB200  }
0x30f: {  	[tilespmem:s2], [sflag:$0x1] =	stream.indirect_vreg.gather @!p3 [hbm4b:s28+s13], $0x80, v6, vm1, $0xb8;
	[tilespmem:$0x1C200] =	vst v63  }
0x310: {  	s2 =	simm.s32 @!p3 $0xBA00  }
0x311: {  	[tilespmem:s2], [sflag:$0x1] =	stream.indirect_vreg.gather @!p3 [hbm4b:s29+s13], $0x80, v6, vm1, $0xb8;
	[tilespmem:$0x1C200] =	vst v63  }
0x312: {  	s3 =	simm.s32 @!p2 $0x3;
	s2 =	simm.s32 @!p3 $0xC200  }
0x313: {  	[tilespmem:s2], [sflag:$0x1] =	stream.indirect_vreg.gather @!p3 [hbm4b:s30+s13], $0x80, v6, vm1, $0xb8;
	[tilespmem:$0x1C200] =	vst v63  }
0x314: {  	_ =	swait.ge @!p2 [sflag:s3], $0x8000  }
0x315: {  	[sflag:s3] =	ssyncset.done @!p2 $0x0  }
0x316: {  	[sflag:s3] =	ssyncadd.s32 @!p2 $0xFFFF8000  }
0x317: {  	v2 =	vadd.s32 @!p1 v8, v5;
	v6 =	vld @!p2 [tilespmem:$0x4580];
	_ =	sdelay $0x4  }
0x318: {  	v5 =	vand.u32 @!p2 $0x7, v6;
	v6 =	vshll.u32 @!p2 v6, $0x4  }
0x319: {  	v6 =	vand.u32 @!p2 $0xFFFFFF80, v6  }
0x31a: {  	v5 =	vor.u32 @!p2 v5, v6  }
0x31b: {  	v7 =	vmul.u32 @!p2 $0x8, v10;
	v6 =	vperm.xlane @!p2 v5, v11;
	v5 =	vperm.xlane @!p2 v5, v9;
	_ =	sdelay $0x1  }
0x31c: {  	v6 =	vadd.s32 @!p2 v7, v6;
	_ =	sdelay $0x3  }
0x31d: {  	s12 =	simm.s32 @!p2 $0x0;
	vm1 =	vmmov @!p2 $0xffff;
	s2 =	simm.s32 @!p2 $0xCA00  }
0x31e: {  	[hbm4b:s5+s12] =	stream.indirect_vreg.scatter @!p2 [tilespmem:s2], [sflag:$0x4], $0x80, v6, vm1, $0xb8;
	[tilespmem:$0x1C200] =	vst v63  }
0x31f: {  	s2 =	simm.s32 @!p2 $0xD200  }
0x320: {  	[hbm4b:s15+s12] =	stream.indirect_vreg.scatter @!p2 [tilespmem:s2], [sflag:$0x4], $0x80, v6, vm1, $0xb8;
	[tilespmem:$0x1C200] =	vst v63  }
0x321: {  	s2 =	simm.s32 @!p2 $0xDA00  }
0x322: {  	[hbm4b:s16+s12] =	stream.indirect_vreg.scatter @!p2 [tilespmem:s2], [sflag:$0x4], $0x80, v6, vm1, $0xb8;
	[tilespmem:$0x1C200] =	vst v63  }
0x323: {  	s2 =	simm.s32 @!p2 $0xE200  }
0x324: {  	[hbm4b:s17+s12] =	stream.indirect_vreg.scatter @!p2 [tilespmem:s2], [sflag:$0x4], $0x80, v6, vm1, $0xb8;
	[tilespmem:$0x1C200] =	vst v63  }
0x325: {  	s2 =	simm.s32 @!p2 $0xEA00  }
0x326: {  	[hbm4b:s18+s12] =	stream.indirect_vreg.scatter @!p2 [tilespmem:s2], [sflag:$0x4], $0x80, v6, vm1, $0xb8;
	[tilespmem:$0x1C200] =	vst v63  }
0x327: {  	s2 =	simm.s32 @!p2 $0xF200  }
0x328: {  	[hbm4b:s19+s12] =	stream.indirect_vreg.scatter @!p2 [tilespmem:s2], [sflag:$0x4], $0x80, v6, vm1, $0xb8;
	[tilespmem:$0x1C200] =	vst v63  }
0x329: {  	v5 =	vadd.s32 @!p2 v7, v5;
	s2 =	simm.s32 @!p2 $0xFA00  }
0x32a: {  	[hbm4b:s20+s12] =	stream.indirect_vreg.scatter @!p2 [tilespmem:s2], [sflag:$0x4], $0x80, v6, vm1, $0xb8;
	[tilespmem:$0x1C200] =	vst v63  }
0x32b: {  	s2 =	simm.s32 @!p2 $0x10200  }
0x32c: {  	[hbm4b:s21+s12] =	stream.indirect_vreg.scatter @!p2 [tilespmem:s2], [sflag:$0x4], $0x80, v6, vm1, $0xb8;
	[tilespmem:$0x1C200] =	vst v63  }
0x32d: {  	s2 =	simm.s32 @!p2 $0x10A00  }
0x32e: {  	[hbm4b:s5+s12] =	stream.indirect_vreg.scatter @!p2 [tilespmem:s2], [sflag:$0x4], $0x80, v5, vm1, $0xb8;
	[tilespmem:$0x1C200] =	vst v63  }
0x32f: {  	s2 =	simm.s32 @!p2 $0x11200  }
0x330: {  	[hbm4b:s15+s12] =	stream.indirect_vreg.scatter @!p2 [tilespmem:s2], [sflag:$0x4], $0x80, v5, vm1, $0xb8;
	[tilespmem:$0x1C200] =	vst v63  }
0x331: {  	s2 =	simm.s32 @!p2 $0x11A00  }
0x332: {  	[hbm4b:s16+s12] =	stream.indirect_vreg.scatter @!p2 [tilespmem:s2], [sflag:$0x4], $0x80, v5, vm1, $0xb8;
	[tilespmem:$0x1C200] =	vst v63  }
0x333: {  	s2 =	simm.s32 @!p2 $0x12200  }
0x334: {  	[hbm4b:s17+s12] =	stream.indirect_vreg.scatter @!p2 [tilespmem:s2], [sflag:$0x4], $0x80, v5, vm1, $0xb8;
	[tilespmem:$0x1C200] =	vst v63  }
0x335: {  	s2 =	simm.s32 @!p2 $0x12A00  }
0x336: {  	[hbm4b:s18+s12] =	stream.indirect_vreg.scatter @!p2 [tilespmem:s2], [sflag:$0x4], $0x80, v5, vm1, $0xb8;
	[tilespmem:$0x1C200] =	vst v63  }
0x337: {  	s2 =	simm.s32 @!p2 $0x13200  }
0x338: {  	[hbm4b:s19+s12] =	stream.indirect_vreg.scatter @!p2 [tilespmem:s2], [sflag:$0x4], $0x80, v5, vm1, $0xb8;
	[tilespmem:$0x1C200] =	vst v63  }
0x339: {  	p3 =	por p4, p1;
	s3 =	simm.s32 @!p2 $0x14200;
	s2 =	simm.s32 @!p2 $0x13A00  }
0x33a: {  	[hbm4b:s20+s12] =	stream.indirect_vreg.scatter @!p2 [tilespmem:s2], [sflag:$0x4], $0x80, v5, vm1, $0xb8;
	[tilespmem:$0x1C200] =	vst v63  }
0x33b: {  	s14 =	simm.s32 @!p1 $0xCA00;
	s13 =	simm.s32 @!p1 $0x0;
	s2 =	simm.s32 @!p3 $0x4  }
0x33c: {  	[hbm4b:s21+s12] =	stream.indirect_vreg.scatter @!p2 [tilespmem:s3], [sflag:$0x4], $0x80, v5, vm1, $0xb8;
	[tilespmem:$0x1C200] =	vst v63  }
.Ltmp2:
0x33d: {  	_ = 	snop;
	(pc) =	sbr.rel @p0 .LBB2_6-.Ltmp2, $4  }
0x33e: {  	_ =	swait.ge @!p3 [sflag:s2], $0x8000  }
0x33f: {  	[sflag:s2] =	ssyncset.done @!p3 $0x0  }
0x340: {  	[sflag:s2] =	ssyncadd.s32 @!p3 $0xFFFF8000  }
0x341: {  	v5 =	vld @!p1 [tilespmem:s0+$0x0]  }
0x342: {  	_ =	sdelay $0x2  }
0x343: {  	[tilespmem:$0x4500] =	vst @!p1 v3  }
0x344: {  	[tilespmem:$0x4580] =	vst @!p1 v5  }
0x345: {  	[tilespmem:s14], [sflag:$0x3] =	stream.indirect_vreg.gather @!p1 [hbm4b:s4+s13], $0x80, v4, vm0, $0xb8;
	[tilespmem:$0x1C200] =	vst v63  }
0x346: {  	s2 =	simm.s32 @!p1 $0xD200  }
0x347: {  	[tilespmem:s2], [sflag:$0x3] =	stream.indirect_vreg.gather @!p1 [hbm4b:s22+s13], $0x80, v4, vm0, $0xb8;
	[tilespmem:$0x1C200] =	vst v63  }
0x348: {  	s2 =	simm.s32 @!p1 $0xDA00  }
0x349: {  	[tilespmem:s2], [sflag:$0x3] =	stream.indirect_vreg.gather @!p1 [hbm4b:s23+s13], $0x80, v4, vm0, $0xb8;
	[tilespmem:$0x1C200] =	vst v63  }
0x34a: {  	s2 =	simm.s32 @!p1 $0xE200  }
0x34b: {  	[tilespmem:s2], [sflag:$0x3] =	stream.indirect_vreg.gather @!p1 [hbm4b:s24+s13], $0x80, v4, vm0, $0xb8;
	[tilespmem:$0x1C200] =	vst v63  }
0x34c: {  	s2 =	simm.s32 @!p1 $0xEA00  }
0x34d: {  	[tilespmem:s2], [sflag:$0x3] =	stream.indirect_vreg.gather @!p1 [hbm4b:s26+s13], $0x80, v4, vm0, $0xb8;
	[tilespmem:$0x1C200] =	vst v63  }
0x34e: {  	s2 =	simm.s32 @!p1 $0xF200  }
0x34f: {  	[tilespmem:s2], [sflag:$0x3] =	stream.indirect_vreg.gather @!p1 [hbm4b:s28+s13], $0x80, v4, vm0, $0xb8;
	[tilespmem:$0x1C200] =	vst v63  }
0x350: {  	s2 =	simm.s32 @!p1 $0xFA00  }
0x351: {  	[tilespmem:s2], [sflag:$0x3] =	stream.indirect_vreg.gather @!p1 [hbm4b:s29+s13], $0x80, v4, vm0, $0xb8;
	[tilespmem:$0x1C200] =	vst v63  }
0x352: {  	s2 =	simm.s32 @!p1 $0x10200  }
0x353: {  	[tilespmem:s2], [sflag:$0x3] =	stream.indirect_vreg.gather @!p1 [hbm4b:s30+s13], $0x80, v4, vm0, $0xb8;
	[tilespmem:$0x1C200] =	vst v63  }
0x354: {  	s2 =	simm.s32 @!p1 $0x10A00  }
0x355: {  	[tilespmem:s2], [sflag:$0x3] =	stream.indirect_vreg.gather @!p1 [hbm4b:s4+s13], $0x80, v2, vm0, $0xb8;
	[tilespmem:$0x1C200] =	vst v63  }
0x356: {  	s2 =	simm.s32 @!p1 $0x11200  }
0x357: {  	[tilespmem:s2], [sflag:$0x3] =	stream.indirect_vreg.gather @!p1 [hbm4b:s22+s13], $0x80, v2, vm0, $0xb8;
	[tilespmem:$0x1C200] =	vst v63  }
0x358: {  	s2 =	simm.s32 @!p1 $0x11A00  }
0x359: {  	[tilespmem:s2], [sflag:$0x3] =	stream.indirect_vreg.gather @!p1 [hbm4b:s23+s13], $0x80, v2, vm0, $0xb8;
	[tilespmem:$0x1C200] =	vst v63  }
0x35a: {  	s2 =	simm.s32 @!p1 $0x12200  }
0x35b: {  	[tilespmem:s2], [sflag:$0x3] =	stream.indirect_vreg.gather @!p1 [hbm4b:s24+s13], $0x80, v2, vm0, $0xb8;
	[tilespmem:$0x1C200] =	vst v63  }
0x35c: {  	s2 =	simm.s32 @!p1 $0x12A00  }
0x35d: {  	[tilespmem:s2], [sflag:$0x3] =	stream.indirect_vreg.gather @!p1 [hbm4b:s26+s13], $0x80, v2, vm0, $0xb8;
	[tilespmem:$0x1C200] =	vst v63  }
0x35e: {  	s2 =	simm.s32 @!p1 $0x13200  }
0x35f: {  	[tilespmem:s2], [sflag:$0x3] =	stream.indirect_vreg.gather @!p1 [hbm4b:s28+s13], $0x80, v2, vm0, $0xb8;
	[tilespmem:$0x1C200] =	vst v63  }
0x360: {  	p2 =	sge.s32 s9, s25;
	s2 =	simm.s32 @!p1 $0x13A00  }
0x361: {  	[tilespmem:s2], [sflag:$0x3] =	stream.indirect_vreg.gather @!p1 [hbm4b:s29+s13], $0x80, v2, vm0, $0xb8;
	[tilespmem:$0x1C200] =	vst v63  }
0x362: {  	s3 =	simm.s32 @!p2 $0x1;
	s2 =	simm.s32 @!p1 $0x14200  }
0x363: {  	[tilespmem:s2], [sflag:$0x3] =	stream.indirect_vreg.gather @!p1 [hbm4b:s30+s13], $0x80, v2, vm0, $0xb8;
	[tilespmem:$0x1C200] =	vst v63  }
0x364: {  	_ =	swait.ge @!p2 [sflag:s3], $0x8000  }
0x365: {  	[sflag:s3] =	ssyncset.done @!p2 $0x0  }
0x366: {  	[sflag:s3] =	ssyncadd.s32 @!p2 $0xFFFF8000  }
0x367: {  	v2 =	vld @!p2 [tilespmem:$0x4480];
	_ =	sdelay $0x4  }
0x368: {  	v3 =	vshll.u32 @!p2 v2, $0x4  }
0x369: {  	v4 =	vlaneseq.u32 @!p2;
	v2 =	vand.u32 @!p2 $0x7, v2;
	v3 =	vand.u32 @!p2 $0xFFFFFF80, v3  }
0x36a: {  	v5 =	vand.u32 @!p2 $0x7, v4;
	v6 =	vshrl.u32 @!p2 v4, $0x3;
	v2 =	vor.u32 @!p2 v2, v3  }
0x36b: {  	v3 =	vmul.u32 @!p2 $0x8, v6;
	v5 =	vperm.xlane @!p2 v2, v5;
	_ =	sdelay $0x1  }
0x36c: {  	v5 =	vadd.s32 @!p2 v3, v5;
	_ =	sdelay $0x3  }
0x36d: {  	vm0 =	vmmov @!p2 $0xffff;
	s2 =	simm.s32 @!p2 $0x0;
	s3 =	simm.s32 @!p2 $0x4A00  }
0x36e: {  	[hbm4b:s5+s2] =	stream.indirect_vreg.scatter @!p2 [tilespmem:s3], [sflag:$0x2], $0x80, v5, vm0, $0xb8;
	[tilespmem:$0x1C200] =	vst v63  }
0x36f: {  	s3 =	simm.s32 @!p2 $0x5200  }
0x370: {  	[hbm4b:s15+s2] =	stream.indirect_vreg.scatter @!p2 [tilespmem:s3], [sflag:$0x2], $0x80, v5, vm0, $0xb8;
	[tilespmem:$0x1C200] =	vst v63  }
0x371: {  	s3 =	simm.s32 @!p2 $0x5A00  }
0x372: {  	[hbm4b:s16+s2] =	stream.indirect_vreg.scatter @!p2 [tilespmem:s3], [sflag:$0x2], $0x80, v5, vm0, $0xb8;
	[tilespmem:$0x1C200] =	vst v63  }
0x373: {  	s3 =	simm.s32 @!p2 $0x6200  }
0x374: {  	[hbm4b:s17+s2] =	stream.indirect_vreg.scatter @!p2 [tilespmem:s3], [sflag:$0x2], $0x80, v5, vm0, $0xb8;
	[tilespmem:$0x1C200] =	vst v63  }
0x375: {  	s3 =	simm.s32 @!p2 $0x6A00  }
0x376: {  	v4 =	vor.u32 @!p2 $0x8, v4;
	[hbm4b:s18+s2] =	stream.indirect_vreg.scatter @!p2 [tilespmem:s3], [sflag:$0x2], $0x80, v5, vm0, $0xb8;
	[tilespmem:$0x1C200] =	vst v63  }
0x377: {  	v2 =	vperm.xlane @!p2 v2, v4;
	s3 =	simm.s32 @!p2 $0x7200  }
0x378: {  	[hbm4b:s19+s2] =	stream.indirect_vreg.scatter @!p2 [tilespmem:s3], [sflag:$0x2], $0x80, v5, vm0, $0xb8;
	[tilespmem:$0x1C200] =	vst v63  }
0x379: {  	v2 =	vadd.s32 @!p2 v3, v2;
	s3 =	simm.s32 @!p2 $0x7A00  }
0x37a: {  	[hbm4b:s20+s2] =	stream.indirect_vreg.scatter @!p2 [tilespmem:s3], [sflag:$0x2], $0x80, v5, vm0, $0xb8;
	[tilespmem:$0x1C200] =	vst v63  }
0x37b: {  	s3 =	simm.s32 @!p2 $0x8200  }
0x37c: {  	[hbm4b:s21+s2] =	stream.indirect_vreg.scatter @!p2 [tilespmem:s3], [sflag:$0x2], $0x80, v5, vm0, $0xb8;
	[tilespmem:$0x1C200] =	vst v63  }
0x37d: {  	s3 =	simm.s32 @!p2 $0x8A00  }
0x37e: {  	[hbm4b:s5+s2] =	stream.indirect_vreg.scatter @!p2 [tilespmem:s3], [sflag:$0x2], $0x80, v2, vm0, $0xb8;
	[tilespmem:$0x1C200] =	vst v63  }
0x37f: {  	s3 =	simm.s32 @!p2 $0x9200  }
0x380: {  	[hbm4b:s15+s2] =	stream.indirect_vreg.scatter @!p2 [tilespmem:s3], [sflag:$0x2], $0x80, v2, vm0, $0xb8;
	[tilespmem:$0x1C200] =	vst v63  }
0x381: {  	s3 =	simm.s32 @!p2 $0x9A00  }
0x382: {  	[hbm4b:s16+s2] =	stream.indirect_vreg.scatter @!p2 [tilespmem:s3], [sflag:$0x2], $0x80, v2, vm0, $0xb8;
	[tilespmem:$0x1C200] =	vst v63  }
0x383: {  	s6 =	sadd.s32 $0xFFFFFFF0, s8;
	s9 =	simm.s32 @!p2 $0xA200  }
0x384: {  	[hbm4b:s17+s2] =	stream.indirect_vreg.scatter @!p2 [tilespmem:s9], [sflag:$0x2], $0x80, v2, vm0, $0xb8;
	[tilespmem:$0x1C200] =	vst v63  }
0x385: {  	p0 =	sgt.s32 s6, s1;
	s3 =	simm.s32 @!p2 $0xAA00  }
0x386: {  	[hbm4b:s18+s2] =	stream.indirect_vreg.scatter @!p2 [tilespmem:s3], [sflag:$0x2], $0x80, v2, vm0, $0xb8;
	[tilespmem:$0x1C200] =	vst v63  }
0x387: {  	p1 =	seq.s32 @!p0 s8, $0x20;
	s9 =	simm.s32 @!p2 $0xB200;
	s3 =	sadd.s32 @!p0 s8, s31  }
0x388: {  	[hbm4b:s19+s2] =	stream.indirect_vreg.scatter @!p2 [tilespmem:s9], [sflag:$0x2], $0x80, v2, vm0, $0xb8;
	[tilespmem:$0x1C200] =	vst v63  }
0x389: {  	p1 =	por p1, p0;
	s3 =	sadd.s32 @!p0 $0xFFFFFFE0, s3;
	s9 =	simm.s32 @!p2 $0xBA00  }
0x38a: {  	v3 =	vlaneseq.u32 @!p0;
	[hbm4b:s20+s2] =	stream.indirect_vreg.scatter @!p2 [tilespmem:s9], [sflag:$0x2], $0x80, v2, vm0, $0xb8;
	[tilespmem:$0x1C200] =	vst v63  }
0x38b: {  	v4 =	vadd.s32 @!p0 s3, v3;
	s3 =	simm.s32 @!p1 $0x2;
	s9 =	simm.s32 @!p2 $0xC200  }
0x38c: {  	v5 =	vshll.u32 @!p0 v4, $0x4;
	[hbm4b:s21+s2] =	stream.indirect_vreg.scatter @!p2 [tilespmem:s9], [sflag:$0x2], $0x80, v2, vm0, $0xb8;
	[tilespmem:$0x1C200] =	vst v63  }
0x38d: {  	v5 =	vand.u32 @!p0 $0xFFFFFF80, v5;
	v2 =	vand.u32 @!p0 $0x7, v4;
	_ =	swait.ge @!p1 [sflag:s3], $0x8000  }
0x38e: {  	v6 =	vand.u32 @!p0 $0x7, v3;
	v7 =	vshrl.u32 @!p0 v3, $0x3;
	v2 =	vor.u32 @!p0 v2, v5;
	[sflag:s3] =	ssyncset.done @!p1 $0x0  }
0x38f: {  	s9 =	sadd.s32 $0x20, s0;
	v5 =	vmul.u32 @!p0 $0x8, v7;
	v6 =	vperm.xlane @!p0 v2, v6;
	[sflag:s3] =	ssyncadd.s32 @!p1 $0xFFFF8000  }
0x390: {  	v7 =	vld @!p0 [tilespmem:s9+$0xFFFFFFF0]  }
0x391: {  	v6 =	vadd.s32 @!p0 v5, v6;
	_ =	sdelay $0x2  }
0x392: {  	[tilespmem:$0x4400] =	vst @!p0 v4  }
0x393: {  	vm0 =	vmmov @!p0 $0xffff;
	s2 =	simm.s32 @!p0 $0x0;
	s0 =	simm.s32 @!p0 $0x4A00;
	[tilespmem:$0x4480] =	vst @!p0 v7  }
0x394: {  	[tilespmem:s0], [sflag:$0x1] =	stream.indirect_vreg.gather @!p0 [hbm4b:s4+s2], $0x80, v6, vm0, $0xb8;
	[tilespmem:$0x1C200] =	vst v63  }
0x395: {  	s0 =	simm.s32 @!p0 $0x5200  }
0x396: {  	[tilespmem:s0], [sflag:$0x1] =	stream.indirect_vreg.gather @!p0 [hbm4b:s22+s2], $0x80, v6, vm0, $0xb8;
	[tilespmem:$0x1C200] =	vst v63  }
0x397: {  	s0 =	simm.s32 @!p0 $0x5A00  }
0x398: {  	[tilespmem:s0], [sflag:$0x1] =	stream.indirect_vreg.gather @!p0 [hbm4b:s23+s2], $0x80, v6, vm0, $0xb8;
	[tilespmem:$0x1C200] =	vst v63  }
0x399: {  	s0 =	simm.s32 @!p0 $0x6200  }
0x39a: {  	[tilespmem:s0], [sflag:$0x1] =	stream.indirect_vreg.gather @!p0 [hbm4b:s24+s2], $0x80, v6, vm0, $0xb8;
	[tilespmem:$0x1C200] =	vst v63  }
0x39b: {  	s0 =	simm.s32 @!p0 $0x6A00  }
0x39c: {  	v3 =	vor.u32 @!p0 $0x8, v3;
	[tilespmem:s0], [sflag:$0x1] =	stream.indirect_vreg.gather @!p0 [hbm4b:s26+s2], $0x80, v6, vm0, $0xb8;
	[tilespmem:$0x1C200] =	vst v63  }
0x39d: {  	v2 =	vperm.xlane @!p0 v2, v3;
	s0 =	simm.s32 @!p0 $0x7200  }
0x39e: {  	[tilespmem:s0], [sflag:$0x1] =	stream.indirect_vreg.gather @!p0 [hbm4b:s28+s2], $0x80, v6, vm0, $0xb8;
	[tilespmem:$0x1C200] =	vst v63  }
0x39f: {  	v2 =	vadd.s32 @!p0 v5, v2;
	s0 =	simm.s32 @!p0 $0x7A00  }
0x3a0: {  	[tilespmem:s0], [sflag:$0x1] =	stream.indirect_vreg.gather @!p0 [hbm4b:s29+s2], $0x80, v6, vm0, $0xb8;
	[tilespmem:$0x1C200] =	vst v63  }
0x3a1: {  	s0 =	simm.s32 @!p0 $0x8200  }
0x3a2: {  	[tilespmem:s0], [sflag:$0x1] =	stream.indirect_vreg.gather @!p0 [hbm4b:s30+s2], $0x80, v6, vm0, $0xb8;
	[tilespmem:$0x1C200] =	vst v63  }
0x3a3: {  	s0 =	simm.s32 @!p0 $0x8A00  }
0x3a4: {  	[tilespmem:s0], [sflag:$0x1] =	stream.indirect_vreg.gather @!p0 [hbm4b:s4+s2], $0x80, v2, vm0, $0xb8;
	[tilespmem:$0x1C200] =	vst v63  }
0x3a5: {  	s0 =	simm.s32 @!p0 $0x9200  }
0x3a6: {  	[tilespmem:s0], [sflag:$0x1] =	stream.indirect_vreg.gather @!p0 [hbm4b:s22+s2], $0x80, v2, vm0, $0xb8;
	[tilespmem:$0x1C200] =	vst v63  }
0x3a7: {  	s0 =	simm.s32 @!p0 $0x9A00  }
0x3a8: {  	[tilespmem:s0], [sflag:$0x1] =	stream.indirect_vreg.gather @!p0 [hbm4b:s23+s2], $0x80, v2, vm0, $0xb8;
	[tilespmem:$0x1C200] =	vst v63  }
0x3a9: {  	s0 =	simm.s32 @!p0 $0xA200  }
0x3aa: {  	[tilespmem:s0], [sflag:$0x1] =	stream.indirect_vreg.gather @!p0 [hbm4b:s24+s2], $0x80, v2, vm0, $0xb8;
	[tilespmem:$0x1C200] =	vst v63  }
0x3ab: {  	p1 =	seq.s32 s8, $0x20;
	s3 =	simm.s32 @!p0 $0xAA00;
	s0 =	sadd.s32 $0x2, s10  }
0x3ac: {  	[tilespmem:s3], [sflag:$0x1] =	stream.indirect_vreg.gather @!p0 [hbm4b:s26+s2], $0x80, v2, vm0, $0xb8;
	[tilespmem:$0x1C200] =	vst v63  }
0x3ad: {  	p2 =	sgt.s32 @!p1 s0, s25;
	s3 =	simm.s32 @!p0 $0xB200  }
0x3ae: {  	[tilespmem:s3], [sflag:$0x1] =	stream.indirect_vreg.gather @!p0 [hbm4b:s28+s2], $0x80, v2, vm0, $0xb8;
	[tilespmem:$0x1C200] =	vst v63  }
0x3af: {  	p1 =	por p2, p1;
	s3 =	simm.s32 @!p0 $0xBA00  }
0x3b0: {  	[tilespmem:s3], [sflag:$0x1] =	stream.indirect_vreg.gather @!p0 [hbm4b:s29+s2], $0x80, v2, vm0, $0xb8;
	[tilespmem:$0x1C200] =	vst v63  }
0x3b1: {  	s10 =	simm.s32 @!p1 $0x3;
	s3 =	simm.s32 @!p0 $0xC200  }
0x3b2: {  	[tilespmem:s3], [sflag:$0x1] =	stream.indirect_vreg.gather @!p0 [hbm4b:s30+s2], $0x80, v2, vm0, $0xb8;
	[tilespmem:$0x1C200] =	vst v63  }
0x3b3: {  	_ =	swait.ge @!p1 [sflag:s10], $0x8000  }
0x3b4: {  	[sflag:s10] =	ssyncset.done @!p1 $0x0  }
0x3b5: {  	[sflag:s10] =	ssyncadd.s32 @!p1 $0xFFFF8000  }
0x3b6: {  	v2 =	vld @!p1 [tilespmem:$0x4580];
	_ =	sdelay $0x4  }
0x3b7: {  	v3 =	vshll.u32 @!p1 v2, $0x4  }
0x3b8: {  	v4 =	vlaneseq.u32 @!p1;
	v2 =	vand.u32 @!p1 $0x7, v2;
	v3 =	vand.u32 @!p1 $0xFFFFFF80, v3  }
0x3b9: {  	v5 =	vand.u32 @!p1 $0x7, v4;
	v6 =	vshrl.u32 @!p1 v4, $0x3;
	v2 =	vor.u32 @!p1 v2, v3  }
0x3ba: {  	v3 =	vperm.xlane @!p1 v2, v5;
	v5 =	vmul.u32 @!p1 $0x8, v6;
	_ =	sdelay $0x1  }
0x3bb: {  	v3 =	vadd.s32 @!p1 v5, v3;
	_ =	sdelay $0x3  }
0x3bc: {  	vm0 =	vmmov @!p1 $0xffff;
	s2 =	simm.s32 @!p1 $0x0;
	s3 =	simm.s32 @!p1 $0xCA00  }
0x3bd: {  	[hbm4b:s5+s2] =	stream.indirect_vreg.scatter @!p1 [tilespmem:s3], [sflag:$0x4], $0x80, v3, vm0, $0xb8;
	[tilespmem:$0x1C200] =	vst v63  }
0x3be: {  	s3 =	simm.s32 @!p1 $0xD200  }
0x3bf: {  	[hbm4b:s15+s2] =	stream.indirect_vreg.scatter @!p1 [tilespmem:s3], [sflag:$0x4], $0x80, v3, vm0, $0xb8;
	[tilespmem:$0x1C200] =	vst v63  }
0x3c0: {  	s3 =	simm.s32 @!p1 $0xDA00  }
0x3c1: {  	[hbm4b:s16+s2] =	stream.indirect_vreg.scatter @!p1 [tilespmem:s3], [sflag:$0x4], $0x80, v3, vm0, $0xb8;
	[tilespmem:$0x1C200] =	vst v63  }
0x3c2: {  	s3 =	simm.s32 @!p1 $0xE200  }
0x3c3: {  	[hbm4b:s17+s2] =	stream.indirect_vreg.scatter @!p1 [tilespmem:s3], [sflag:$0x4], $0x80, v3, vm0, $0xb8;
	[tilespmem:$0x1C200] =	vst v63  }
0x3c4: {  	s3 =	simm.s32 @!p1 $0xEA00  }
0x3c5: {  	v4 =	vor.u32 @!p1 $0x8, v4;
	[hbm4b:s18+s2] =	stream.indirect_vreg.scatter @!p1 [tilespmem:s3], [sflag:$0x4], $0x80, v3, vm0, $0xb8;
	[tilespmem:$0x1C200] =	vst v63  }
0x3c6: {  	v2 =	vperm.xlane @!p1 v2, v4;
	s3 =	simm.s32 @!p1 $0xF200  }
0x3c7: {  	[hbm4b:s19+s2] =	stream.indirect_vreg.scatter @!p1 [tilespmem:s3], [sflag:$0x4], $0x80, v3, vm0, $0xb8;
	[tilespmem:$0x1C200] =	vst v63  }
0x3c8: {  	v2 =	vadd.s32 @!p1 v5, v2;
	s3 =	simm.s32 @!p1 $0xFA00  }
0x3c9: {  	[hbm4b:s20+s2] =	stream.indirect_vreg.scatter @!p1 [tilespmem:s3], [sflag:$0x4], $0x80, v3, vm0, $0xb8;
	[tilespmem:$0x1C200] =	vst v63  }
0x3ca: {  	s3 =	simm.s32 @!p1 $0x10200  }
0x3cb: {  	[hbm4b:s21+s2] =	stream.indirect_vreg.scatter @!p1 [tilespmem:s3], [sflag:$0x4], $0x80, v3, vm0, $0xb8;
	[tilespmem:$0x1C200] =	vst v63  }
0x3cc: {  	s3 =	simm.s32 @!p1 $0x10A00  }
0x3cd: {  	[hbm4b:s5+s2] =	stream.indirect_vreg.scatter @!p1 [tilespmem:s3], [sflag:$0x4], $0x80, v2, vm0, $0xb8;
	[tilespmem:$0x1C200] =	vst v63  }
0x3ce: {  	s3 =	simm.s32 @!p1 $0x11200  }
0x3cf: {  	[hbm4b:s15+s2] =	stream.indirect_vreg.scatter @!p1 [tilespmem:s3], [sflag:$0x4], $0x80, v2, vm0, $0xb8;
	[tilespmem:$0x1C200] =	vst v63  }
0x3d0: {  	s3 =	simm.s32 @!p1 $0x11A00  }
0x3d1: {  	[hbm4b:s16+s2] =	stream.indirect_vreg.scatter @!p1 [tilespmem:s3], [sflag:$0x4], $0x80, v2, vm0, $0xb8;
	[tilespmem:$0x1C200] =	vst v63  }
0x3d2: {  	s3 =	simm.s32 @!p1 $0x12200  }
0x3d3: {  	[hbm4b:s17+s2] =	stream.indirect_vreg.scatter @!p1 [tilespmem:s3], [sflag:$0x4], $0x80, v2, vm0, $0xb8;
	[tilespmem:$0x1C200] =	vst v63  }
0x3d4: {  	p0 =	sgt.s32 s8, s1;
	s3 =	simm.s32 @!p1 $0x12A00  }
0x3d5: {  	[hbm4b:s18+s2] =	stream.indirect_vreg.scatter @!p1 [tilespmem:s3], [sflag:$0x4], $0x80, v2, vm0, $0xb8;
	[tilespmem:$0x1C200] =	vst v63  }
0x3d6: {  	p2 =	seq.s32 @!p0 s8, $0x20;
	s3 =	sadd.s32 @!p0 s8, s31;
	s8 =	simm.s32 @!p1 $0x13200  }
0x3d7: {  	[hbm4b:s19+s2] =	stream.indirect_vreg.scatter @!p1 [tilespmem:s8], [sflag:$0x4], $0x80, v2, vm0, $0xb8;
	[tilespmem:$0x1C200] =	vst v63  }
0x3d8: {  	p2 =	por p2, p0;
	s3 =	sadd.s32 @!p0 $0xFFFFFFF0, s3;
	s8 =	simm.s32 @!p1 $0x13A00  }
0x3d9: {  	v3 =	vlaneseq.u32 @!p0;
	[hbm4b:s20+s2] =	stream.indirect_vreg.scatter @!p1 [tilespmem:s8], [sflag:$0x4], $0x80, v2, vm0, $0xb8;
	[tilespmem:$0x1C200] =	vst v63  }
0x3da: {  	v4 =	vadd.s32 @!p0 s3, v3;
	s3 =	simm.s32 @!p1 $0x14200;
	s8 =	simm.s32 @!p2 $0x4  }
0x3db: {  	v5 =	vshll.u32 @!p0 v4, $0x4;
	[hbm4b:s21+s2] =	stream.indirect_vreg.scatter @!p1 [tilespmem:s3], [sflag:$0x4], $0x80, v2, vm0, $0xb8;
	[tilespmem:$0x1C200] =	vst v63  }
0x3dc: {  	v5 =	vand.u32 @!p0 $0xFFFFFF80, v5;
	v2 =	vand.u32 @!p0 $0x7, v4;
	_ =	swait.ge @!p2 [sflag:s8], $0x8000  }
0x3dd: {  	v6 =	vand.u32 @!p0 $0x7, v3;
	v7 =	vshrl.u32 @!p0 v3, $0x3;
	v2 =	vor.u32 @!p0 v2, v5;
	[sflag:s8] =	ssyncset.done @!p2 $0x0  }
0x3de: {  	v5 =	vmul.u32 @!p0 $0x8, v7;
	v6 =	vperm.xlane @!p0 v2, v6;
	[sflag:s8] =	ssyncadd.s32 @!p2 $0xFFFF8000  }
0x3df: {  	v7 =	vld @!p0 [tilespmem:s9+$0x0]  }
0x3e0: {  	v6 =	vadd.s32 @!p0 v5, v6;
	_ =	sdelay $0x2  }
0x3e1: {  	[tilespmem:$0x4500] =	vst @!p0 v4  }
0x3e2: {  	vm0 =	vmmov @!p0 $0xffff;
	s2 =	simm.s32 @!p0 $0x0;
	s3 =	simm.s32 @!p0 $0xCA00;
	[tilespmem:$0x4580] =	vst @!p0 v7  }
0x3e3: {  	[tilespmem:s3], [sflag:$0x3] =	stream.indirect_vreg.gather @!p0 [hbm4b:s4+s2], $0x80, v6, vm0, $0xb8;
	[tilespmem:$0x1C200] =	vst v63  }
0x3e4: {  	s3 =	simm.s32 @!p0 $0xD200  }
0x3e5: {  	[tilespmem:s3], [sflag:$0x3] =	stream.indirect_vreg.gather @!p0 [hbm4b:s22+s2], $0x80, v6, vm0, $0xb8;
	[tilespmem:$0x1C200] =	vst v63  }
0x3e6: {  	s3 =	simm.s32 @!p0 $0xDA00  }
0x3e7: {  	[tilespmem:s3], [sflag:$0x3] =	stream.indirect_vreg.gather @!p0 [hbm4b:s23+s2], $0x80, v6, vm0, $0xb8;
	[tilespmem:$0x1C200] =	vst v63  }
0x3e8: {  	s3 =	simm.s32 @!p0 $0xE200  }
0x3e9: {  	[tilespmem:s3], [sflag:$0x3] =	stream.indirect_vreg.gather @!p0 [hbm4b:s24+s2], $0x80, v6, vm0, $0xb8;
	[tilespmem:$0x1C200] =	vst v63  }
0x3ea: {  	s3 =	simm.s32 @!p0 $0xEA00  }
0x3eb: {  	v3 =	vor.u32 @!p0 $0x8, v3;
	[tilespmem:s3], [sflag:$0x3] =	stream.indirect_vreg.gather @!p0 [hbm4b:s26+s2], $0x80, v6, vm0, $0xb8;
	[tilespmem:$0x1C200] =	vst v63  }
0x3ec: {  	v2 =	vperm.xlane @!p0 v2, v3;
	s3 =	simm.s32 @!p0 $0xF200  }
0x3ed: {  	[tilespmem:s3], [sflag:$0x3] =	stream.indirect_vreg.gather @!p0 [hbm4b:s28+s2], $0x80, v6, vm0, $0xb8;
	[tilespmem:$0x1C200] =	vst v63  }
0x3ee: {  	v2 =	vadd.s32 @!p0 v5, v2;
	s3 =	simm.s32 @!p0 $0xFA00  }
0x3ef: {  	[tilespmem:s3], [sflag:$0x3] =	stream.indirect_vreg.gather @!p0 [hbm4b:s29+s2], $0x80, v6, vm0, $0xb8;
	[tilespmem:$0x1C200] =	vst v63  }
0x3f0: {  	s3 =	simm.s32 @!p0 $0x10200  }
0x3f1: {  	[tilespmem:s3], [sflag:$0x3] =	stream.indirect_vreg.gather @!p0 [hbm4b:s30+s2], $0x80, v6, vm0, $0xb8;
	[tilespmem:$0x1C200] =	vst v63  }
0x3f2: {  	s3 =	simm.s32 @!p0 $0x10A00  }
0x3f3: {  	[tilespmem:s3], [sflag:$0x3] =	stream.indirect_vreg.gather @!p0 [hbm4b:s4+s2], $0x80, v2, vm0, $0xb8;
	[tilespmem:$0x1C200] =	vst v63  }
0x3f4: {  	s3 =	simm.s32 @!p0 $0x11200  }
0x3f5: {  	[tilespmem:s3], [sflag:$0x3] =	stream.indirect_vreg.gather @!p0 [hbm4b:s22+s2], $0x80, v2, vm0, $0xb8;
	[tilespmem:$0x1C200] =	vst v63  }
0x3f6: {  	s3 =	simm.s32 @!p0 $0x11A00  }
0x3f7: {  	[tilespmem:s3], [sflag:$0x3] =	stream.indirect_vreg.gather @!p0 [hbm4b:s23+s2], $0x80, v2, vm0, $0xb8;
	[tilespmem:$0x1C200] =	vst v63  }
0x3f8: {  	s3 =	simm.s32 @!p0 $0x12200  }
0x3f9: {  	[tilespmem:s3], [sflag:$0x3] =	stream.indirect_vreg.gather @!p0 [hbm4b:s24+s2], $0x80, v2, vm0, $0xb8;
	[tilespmem:$0x1C200] =	vst v63  }
0x3fa: {  	s3 =	simm.s32 @!p0 $0x12A00  }
0x3fb: {  	[tilespmem:s3], [sflag:$0x3] =	stream.indirect_vreg.gather @!p0 [hbm4b:s26+s2], $0x80, v2, vm0, $0xb8;
	[tilespmem:$0x1C200] =	vst v63  }
0x3fc: {  	s3 =	simm.s32 @!p0 $0x13200  }
0x3fd: {  	[tilespmem:s3], [sflag:$0x3] =	stream.indirect_vreg.gather @!p0 [hbm4b:s28+s2], $0x80, v2, vm0, $0xb8;
	[tilespmem:$0x1C200] =	vst v63  }
0x3fe: {  	p1 =	sge.s32 s0, s25;
	s0 =	simm.s32 @!p0 $0x13A00  }
0x3ff: {  	[tilespmem:s0], [sflag:$0x3] =	stream.indirect_vreg.gather @!p0 [hbm4b:s29+s2], $0x80, v2, vm0, $0xb8;
	[tilespmem:$0x1C200] =	vst v63  }
0x400: {  	s3 =	simm.s32 @!p1 $0x1;
	s0 =	simm.s32 @!p0 $0x14200  }
0x401: {  	[tilespmem:s0], [sflag:$0x3] =	stream.indirect_vreg.gather @!p0 [hbm4b:s30+s2], $0x80, v2, vm0, $0xb8;
	[tilespmem:$0x1C200] =	vst v63  }
0x402: {  	_ =	swait.ge @!p1 [sflag:s3], $0x8000  }
0x403: {  	[sflag:s3] =	ssyncset.done @!p1 $0x0  }
0x404: {  	[sflag:s3] =	ssyncadd.s32 @!p1 $0xFFFF8000  }
0x405: {  	v2 =	vld @!p1 [tilespmem:$0x4480];
	_ =	sdelay $0x4  }
0x406: {  	v3 =	vshll.u32 @!p1 v2, $0x4  }
0x407: {  	v4 =	vlaneseq.u32 @!p1;
	v2 =	vand.u32 @!p1 $0x7, v2;
	v3 =	vand.u32 @!p1 $0xFFFFFF80, v3  }
0x408: {  	v5 =	vand.u32 @!p1 $0x7, v4;
	v6 =	vshrl.u32 @!p1 v4, $0x3;
	v2 =	vor.u32 @!p1 v2, v3  }
0x409: {  	v3 =	vmul.u32 @!p1 $0x8, v6;
	v5 =	vperm.xlane @!p1 v2, v5;
	_ =	sdelay $0x1  }
0x40a: {  	v5 =	vadd.s32 @!p1 v3, v5;
	_ =	sdelay $0x3  }
0x40b: {  	vm0 =	vmmov @!p1 $0xffff;
	s0 =	simm.s32 @!p1 $0x0;
	s2 =	simm.s32 @!p1 $0x4A00  }
0x40c: {  	[hbm4b:s5+s0] =	stream.indirect_vreg.scatter @!p1 [tilespmem:s2], [sflag:$0x2], $0x80, v5, vm0, $0xb8;
	[tilespmem:$0x1C200] =	vst v63  }
0x40d: {  	s2 =	simm.s32 @!p1 $0x5200  }
0x40e: {  	[hbm4b:s15+s0] =	stream.indirect_vreg.scatter @!p1 [tilespmem:s2], [sflag:$0x2], $0x80, v5, vm0, $0xb8;
	[tilespmem:$0x1C200] =	vst v63  }
0x40f: {  	s2 =	simm.s32 @!p1 $0x5A00  }
0x410: {  	[hbm4b:s16+s0] =	stream.indirect_vreg.scatter @!p1 [tilespmem:s2], [sflag:$0x2], $0x80, v5, vm0, $0xb8;
	[tilespmem:$0x1C200] =	vst v63  }
0x411: {  	s2 =	simm.s32 @!p1 $0x6200  }
0x412: {  	[hbm4b:s17+s0] =	stream.indirect_vreg.scatter @!p1 [tilespmem:s2], [sflag:$0x2], $0x80, v5, vm0, $0xb8;
	[tilespmem:$0x1C200] =	vst v63  }
0x413: {  	s2 =	simm.s32 @!p1 $0x6A00  }
0x414: {  	v4 =	vor.u32 @!p1 $0x8, v4;
	[hbm4b:s18+s0] =	stream.indirect_vreg.scatter @!p1 [tilespmem:s2], [sflag:$0x2], $0x80, v5, vm0, $0xb8;
	[tilespmem:$0x1C200] =	vst v63  }
0x415: {  	v2 =	vperm.xlane @!p1 v2, v4;
	s2 =	simm.s32 @!p1 $0x7200  }
0x416: {  	[hbm4b:s19+s0] =	stream.indirect_vreg.scatter @!p1 [tilespmem:s2], [sflag:$0x2], $0x80, v5, vm0, $0xb8;
	[tilespmem:$0x1C200] =	vst v63  }
0x417: {  	v2 =	vadd.s32 @!p1 v3, v2;
	s2 =	simm.s32 @!p1 $0x7A00  }
0x418: {  	[hbm4b:s20+s0] =	stream.indirect_vreg.scatter @!p1 [tilespmem:s2], [sflag:$0x2], $0x80, v5, vm0, $0xb8;
	[tilespmem:$0x1C200] =	vst v63  }
0x419: {  	s2 =	simm.s32 @!p1 $0x8200  }
0x41a: {  	[hbm4b:s21+s0] =	stream.indirect_vreg.scatter @!p1 [tilespmem:s2], [sflag:$0x2], $0x80, v5, vm0, $0xb8;
	[tilespmem:$0x1C200] =	vst v63  }
0x41b: {  	s2 =	simm.s32 @!p1 $0x8A00  }
0x41c: {  	[hbm4b:s5+s0] =	stream.indirect_vreg.scatter @!p1 [tilespmem:s2], [sflag:$0x2], $0x80, v2, vm0, $0xb8;
	[tilespmem:$0x1C200] =	vst v63  }
0x41d: {  	s2 =	simm.s32 @!p1 $0x9200  }
0x41e: {  	[hbm4b:s15+s0] =	stream.indirect_vreg.scatter @!p1 [tilespmem:s2], [sflag:$0x2], $0x80, v2, vm0, $0xb8;
	[tilespmem:$0x1C200] =	vst v63  }
0x41f: {  	s2 =	simm.s32 @!p1 $0x9A00  }
0x420: {  	[hbm4b:s16+s0] =	stream.indirect_vreg.scatter @!p1 [tilespmem:s2], [sflag:$0x2], $0x80, v2, vm0, $0xb8;
	[tilespmem:$0x1C200] =	vst v63  }
0x421: {  	s2 =	simm.s32 @!p1 $0xA200  }
0x422: {  	[hbm4b:s17+s0] =	stream.indirect_vreg.scatter @!p1 [tilespmem:s2], [sflag:$0x2], $0x80, v2, vm0, $0xb8;
	[tilespmem:$0x1C200] =	vst v63  }
0x423: {  	s2 =	simm.s32 @!p1 $0xAA00  }
0x424: {  	[hbm4b:s18+s0] =	stream.indirect_vreg.scatter @!p1 [tilespmem:s2], [sflag:$0x2], $0x80, v2, vm0, $0xb8;
	[tilespmem:$0x1C200] =	vst v63  }
0x425: {  	s2 =	simm.s32 @!p1 $0xB200  }
0x426: {  	[hbm4b:s19+s0] =	stream.indirect_vreg.scatter @!p1 [tilespmem:s2], [sflag:$0x2], $0x80, v2, vm0, $0xb8;
	[tilespmem:$0x1C200] =	vst v63  }
0x427: {  	s2 =	simm.s32 @!p1 $0xBA00  }
0x428: {  	[hbm4b:s20+s0] =	stream.indirect_vreg.scatter @!p1 [tilespmem:s2], [sflag:$0x2], $0x80, v2, vm0, $0xb8;
	[tilespmem:$0x1C200] =	vst v63  }
0x429: {  	p0 =	slt.s32 s25, $0x1;
	s2 =	simm.s32 @!p1 $0xC200  }
0x42a: {  	[hbm4b:s21+s0] =	stream.indirect_vreg.scatter @!p1 [tilespmem:s2], [sflag:$0x2], $0x80, v2, vm0, $0xb8;
	[tilespmem:$0x1C200] =	vst v63  }
0x42b: {  	s0 =	simm.s32 @!p0 $0x2  }
0x42c: {  	p1 =	seq.s32 @!p0 s25, $0x1;
	_ =	swait.ge @!p0 [sflag:s0], $0x8000  }
0x42d: {  	p1 =	por p1, p0;
	[sflag:s0] =	ssyncset.done @!p0 $0x0  }
0x42e: {  	[sflag:s0] =	ssyncadd.s32 @!p0 $0xFFFF8000;
	s0 =	simm.s32 @!p1 $0x4  }
0x42f: {  	s3 =	sand.u32 $0x8, s1;
	s2 =	sand.u32 $0xFFFFFFF0, s1;
	_ =	swait.ge @!p1 [sflag:s0], $0x8000  }
0x430: {  	p2 =	slt.s32 s2, $0x1F0;
	p0 =	seq.s32 s3, $0x0;
	[sflag:s0] =	ssyncset.done @!p1 $0x0  }
0x431: {  	s10 =	sadd.s32 s2, s31;
	s2 =	simm.s32 @!p2 $0x1F0;
	v4 =	vlaneseq.u32 @!p0;
	[sflag:s0] =	ssyncadd.s32 @!p1 $0xFFFF8000  }
0x432: {  	v2 =	vld [tilespmem:s2+$0x4000];
	_ =	sdelay $0x2  }
0x433: {  	v3 =	vadd.s32 s10, v0;
	s0 =	simm.s32 @!p0 $0x4600  }
0x434: {  	[tilespmem:v4+s0+$0x0] =	vst.idx.msk @!p0 $0xff, v3;
	s0 =	simm.s32 @!p0 $0x4680  }
0x435: {  	[tilespmem:v4+s0+$0x0] =	vst.idx.msk @!p0 $0xff, v2  }
0x436: {  	v5 =	vld.msk @!p0 [tilespmem:$0x4600], $0xff;
	_ =	sdelay $0x4  }
0x437: {  	v6 =	vshll.u32 @!p0 v5, $0x4  }
0x438: {  	v5 =	vand.u32 @!p0 $0x7, v5;
	v6 =	vand.u32 @!p0 $0xFFFFFF80, v6  }
0x439: {  	v5 =	vor.u32 @!p0 v5, v6;
	v6 =	vand.u32 @!p0 $0x7, v4;
	v4 =	vshrl.u32 @!p0 v4, $0x3  }
0x43a: {  	v5 =	vperm.xlane @!p0 v5, v6;
	v4 =	vmul.u32 @!p0 $0x8, v4;
	_ =	sdelay $0x1  }
0x43b: {  	v5 =	vadd.s32 @!p0 v4, v5;
	_ =	sdelay $0x3  }
0x43c: {  	vm0 =	vmmov @!p0 $0xffff;
	s2 =	simm.s32 @!p0 $0x14A00;
	s0 =	simm.s32 @!p0 $0x0  }
0x43d: {  	[tilespmem:s2], [sflag:$0x5] =	stream.indirect_vreg.gather @!p0 [hbm4b:s4+s0], $0x80, v5, vm0, $0xb8;
	[tilespmem:$0x1C200] =	vst v63  }
0x43e: {  	s8 =	simm.s32 @!p0 $0x15200  }
0x43f: {  	[tilespmem:s8], [sflag:$0x5] =	stream.indirect_vreg.gather @!p0 [hbm4b:s22+s0], $0x80, v5, vm0, $0xb8;
	[tilespmem:$0x1C200] =	vst v63  }
0x440: {  	s9 =	simm.s32 @!p0 $0x15A00  }
0x441: {  	[tilespmem:s9], [sflag:$0x5] =	stream.indirect_vreg.gather @!p0 [hbm4b:s23+s0], $0x80, v5, vm0, $0xb8;
	[tilespmem:$0x1C200] =	vst v63  }
0x442: {  	s10 =	simm.s32 @!p0 $0x16200  }
0x443: {  	[tilespmem:s10], [sflag:$0x5] =	stream.indirect_vreg.gather @!p0 [hbm4b:s24+s0], $0x80, v5, vm0, $0xb8;
	[tilespmem:$0x1C200] =	vst v63  }
0x444: {  	s11 =	simm.s32 @!p0 $0x16A00  }
0x445: {  	[tilespmem:s11], [sflag:$0x5] =	stream.indirect_vreg.gather @!p0 [hbm4b:s26+s0], $0x80, v5, vm0, $0xb8;
	[tilespmem:$0x1C200] =	vst v63  }
0x446: {  	s12 =	simm.s32 @!p0 $0x17200  }
0x447: {  	[tilespmem:s12], [sflag:$0x5] =	stream.indirect_vreg.gather @!p0 [hbm4b:s28+s0], $0x80, v5, vm0, $0xb8;
	[tilespmem:$0x1C200] =	vst v63  }
0x448: {  	s13 =	simm.s32 @!p0 $0x17A00  }
0x449: {  	[tilespmem:s13], [sflag:$0x5] =	stream.indirect_vreg.gather @!p0 [hbm4b:s29+s0], $0x80, v5, vm0, $0xb8;
	[tilespmem:$0x1C200] =	vst v63  }
0x44a: {  	s14 =	simm.s32 @!p0 $0x18200;
	s25 =	simm.s32 @!p0 $0x5  }
0x44b: {  	[tilespmem:s14], [sflag:$0x5] =	stream.indirect_vreg.gather @!p0 [hbm4b:s30+s0], $0x80, v5, vm0, $0xb8;
	[tilespmem:$0x1C200] =	vst v63  }
0x44c: {  	_ =	swait.ge @!p0 [sflag:s25], $0x4000  }
0x44d: {  	[sflag:s25] =	ssyncset.done @!p0 $0x0  }
0x44e: {  	[sflag:s25] =	ssyncadd.s32 @!p0 $0xFFFFC000  }
0x44f: {  	v5 =	vld.msk @!p0 [tilespmem:$0x4680], $0xff;
	_ =	sdelay $0x4  }
0x450: {  	v7 =	vshll.u32 @!p0 v5, $0x4  }
0x451: {  	v5 =	vand.u32 @!p0 $0x7, v5;
	v7 =	vand.u32 @!p0 $0xFFFFFF80, v7  }
0x452: {  	v5 =	vor.u32 @!p0 v5, v7  }
0x453: {  	v5 =	vperm.xlane @!p0 v5, v6;
	_ =	sdelay $0x1  }
0x454: {  	v4 =	vadd.s32 @!p0 v4, v5;
	_ =	sdelay $0x4  }
0x455: {  	[hbm4b:s5+s0] =	stream.indirect_vreg.scatter @!p0 [tilespmem:s2], [sflag:$0x5], $0x80, v4, vm0, $0xb8;
	[tilespmem:$0x1C200] =	vst v63  }
0x456: {  	_ = 	snop  }
0x457: {  	[hbm4b:s15+s0] =	stream.indirect_vreg.scatter @!p0 [tilespmem:s8], [sflag:$0x5], $0x80, v4, vm0, $0xb8;
	[tilespmem:$0x1C200] =	vst v63  }
0x458: {  	_ = 	snop  }
0x459: {  	[hbm4b:s16+s0] =	stream.indirect_vreg.scatter @!p0 [tilespmem:s9], [sflag:$0x5], $0x80, v4, vm0, $0xb8;
	[tilespmem:$0x1C200] =	vst v63  }
0x45a: {  	_ = 	snop  }
0x45b: {  	[hbm4b:s17+s0] =	stream.indirect_vreg.scatter @!p0 [tilespmem:s10], [sflag:$0x5], $0x80, v4, vm0, $0xb8;
	[tilespmem:$0x1C200] =	vst v63  }
0x45c: {  	_ = 	snop  }
0x45d: {  	[hbm4b:s18+s0] =	stream.indirect_vreg.scatter @!p0 [tilespmem:s11], [sflag:$0x5], $0x80, v4, vm0, $0xb8;
	[tilespmem:$0x1C200] =	vst v63  }
0x45e: {  	s11 =	sand.u32 $0x4, s1  }
0x45f: {  	p1 =	seq.s32 s11, $0x0  }
0x460: {  	v5 =	vlaneseq.u32 @!p1;
	s2 =	sor.u32 @!p1 $0x4, s3  }
0x461: {  	[hbm4b:s19+s0] =	stream.indirect_vreg.scatter @!p0 [tilespmem:s12], [sflag:$0x5], $0x80, v4, vm0, $0xb8;
	v6 =	vmov @!p1 s3;
	v7 =	vadd.s32 @!p1 $0x1, v5;
	v8 =	vmov @!p1 s2;
	[tilespmem:$0x1C200] =	vst v63  }
0x462: {  	vm1 =	vlt.u32 @!p1 v6, v7;
	vm2 =	vgt.u32 @!p1 v8, v5  }
0x463: {  	[hbm4b:s20+s0] =	stream.indirect_vreg.scatter @!p0 [tilespmem:s13], [sflag:$0x5], $0x80, v4, vm0, $0xb8;
	vm1 =	vmand @!p1 vm1, vm2;
	[tilespmem:$0x1C200] =	vst v63  }
0x464: {  	v6 =	vsub.s32 @!p1 v5, v6  }
0x465: {  	[hbm4b:s21+s0] =	stream.indirect_vreg.scatter @!p0 [tilespmem:s14], [sflag:$0x5], $0x80, v4, vm0, $0xb8;
	[tilespmem:$0x1C200] =	vst v63  }
0x466: {  	_ =	swait.ge @!p0 [sflag:s25], $0x4000  }
0x467: {  	[sflag:s25] =	ssyncset.done @!p0 $0x0  }
0x468: {  	s0 =	simm.s32 @!p1 $0x4700;
	[sflag:s25] =	ssyncadd.s32 @!p0 $0xFFFFC000  }
0x469: {  	[tilespmem:v6+s0+$0x0] =	vst.idx.msk @!p1 vm1, v3;
	s0 =	simm.s32 @!p1 $0x4780  }
0x46a: {  	[tilespmem:v6+s0+$0x0] =	vst.idx.msk @!p1 vm1, v2  }
0x46b: {  	v4 =	vld.msk @!p1 [tilespmem:$0x4700], $0xf;
	_ =	sdelay $0x4  }
0x46c: {  	v6 =	vshll.u32 @!p1 v4, $0x4  }
0x46d: {  	v4 =	vand.u32 @!p1 $0x7, v4;
	v6 =	vand.u32 @!p1 $0xFFFFFF80, v6  }
0x46e: {  	v4 =	vor.u32 @!p1 v4, v6;
	v6 =	vand.u32 @!p1 $0x3, v5;
	v5 =	vshrl.u32 @!p1 v5, $0x2  }
0x46f: {  	v4 =	vperm.xlane @!p1 v4, v6;
	v5 =	vmul.u32 @!p1 $0x8, v5;
	_ =	sdelay $0x1  }
0x470: {  	v4 =	vadd.s32 @!p1 v5, v4;
	_ =	sdelay $0x3  }
0x471: {  	s2 =	simm.s32 @!p1 $0x18A00;
	vm0 =	vmmov @!p1 $0xffff;
	s0 =	simm.s32 @!p1 $0x0  }
0x472: {  	[tilespmem:s2], [sflag:$0x5] =	stream.indirect_vreg.gather @!p1 [hbm4b:s4+s0], $0x80, v4, vm0, $0xb8;
	[tilespmem:$0x1C200] =	vst v63  }
0x473: {  	s3 =	simm.s32 @!p1 $0x19200  }
0x474: {  	[tilespmem:s3], [sflag:$0x5] =	stream.indirect_vreg.gather @!p1 [hbm4b:s23+s0], $0x80, v4, vm0, $0xb8;
	[tilespmem:$0x1C200] =	vst v63  }
0x475: {  	s8 =	simm.s32 @!p1 $0x19A00  }
0x476: {  	[tilespmem:s8], [sflag:$0x5] =	stream.indirect_vreg.gather @!p1 [hbm4b:s26+s0], $0x80, v4, vm0, $0xb8;
	[tilespmem:$0x1C200] =	vst v63  }
0x477: {  	s9 =	simm.s32 @!p1 $0x1A200;
	s10 =	simm.s32 @!p1 $0x5  }
0x478: {  	[tilespmem:s9], [sflag:$0x5] =	stream.indirect_vreg.gather @!p1 [hbm4b:s29+s0], $0x80, v4, vm0, $0xb8;
	[tilespmem:$0x1C200] =	vst v63  }
0x479: {  	_ =	swait.ge @!p1 [sflag:s10], $0x2000  }
0x47a: {  	[sflag:s10] =	ssyncset.done @!p1 $0x0  }
0x47b: {  	[sflag:s10] =	ssyncadd.s32 @!p1 $0xFFFFE000  }
0x47c: {  	v4 =	vld.msk @!p1 [tilespmem:$0x4780], $0xf;
	_ =	sdelay $0x4  }
0x47d: {  	v7 =	vshll.u32 @!p1 v4, $0x4  }
0x47e: {  	v4 =	vand.u32 @!p1 $0x7, v4;
	v7 =	vand.u32 @!p1 $0xFFFFFF80, v7  }
0x47f: {  	v4 =	vor.u32 @!p1 v4, v7  }
0x480: {  	v4 =	vperm.xlane @!p1 v4, v6;
	_ =	sdelay $0x1  }
0x481: {  	v4 =	vadd.s32 @!p1 v5, v4;
	_ =	sdelay $0x2  }
0x482: {  	s13 =	sand.u32 $0x2, s1  }
0x483: {  	p0 =	seq.s32 s13, $0x0  }
0x484: {  	[hbm4b:s5+s0] =	stream.indirect_vreg.scatter @!p1 [tilespmem:s2], [sflag:$0x5], $0x80, v4, vm0, $0xb8;
	[tilespmem:$0x1C200] =	vst v63  }
0x485: {  	s2 =	sand.u32 @!p0 $0xC, s1  }
0x486: {  	v5 =	vlaneseq.u32 @!p0;
	s11 =	sor.u32 @!p0 $0x2, s2  }
0x487: {  	v7 =	vadd.s32 @!p0 $0x1, v5;
	v6 =	vmov @!p0 s2;
	[hbm4b:s16+s0] =	stream.indirect_vreg.scatter @!p1 [tilespmem:s3], [sflag:$0x5], $0x80, v4, vm0, $0xb8;
	v8 =	vmov @!p0 s11;
	[tilespmem:$0x1C200] =	vst v63  }
0x488: {  	vm1 =	vlt.u32 @!p0 v6, v7;
	vm2 =	vgt.u32 @!p0 v8, v5  }
0x489: {  	[hbm4b:s18+s0] =	stream.indirect_vreg.scatter @!p1 [tilespmem:s8], [sflag:$0x5], $0x80, v4, vm0, $0xb8;
	vm1 =	vmand @!p0 vm1, vm2;
	[tilespmem:$0x1C200] =	vst v63  }
0x48a: {  	v6 =	vsub.s32 @!p0 v5, v6  }
0x48b: {  	[hbm4b:s20+s0] =	stream.indirect_vreg.scatter @!p1 [tilespmem:s9], [sflag:$0x5], $0x80, v4, vm0, $0xb8;
	[tilespmem:$0x1C200] =	vst v63  }
0x48c: {  	_ =	swait.ge @!p1 [sflag:s10], $0x2000  }
0x48d: {  	[sflag:s10] =	ssyncset.done @!p1 $0x0  }
0x48e: {  	s0 =	simm.s32 @!p0 $0x4800;
	[sflag:s10] =	ssyncadd.s32 @!p1 $0xFFFFE000  }
0x48f: {  	[tilespmem:v6+s0+$0x0] =	vst.idx.msk @!p0 vm1, v3;
	s0 =	simm.s32 @!p0 $0x4880  }
0x490: {  	[tilespmem:v6+s0+$0x0] =	vst.idx.msk @!p0 vm1, v2  }
0x491: {  	v4 =	vld.msk @!p0 [tilespmem:$0x4800], $0x3;
	_ =	sdelay $0x4  }
0x492: {  	v6 =	vshll.u32 @!p0 v4, $0x4  }
0x493: {  	v4 =	vand.u32 @!p0 $0x7, v4;
	v6 =	vand.u32 @!p0 $0xFFFFFF80, v6  }
0x494: {  	v4 =	vor.u32 @!p0 v4, v6;
	v6 =	vand.u32 @!p0 $0x1, v5;
	v5 =	vshrl.u32 @!p0 v5, $0x1  }
0x495: {  	v4 =	vperm.xlane @!p0 v4, v6;
	v5 =	vmul.u32 @!p0 $0x8, v5;
	_ =	sdelay $0x1  }
0x496: {  	v4 =	vadd.s32 @!p0 v5, v4;
	_ =	sdelay $0x3  }
0x497: {  	s2 =	simm.s32 @!p0 $0x1AA00;
	vm0 =	vmmov @!p0 $0xffff;
	s0 =	simm.s32 @!p0 $0x0  }
0x498: {  	[tilespmem:s2], [sflag:$0x5] =	stream.indirect_vreg.gather @!p0 [hbm4b:s4+s0], $0x80, v4, vm0, $0xb8;
	[tilespmem:$0x1C200] =	vst v63  }
0x499: {  	s3 =	simm.s32 @!p0 $0x1B200;
	s8 =	simm.s32 @!p0 $0x5  }
0x49a: {  	[tilespmem:s3], [sflag:$0x5] =	stream.indirect_vreg.gather @!p0 [hbm4b:s26+s0], $0x80, v4, vm0, $0xb8;
	[tilespmem:$0x1C200] =	vst v63  }
0x49b: {  	_ =	swait.ge @!p0 [sflag:s8], $0x1000  }
0x49c: {  	[sflag:s8] =	ssyncset.done @!p0 $0x0  }
0x49d: {  	[sflag:s8] =	ssyncadd.s32 @!p0 $0xFFFFF000  }
0x49e: {  	v4 =	vld.msk @!p0 [tilespmem:$0x4880], $0x3;
	_ =	sdelay $0x4  }
0x49f: {  	v7 =	vshll.u32 @!p0 v4, $0x4  }
0x4a0: {  	v4 =	vand.u32 @!p0 $0x7, v4;
	v7 =	vand.u32 @!p0 $0xFFFFFF80, v7  }
0x4a1: {  	v4 =	vor.u32 @!p0 v4, v7  }
0x4a2: {  	v4 =	vperm.xlane @!p0 v4, v6  }
0x4a3: {  	s14 =	sand.u32 $0x1, s1  }
0x4a4: {  	p1 =	seq.s32 s14, $0x0;
	v4 =	vadd.s32 @!p0 v5, v4  }
0x4a5: {  	s1 =	sand.u32 @!p1 $0xE, s1  }
0x4a6: {  	s9 =	sor.u32 @!p1 $0x1, s1;
	v5 =	vlaneseq.u32 @!p1  }
0x4a7: {  	v7 =	vmov @!p1 s9;
	v6 =	vmov @!p1 s1;
	v8 =	vadd.s32 @!p1 $0x1, v5  }
0x4a8: {  	vm2 =	vgt.u32 @!p1 v7, v5;
	vm1 =	vlt.u32 @!p1 v6, v8  }
0x4a9: {  	vm1 =	vmand @!p1 vm1, vm2;
	[hbm4b:s5+s0] =	stream.indirect_vreg.scatter @!p0 [tilespmem:s2], [sflag:$0x5], $0x80, v4, vm0, $0xb8;
	[tilespmem:$0x1C200] =	vst v63  }
0x4aa: {  	v6 =	vsub.s32 @!p1 v5, v6  }
0x4ab: {  	[hbm4b:s18+s0] =	stream.indirect_vreg.scatter @!p0 [tilespmem:s3], [sflag:$0x5], $0x80, v4, vm0, $0xb8;
	[tilespmem:$0x1C200] =	vst v63  }
0x4ac: {  	_ =	swait.ge @!p0 [sflag:s8], $0x1000  }
0x4ad: {  	[sflag:s8] =	ssyncset.done @!p0 $0x0  }
0x4ae: {  	s0 =	simm.s32 @!p1 $0x4900;
	[sflag:s8] =	ssyncadd.s32 @!p0 $0xFFFFF000  }
0x4af: {  	[tilespmem:v6+s0+$0x0] =	vst.idx.msk @!p1 vm1, v3;
	s0 =	simm.s32 @!p1 $0x4980  }
0x4b0: {  	[tilespmem:v6+s0+$0x0] =	vst.idx.msk @!p1 vm1, v2  }
0x4b1: {  	v2 =	vld.msk @!p1 [tilespmem:$0x4900], $0x1;
	_ =	sdelay $0x4  }
0x4b2: {  	v3 =	vshll.u32 @!p1 v2, $0x4  }
0x4b3: {  	v2 =	vand.u32 @!p1 $0x7, v2;
	v3 =	vand.u32 @!p1 $0xFFFFFF80, v3  }
0x4b4: {  	v2 =	vor.u32 @!p1 v2, v3;
	v3 =	vimm.s32 @!p1 $0x0  }
0x4b5: {  	v4 =	vmul.u32 @!p1 $0x8, v5;
	v2 =	vperm.xlane @!p1 v2, v3;
	_ =	sdelay $0x1  }
0x4b6: {  	v2 =	vadd.s32 @!p1 v4, v2;
	_ =	sdelay $0x3  }
0x4b7: {  	s1 =	simm.s32 @!p1 $0x1BA00;
	s2 =	simm.s32 @!p1 $0x5;
	vm0 =	vmmov @!p1 $0xffff;
	s0 =	simm.s32 @!p1 $0x0  }
0x4b8: {  	[tilespmem:s1], [sflag:$0x5] =	stream.indirect_vreg.gather @!p1 [hbm4b:s4+s0], $0x80, v2, vm0, $0xb8;
	[tilespmem:$0x1C200] =	vst v63  }
0x4b9: {  	_ =	swait.ge @!p1 [sflag:s2], $0x800  }
0x4ba: {  	[sflag:s2] =	ssyncset.done @!p1 $0x0  }
0x4bb: {  	[sflag:s2] =	ssyncadd.s32 @!p1 $0xFFFFF800  }
0x4bc: {  	v2 =	vld.msk @!p1 [tilespmem:$0x4980], $0x1;
	_ =	sdelay $0x4  }
0x4bd: {  	v5 =	vshll.u32 @!p1 v2, $0x4  }
0x4be: {  	v2 =	vand.u32 @!p1 $0x7, v2;
	v5 =	vand.u32 @!p1 $0xFFFFFF80, v5  }
0x4bf: {  	v2 =	vor.u32 @!p1 v2, v5  }
0x4c0: {  	v2 =	vperm.xlane @!p1 v2, v3;
	_ =	sdelay $0x1  }
0x4c1: {  	v2 =	vadd.s32 @!p1 v4, v2;
	_ =	sdelay $0x4  }
0x4c2: {  	[hbm4b:s5+s0] =	stream.indirect_vreg.scatter @!p1 [tilespmem:s1], [sflag:$0x5], $0x80, v2, vm0, $0xb8;
	[tilespmem:$0x1C200] =	vst v63  }
0x4c3: {  	_ =	swait.ge @!p1 [sflag:s2], $0x800  }
0x4c4: {  	s25 =	rddreg [dreg:$0xd]  }
0x4c5: {  	s31 =	rddreg [dreg:$0xc];
	s1 =	sadd.s32 $0x1, s25  }
0x4c6: {  	p0 =	sne.s32 s1, s31  }
.Ltmp3:
0x4c7: {  	_ = 	snop;
	(pc) =	sbr.rel @p0 .LBB2_1-.Ltmp3, $3  }
0x4c8: {  	_ =	sdelay $0x1  }
0x4c9: {  	s12 =	simm.s32 $0x4000;
	[sflag:s2] =	ssyncset.done @!p1 $0x0  }
0x4ca: {  	s13 =	simm.s32 $0x4200;
	s6 =	rddreg [dreg:$0xf];
	[sflag:s2] =	ssyncadd.s32 @!p1 $0xFFFFF800  }
0x4cb: {  	_ =	sfence.sel $0x180000  }
0x4cc: {  	[bflag:$0x0] =	sbarrier.arrive $0xFFFF  }
0x4cd: {  	_ =	strace $0x90000047  }
0x4ce: {  	s0 =	stileid.u32;
	[bflag:$0x2] =	sbarrier.arrive $0xFFFF  }
0x4cf: {  	p0 =	sne.s32 s0, $0x0;
	s0 =	rddreg [dreg:$0x4]  }
0x4d0: {  	s0 =	sadd.s32 @!p0 $0x100000, s0  }
0x4d1: {  	[sflag:s0] =	ssyncadd.tile.s32 @!p0 $0x1;
	_ =	shalt  }
.Lfunc_end2:
_tile_overlayer_lowered:
.L_overlay_start_2:
0x4d2: {  	(tag) =	ssettag $0x2  }
0x4d3: {  	s0 =	rddreg [dreg:$0x0];
	s2 =	stileid.u32  }
0x4d4: {  	s1 =	rddreg [dreg:$0x1];
	p0 =	sne.s32 s2, $0x0  }
0x4d5: {  	s3 =	rddreg [dreg:$0x2];
	[bflag:$0x3] =	sbarrier.arrive $0xFFFF;
	s2 =	simm.s32 @!p0 $0x1C06  }
0x4d6: {  	[timem:s3], [sflag:s2] =	dma.local @!p0 [hbm:s0], s1  }
0x4d7: {  	s0 =	simm.s32 @!p0 $0x6  }
0x4d8: {  	_ =	swait.ge @!p0 [sflag:s0], s1  }
0x4d9: {  	s1 =	ssub.s32 @!p0 $0x0, s1;
	[sflag:s0] =	ssyncset.done @!p0 $0x0  }
0x4da: {  	[sflag:s0] =	ssyncadd.s32 @!p0 s1  }
0x4db: {  	[bflag:$0x3] =	sbarrier.arrive $0xFFFF  }
0x4dc: {  	_ =	shalt  }

</sc_bundles>
